<compile_context>
chip_gen: v7x
topology: tpu7x:2x2x1
jax: 0.10.2.dev20260603
libtpu: 0.0.44.dev20260713+nightly
codegen_flags: <defaults>
</compile_context>

<pallas_src>
import functools

import jax
import jax.numpy as jnp
from jax import lax
from jax.experimental import pallas as pl
from jax.experimental.pallas import tpu as pltpu
from jax.experimental.pallas import tpu_sc as plsc

_LAMDA = 0.5
_NC = 2
_NS = 16
_NW = _NC * _NS
_L = 16
_IDXROW = 128
_CHUNK = 64
_NBUF = 3


@functools.partial(jax.jit, static_argnames=("batch", "dim"))
def _partial_sums(centers, target_i32, embedding, *, batch, dim):
  rows_per_w = batch // _NW
  idx_rows = rows_per_w // _IDXROW
  groups = dim // _L
  n_chunks = rows_per_w // _CHUNK
  n_rounds = (n_chunks - 2) // _NBUF
  n_epi = n_chunks - n_rounds * _NBUF
  half = _CHUNK // 2
  target_2d = target_i32.reshape(batch // _IDXROW, _IDXROW)

  mesh = plsc.VectorSubcoreMesh(
      core_axis_name="c", subcore_axis_name="s", num_cores=_NC, num_subcores=_NS
  )

  @functools.partial(
      pl.kernel,
      out_type=jax.ShapeDtypeStruct((_NW, _L), jnp.float32),
      mesh=mesh,
      scratch_types=[
          pltpu.VMEM((idx_rows, _IDXROW), jnp.int32),
          pltpu.VMEM((_NBUF, _CHUNK, dim), jnp.float32),
          pltpu.VMEM((_NBUF, _CHUNK, dim), jnp.float32),
          pltpu.VMEM((_L,), jnp.float32),
          [pltpu.SemaphoreType.DMA] * _NBUF,
          [pltpu.SemaphoreType.DMA] * _NBUF,
      ],
  )
  def k(centers_hbm, tgt_hbm, emb_hbm, out_hbm, idx_v, rows_v, emb_v, acc_v,
        gsems, esems):
    wid = lax.axis_index("s") * _NC + lax.axis_index("c")
    base = wid * rows_per_w

    def copies(kk, slot, off, sz):
      start = kk * _CHUNK + off
      row = start // _IDXROW
      col = start % _IDXROW
      g = pltpu.make_async_copy(
          centers_hbm.at[idx_v.at[row, pl.ds(col, sz)]],
          rows_v.at[slot, pl.ds(off, sz)], gsems[slot])
      e = pltpu.make_async_copy(
          emb_hbm.at[pl.ds(base + start, sz)],
          emb_v.at[slot, pl.ds(off, sz)], esems[slot])
      return (g, e)

    def issue(kk, slot, off=0, sz=_CHUNK):
      for h in copies(kk, slot, off, sz):
        h.start()

    def wait(kk, slot, off=0, sz=_CHUNK):
      for h in copies(kk, slot, off, sz):
        h.wait()

    def compute(slot, off, sz, accs):
      def row_body(r, accs):
        new = []
        for j in range(groups):
          d = emb_v[slot, r, pl.ds(j * _L, _L)] - rows_v[slot, r, pl.ds(j * _L, _L)]
          new.append(accs[j] + d * d)
        return tuple(new)

      return plsc.parallel_loop(off, off + sz, carry=accs, unroll=2)(row_body)

    pltpu.sync_copy(tgt_hbm.at[pl.ds(wid * idx_rows, idx_rows)], idx_v)
    for b in range(_NBUF):
      issue(b, b)

    accs = tuple(jnp.zeros((_L,), jnp.float32) for _ in range(groups))

    def round_body(g, accs):
      for b in range(_NBUF):
        kk = _NBUF * g + b
        wait(kk, b)
        accs = compute(b, 0, _CHUNK, accs)
        nk = kk + _NBUF

        @pl.when(nk < n_chunks - 1)
        def _():
          issue(nk, b)

        @pl.when(nk == n_chunks - 1)
        def _():
          issue(nk, b, 0, half)
          issue(nk, b, half, half)

      return accs

    accs = lax.fori_loop(0, n_rounds, round_body, accs)

    for i in range(n_epi):
      kk = n_rounds * _NBUF + i
      b = kk % _NBUF
      if i < n_epi - 1:
        wait(kk, b)
        accs = compute(b, 0, _CHUNK, accs)
      else:
        wait(kk, b, 0, half)
        accs = compute(b, 0, half, accs)
        wait(kk, b, half, half)
        accs = compute(b, half, half, accs)

    total = accs[0]
    for j in range(1, groups):
      total = total + accs[j]
    acc_v[...] = total
    pltpu.sync_copy(acc_v, out_hbm.at[wid])

  return k(centers, target_2d, embedding)


def kernel(embedding, target, centers):
  batch, dim = embedding.shape
  partials = _partial_sums(
      centers, target.astype(jnp.int32), embedding, batch=batch, dim=dim
  )
  dist = jnp.sqrt(jnp.sum(partials))
  return (_LAMDA * 0.5 / batch) * dist

# --- scband reference (transcript-rebuilt; emitter-appended) ---
"""Pipeline reference for scband-center-loss-34359738395 (READ-ONLY COPY).

The authoritative reference and input builder live on the scoring server;
editing this copy changes nothing except your own understanding.
"""

import jax, jax.numpy as jnp
import numpy as np

CLASSES = 100000
EMBED_DIM = 128
BATCH = 16384
LAMDA = 0.5


def setup_inputs(seed: int = 0) -> dict:
    key = jax.random.key(seed)
    k1, k2, k3 = jax.random.split(key, 3)
    embedding = jax.random.normal(k1, (BATCH, EMBED_DIM), dtype=jnp.float32)
    target = jax.random.randint(k2, (BATCH,), 0, CLASSES, dtype=jnp.int64)
    centers = jax.random.normal(k3, (CLASSES, EMBED_DIM), dtype=jnp.float32)
    return {"embedding": embedding, "target": target, "centers": centers}


def reference(embedding, target, centers):
    # expanded_centers = centers.index_select(0, target)
    expanded_centers = jnp.take(centers, target, axis=0)
    # embedding.dist(expanded_centers) == frobenius norm of (embedding - expanded_centers)
    diff = embedding - expanded_centers
    intra_distances = jnp.sqrt(jnp.sum(diff * diff))
    loss = LAMDA * 0.5 * intra_distances / embedding.shape[0]
    return loss

if __name__ == "__main__":
    import jax
    _d = setup_inputs()
    print(jax.jit(kernel)(*tuple(_d.values())))

</pallas_src>

<mosaic_0001>
#map = affine_map<(d0, d1) -> (0, 0)>
module attributes {stable_mosaic.version = 14 : i64} {
  func.func @k(%arg0: i32, %arg1: i32, %arg2: memref<100000x128xf32, #tpu.memory_space<hbm>>, %arg3: memref<128x128xi32, #tpu.memory_space<hbm>>, %arg4: memref<16384x128xf32, #tpu.memory_space<hbm>>, %arg5: memref<32x16xf32, #tpu.memory_space<hbm>>, %arg6: memref<4x128xi32, #tpu.memory_space<vmem>>, %arg7: memref<3x64x128xf32, #tpu.memory_space<vmem>>, %arg8: memref<3x64x128xf32, #tpu.memory_space<vmem>>, %arg9: memref<16xf32, #tpu.memory_space<vmem>>, %arg10: memref<!tpu.dma_semaphore, #tpu.memory_space<semaphore_mem>>, %arg11: memref<!tpu.dma_semaphore, #tpu.memory_space<semaphore_mem>>, %arg12: memref<!tpu.dma_semaphore, #tpu.memory_space<semaphore_mem>>, %arg13: memref<!tpu.dma_semaphore, #tpu.memory_space<semaphore_mem>>, %arg14: memref<!tpu.dma_semaphore, #tpu.memory_space<semaphore_mem>>, %arg15: memref<!tpu.dma_semaphore, #tpu.memory_space<semaphore_mem>>) attributes {dimension_semantics = [#tpu.dimension_semantics<core_parallel>, #tpu.dimension_semantics<subcore_parallel>], iteration_bounds = array<i64: 2, 16>, scalar_prefetch = 0 : i64, scratch_operands = 10 : i64, tpu.core_type = #tpu.core_type<sc_vector_subcore>, window_params = [{transform_indices = #map}, {transform_indices = #map}, {transform_indices = #map}, {transform_indices = #map}]} {
    %mul3A = arith.constant 2 : i32
    %mul3A_0 = arith.muli %arg1, %mul3A : i32
    %add3A = arith.addi %mul3A_0, %arg0 : i32
    %mul3A_1 = arith.constant 512 : i32
    %mul3A_2 = arith.muli %add3A, %mul3A_1 : i32
    %mul3A_3 = arith.constant 4 : i32
    %mul3A_4 = arith.muli %add3A, %mul3A_3 : i32
    "tpu.region"() ({
      %run_scoped3A = tpu.sem_alloc : memref<!tpu.dma_semaphore, #tpu.memory_space<semaphore_mem>>
      %dma_start3A_206 = arith.constant 0 : i32
      %dma_start3A_207 = tpu.memref_slice %arg3[%mul3A_4, %dma_start3A_206] : memref<128x128xi32, #tpu.memory_space<hbm>> -> memref<4x128xi32, #tpu.memory_space<hbm>>
      %dma_start3A_208 = arith.constant 0 : i32
      %dma_start3A_209 = tpu.memref_slice %arg3[%mul3A_4, %dma_start3A_208] : memref<128x128xi32, #tpu.memory_space<hbm>> -> memref<4x128xi32, #tpu.memory_space<hbm>>
      tpu.enqueue_dma source(%dma_start3A_209 : memref<4x128xi32, #tpu.memory_space<hbm>>) target(%arg6 : memref<4x128xi32, #tpu.memory_space<vmem>>) target_semaphore(%run_scoped3A : memref<!tpu.dma_semaphore, #tpu.memory_space<semaphore_mem>>)
      %dma_wait3A_210 = arith.constant 0 : i32
      %dma_wait3A_211 = tpu.memref_slice %arg3[%mul3A_4, %dma_wait3A_210] : memref<128x128xi32, #tpu.memory_space<hbm>> -> memref<4x128xi32, #tpu.memory_space<hbm>>
      %dma_wait3A_212 = arith.constant 0 : i32
      %dma_wait3A_213 = tpu.memref_slice %arg3[%mul3A_4, %dma_wait3A_212] : memref<128x128xi32, #tpu.memory_space<hbm>> -> memref<4x128xi32, #tpu.memory_space<hbm>>
      tpu.wait_dma2 semaphore(%run_scoped3A : memref<!tpu.dma_semaphore, #tpu.memory_space<semaphore_mem>>) src(%dma_wait3A_213 : memref<4x128xi32, #tpu.memory_space<hbm>>) dst(%arg6 : memref<4x128xi32, #tpu.memory_space<vmem>>)
      tpu.yield
    }) : () -> ()
    %add3A_5 = arith.constant 0 : i32
    %add3A_6 = arith.addi %mul3A_2, %add3A_5 : i32
    %dma_start3A = arith.constant 0 : i32
    %dma_start3A_7 = arith.constant 0 : i32
    %dma_start3A_8 = arith.constant 0 : i32
    %dma_start3A_9 = arith.constant 0 : i32
    %dma_start3A_10 = tpu.memref_slice %arg7[%dma_start3A_7, %dma_start3A_8, %dma_start3A_9] : memref<3x64x128xf32, #tpu.memory_space<vmem>> -> memref<1x64x128xf32, #tpu.memory_space<vmem>>
    %dma_start3A_11 = tpu.memref_squeeze %dma_start3A_10 : memref<1x64x128xf32, #tpu.memory_space<vmem>> -> memref<64x128xf32, #tpu.memory_space<vmem>>
    %dma_start3A_12 = arith.constant 0 : i32
    %dma_start3A_13 = tpu.memref_slice %arg6[%dma_start3A, %dma_start3A_12] : memref<4x128xi32, #tpu.memory_space<vmem>> -> memref<1x64xi32, #tpu.memory_space<vmem>>
    %dma_start3A_14 = tpu.memref_squeeze %dma_start3A_13 : memref<1x64xi32, #tpu.memory_space<vmem>> -> memref<64xi32, #tpu.memory_space<vmem>>
    %dma_start3A_15 = arith.constant 0 : i32
    %dma_start3A_16 = arith.constant 0 : i32
    %dma_start3A_17 = tpu.memref_slice %arg2[%dma_start3A_15, %dma_start3A_16] : memref<100000x128xf32, #tpu.memory_space<hbm>> -> memref<100000x128xf32, #tpu.memory_space<hbm>>
    tpu.enqueue_indirect_dma source(%dma_start3A_17 : memref<100000x128xf32, #tpu.memory_space<hbm>>) target(%dma_start3A_11 : memref<64x128xf32, #tpu.memory_space<vmem>>) offsets(%dma_start3A_14 : memref<64xi32, #tpu.memory_space<vmem>>) semaphore(%arg10 : memref<!tpu.dma_semaphore, #tpu.memory_space<semaphore_mem>>)
    %dma_start3A_18 = arith.constant 0 : i32
    %dma_start3A_19 = arith.constant 0 : i32
    %dma_start3A_20 = arith.constant 0 : i32
    %dma_start3A_21 = tpu.memref_slice %arg8[%dma_start3A_18, %dma_start3A_19, %dma_start3A_20] : memref<3x64x128xf32, #tpu.memory_space<vmem>> -> memref<1x64x128xf32, #tpu.memory_space<vmem>>
    %dma_start3A_22 = tpu.memref_squeeze %dma_start3A_21 : memref<1x64x128xf32, #tpu.memory_space<vmem>> -> memref<64x128xf32, #tpu.memory_space<vmem>>
    %dma_start3A_23 = arith.constant 0 : i32
    %dma_start3A_24 = tpu.memref_slice %arg4[%add3A_6, %dma_start3A_23] : memref<16384x128xf32, #tpu.memory_space<hbm>> -> memref<64x128xf32, #tpu.memory_space<hbm>>
    %dma_start3A_25 = arith.constant 0 : i32
    %dma_start3A_26 = arith.constant 0 : i32
    %dma_start3A_27 = tpu.memref_slice %arg8[%dma_start3A_18, %dma_start3A_25, %dma_start3A_26] : memref<3x64x128xf32, #tpu.memory_space<vmem>> -> memref<1x64x128xf32, #tpu.memory_space<vmem>>
    %dma_start3A_28 = tpu.memref_squeeze %dma_start3A_27 : memref<1x64x128xf32, #tpu.memory_space<vmem>> -> memref<64x128xf32, #tpu.memory_space<vmem>>
    %dma_start3A_29 = arith.constant 0 : i32
    %dma_start3A_30 = tpu.memref_slice %arg4[%add3A_6, %dma_start3A_29] : memref<16384x128xf32, #tpu.memory_space<hbm>> -> memref<64x128xf32, #tpu.memory_space<hbm>>
    tpu.enqueue_dma source(%dma_start3A_30 : memref<64x128xf32, #tpu.memory_space<hbm>>) target(%dma_start3A_28 : memref<64x128xf32, #tpu.memory_space<vmem>>) target_semaphore(%arg13 : memref<!tpu.dma_semaphore, #tpu.memory_space<semaphore_mem>>)
    %add3A_31 = arith.constant 64 : i32
    %add3A_32 = arith.addi %mul3A_2, %add3A_31 : i32
    %dma_start3A_33 = arith.constant 0 : i32
    %dma_start3A_34 = arith.constant 1 : i32
    %dma_start3A_35 = arith.constant 0 : i32
    %dma_start3A_36 = arith.constant 0 : i32
    %dma_start3A_37 = tpu.memref_slice %arg7[%dma_start3A_34, %dma_start3A_35, %dma_start3A_36] : memref<3x64x128xf32, #tpu.memory_space<vmem>> -> memref<1x64x128xf32, #tpu.memory_space<vmem>>
    %dma_start3A_38 = tpu.memref_squeeze %dma_start3A_37 : memref<1x64x128xf32, #tpu.memory_space<vmem>> -> memref<64x128xf32, #tpu.memory_space<vmem>>
    %dma_start3A_39 = arith.constant 64 : i32
    %dma_start3A_40 = tpu.memref_slice %arg6[%dma_start3A_33, %dma_start3A_39] : memref<4x128xi32, #tpu.memory_space<vmem>> -> memref<1x64xi32, #tpu.memory_space<vmem>>
    %dma_start3A_41 = tpu.memref_squeeze %dma_start3A_40 : memref<1x64xi32, #tpu.memory_space<vmem>> -> memref<64xi32, #tpu.memory_space<vmem>>
    %dma_start3A_42 = arith.constant 0 : i32
    %dma_start3A_43 = arith.constant 0 : i32
    %dma_start3A_44 = tpu.memref_slice %arg2[%dma_start3A_42, %dma_start3A_43] : memref<100000x128xf32, #tpu.memory_space<hbm>> -> memref<100000x128xf32, #tpu.memory_space<hbm>>
    tpu.enqueue_indirect_dma source(%dma_start3A_44 : memref<100000x128xf32, #tpu.memory_space<hbm>>) target(%dma_start3A_38 : memref<64x128xf32, #tpu.memory_space<vmem>>) offsets(%dma_start3A_41 : memref<64xi32, #tpu.memory_space<vmem>>) semaphore(%arg11 : memref<!tpu.dma_semaphore, #tpu.memory_space<semaphore_mem>>)
    %dma_start3A_45 = arith.constant 1 : i32
    %dma_start3A_46 = arith.constant 0 : i32
    %dma_start3A_47 = arith.constant 0 : i32
    %dma_start3A_48 = tpu.memref_slice %arg8[%dma_start3A_45, %dma_start3A_46, %dma_start3A_47] : memref<3x64x128xf32, #tpu.memory_space<vmem>> -> memref<1x64x128xf32, #tpu.memory_space<vmem>>
    %dma_start3A_49 = tpu.memref_squeeze %dma_start3A_48 : memref<1x64x128xf32, #tpu.memory_space<vmem>> -> memref<64x128xf32, #tpu.memory_space<vmem>>
    %dma_start3A_50 = arith.constant 0 : i32
    %dma_start3A_51 = tpu.memref_slice %arg4[%add3A_32, %dma_start3A_50] : memref<16384x128xf32, #tpu.memory_space<hbm>> -> memref<64x128xf32, #tpu.memory_space<hbm>>
    %dma_start3A_52 = arith.constant 0 : i32
    %dma_start3A_53 = arith.constant 0 : i32
    %dma_start3A_54 = tpu.memref_slice %arg8[%dma_start3A_45, %dma_start3A_52, %dma_start3A_53] : memref<3x64x128xf32, #tpu.memory_space<vmem>> -> memref<1x64x128xf32, #tpu.memory_space<vmem>>
    %dma_start3A_55 = tpu.memref_squeeze %dma_start3A_54 : memref<1x64x128xf32, #tpu.memory_space<vmem>> -> memref<64x128xf32, #tpu.memory_space<vmem>>
    %dma_start3A_56 = arith.constant 0 : i32
    %dma_start3A_57 = tpu.memref_slice %arg4[%add3A_32, %dma_start3A_56] : memref<16384x128xf32, #tpu.memory_space<hbm>> -> memref<64x128xf32, #tpu.memory_space<hbm>>
    tpu.enqueue_dma source(%dma_start3A_57 : memref<64x128xf32, #tpu.memory_space<hbm>>) target(%dma_start3A_55 : memref<64x128xf32, #tpu.memory_space<vmem>>) target_semaphore(%arg14 : memref<!tpu.dma_semaphore, #tpu.memory_space<semaphore_mem>>)
    %add3A_58 = arith.constant 128 : i32
    %add3A_59 = arith.addi %mul3A_2, %add3A_58 : i32
    %dma_start3A_60 = arith.constant 1 : i32
    %dma_start3A_61 = arith.constant 2 : i32
    %dma_start3A_62 = arith.constant 0 : i32
    %dma_start3A_63 = arith.constant 0 : i32
    %dma_start3A_64 = tpu.memref_slice %arg7[%dma_start3A_61, %dma_start3A_62, %dma_start3A_63] : memref<3x64x128xf32, #tpu.memory_space<vmem>> -> memref<1x64x128xf32, #tpu.memory_space<vmem>>
    %dma_start3A_65 = tpu.memref_squeeze %dma_start3A_64 : memref<1x64x128xf32, #tpu.memory_space<vmem>> -> memref<64x128xf32, #tpu.memory_space<vmem>>
    %dma_start3A_66 = arith.constant 0 : i32
    %dma_start3A_67 = tpu.memref_slice %arg6[%dma_start3A_60, %dma_start3A_66] : memref<4x128xi32, #tpu.memory_space<vmem>> -> memref<1x64xi32, #tpu.memory_space<vmem>>
    %dma_start3A_68 = tpu.memref_squeeze %dma_start3A_67 : memref<1x64xi32, #tpu.memory_space<vmem>> -> memref<64xi32, #tpu.memory_space<vmem>>
    %dma_start3A_69 = arith.constant 0 : i32
    %dma_start3A_70 = arith.constant 0 : i32
    %dma_start3A_71 = tpu.memref_slice %arg2[%dma_start3A_69, %dma_start3A_70] : memref<100000x128xf32, #tpu.memory_space<hbm>> -> memref<100000x128xf32, #tpu.memory_space<hbm>>
    tpu.enqueue_indirect_dma source(%dma_start3A_71 : memref<100000x128xf32, #tpu.memory_space<hbm>>) target(%dma_start3A_65 : memref<64x128xf32, #tpu.memory_space<vmem>>) offsets(%dma_start3A_68 : memref<64xi32, #tpu.memory_space<vmem>>) semaphore(%arg12 : memref<!tpu.dma_semaphore, #tpu.memory_space<semaphore_mem>>)
    %dma_start3A_72 = arith.constant 2 : i32
    %dma_start3A_73 = arith.constant 0 : i32
    %dma_start3A_74 = arith.constant 0 : i32
    %dma_start3A_75 = tpu.memref_slice %arg8[%dma_start3A_72, %dma_start3A_73, %dma_start3A_74] : memref<3x64x128xf32, #tpu.memory_space<vmem>> -> memref<1x64x128xf32, #tpu.memory_space<vmem>>
    %dma_start3A_76 = tpu.memref_squeeze %dma_start3A_75 : memref<1x64x128xf32, #tpu.memory_space<vmem>> -> memref<64x128xf32, #tpu.memory_space<vmem>>
    %dma_start3A_77 = arith.constant 0 : i32
    %dma_start3A_78 = tpu.memref_slice %arg4[%add3A_59, %dma_start3A_77] : memref<16384x128xf32, #tpu.memory_space<hbm>> -> memref<64x128xf32, #tpu.memory_space<hbm>>
    %dma_start3A_79 = arith.constant 0 : i32
    %dma_start3A_80 = arith.constant 0 : i32
    %dma_start3A_81 = tpu.memref_slice %arg8[%dma_start3A_72, %dma_start3A_79, %dma_start3A_80] : memref<3x64x128xf32, #tpu.memory_space<vmem>> -> memref<1x64x128xf32, #tpu.memory_space<vmem>>
    %dma_start3A_82 = tpu.memref_squeeze %dma_start3A_81 : memref<1x64x128xf32, #tpu.memory_space<vmem>> -> memref<64x128xf32, #tpu.memory_space<vmem>>
    %dma_start3A_83 = arith.constant 0 : i32
    %dma_start3A_84 = tpu.memref_slice %arg4[%add3A_59, %dma_start3A_83] : memref<16384x128xf32, #tpu.memory_space<hbm>> -> memref<64x128xf32, #tpu.memory_space<hbm>>
    tpu.enqueue_dma source(%dma_start3A_84 : memref<64x128xf32, #tpu.memory_space<hbm>>) target(%dma_start3A_82 : memref<64x128xf32, #tpu.memory_space<vmem>>) target_semaphore(%arg15 : memref<!tpu.dma_semaphore, #tpu.memory_space<semaphore_mem>>)
    %broadcast_in_dim3A = arith.constant 0.000000e+00 : f32
    %broadcast_in_dim3A_85 = vector.broadcast %broadcast_in_dim3A : f32 to vector<16xf32>
    %broadcast_in_dim3A_86 = arith.constant 0.000000e+00 : f32
    %broadcast_in_dim3A_87 = vector.broadcast %broadcast_in_dim3A_86 : f32 to vector<16xf32>
    %broadcast_in_dim3A_88 = arith.constant 0.000000e+00 : f32
    %broadcast_in_dim3A_89 = vector.broadcast %broadcast_in_dim3A_88 : f32 to vector<16xf32>
    %broadcast_in_dim3A_90 = arith.constant 0.000000e+00 : f32
    %broadcast_in_dim3A_91 = vector.broadcast %broadcast_in_dim3A_90 : f32 to vector<16xf32>
    %broadcast_in_dim3A_92 = arith.constant 0.000000e+00 : f32
    %broadcast_in_dim3A_93 = vector.broadcast %broadcast_in_dim3A_92 : f32 to vector<16xf32>
    %broadcast_in_dim3A_94 = arith.constant 0.000000e+00 : f32
    %broadcast_in_dim3A_95 = vector.broadcast %broadcast_in_dim3A_94 : f32 to vector<16xf32>
    %broadcast_in_dim3A_96 = arith.constant 0.000000e+00 : f32
    %broadcast_in_dim3A_97 = vector.broadcast %broadcast_in_dim3A_96 : f32 to vector<16xf32>
    %broadcast_in_dim3A_98 = arith.constant 0.000000e+00 : f32
    %broadcast_in_dim3A_99 = vector.broadcast %broadcast_in_dim3A_98 : f32 to vector<16xf32>
    %scan3A = arith.constant 0 : i32
    %scan3A_100 = arith.constant 2 : i32
    %scan3A_101 = arith.addi %scan3A, %scan3A_100 : i32
    %scan3A_102 = arith.constant 1 : i32
    %scan3A_103:8 = scf.for %scan3A_206 = %scan3A to %scan3A_101 step %scan3A_102 iter_args(%scan3A_207 = %broadcast_in_dim3A_85, %scan3A_208 = %broadcast_in_dim3A_87, %scan3A_209 = %broadcast_in_dim3A_89, %scan3A_210 = %broadcast_in_dim3A_91, %scan3A_211 = %broadcast_in_dim3A_93, %scan3A_212 = %broadcast_in_dim3A_95, %scan3A_213 = %broadcast_in_dim3A_97, %scan3A_214 = %broadcast_in_dim3A_99) -> (vector<16xf32>, vector<16xf32>, vector<16xf32>, vector<16xf32>, vector<16xf32>, vector<16xf32>, vector<16xf32>, vector<16xf32>)  : i32 {
      %mul3A_215 = arith.constant 3 : i32
      %mul3A_216 = arith.muli %mul3A_215, %scan3A_206 : i32
      %add3A_217 = arith.constant 0 : i32
      %add3A_218 = arith.addi %mul3A_216, %add3A_217 : i32
      %mul3A_219 = arith.constant 64 : i32
      %mul3A_220 = arith.muli %add3A_218, %mul3A_219 : i32
      %add3A_221 = arith.constant 0 : i32
      %add3A_222 = arith.addi %mul3A_220, %add3A_221 : i32
      %jit3A = arith.constant 128 : i32
      %div3A = arith.divsi %add3A_222, %jit3A : i32
      %sign3A = arith.constant 0 : i32
      %sign3A_223 = arith.cmpi sgt, %add3A_222, %sign3A : i32
      %sign3A_224 = arith.extui %sign3A_223 : i1 to i32
      %sign3A_225 = arith.constant 0 : i32
      %sign3A_226 = arith.cmpi slt, %add3A_222, %sign3A_225 : i32
      %sign3A_227 = arith.extui %sign3A_226 : i1 to i32
      %sign3A_228 = arith.subi %sign3A_224, %sign3A_227 : i32
      %sign3A_229 = arith.constant 0 : i32
      %sign3A_230 = arith.cmpi sgt, %jit3A, %sign3A_229 : i32
      %sign3A_231 = arith.extui %sign3A_230 : i1 to i32
      %sign3A_232 = arith.constant 0 : i32
      %sign3A_233 = arith.cmpi slt, %jit3A, %sign3A_232 : i32
      %sign3A_234 = arith.extui %sign3A_233 : i1 to i32
      %sign3A_235 = arith.subi %sign3A_231, %sign3A_234 : i32
      %ne3A = arith.cmpi ne, %sign3A_228, %sign3A_235 : i32
      %rem3A = arith.remsi %add3A_222, %jit3A : i32
      %ne3A_236 = arith.constant 0 : i32
      %ne3A_237 = arith.cmpi ne, %rem3A, %ne3A_236 : i32
      %and3A = arith.andi %ne3A, %ne3A_237 : i1
      %sub3A = arith.constant 1 : i32
      %sub3A_238 = arith.subi %div3A, %sub3A : i32
      %select_n3A = arith.select %and3A, %sub3A_238, %div3A : i32
      %jit3A_239 = arith.constant 128 : i32
      %eq3A = arith.constant 0 : i32
      %eq3A_240 = arith.cmpi eq, %jit3A_239, %eq3A : i32
      %jit3A_241 = arith.constant 1 : i32
      %select_n3A_242 = arith.select %eq3A_240, %jit3A_241, %jit3A_239 : i32
      %rem3A_243 = arith.remsi %add3A_222, %select_n3A_242 : i32
      %ne3A_244 = arith.constant 0 : i32
      %ne3A_245 = arith.cmpi ne, %rem3A_243, %ne3A_244 : i32
      %lt3A = arith.constant 0 : i32
      %lt3A_246 = arith.cmpi slt, %rem3A_243, %lt3A : i32
      %lt3A_247 = arith.constant 0 : i32
      %lt3A_248 = arith.cmpi slt, %select_n3A_242, %lt3A_247 : i32
      %ne3A_249 = arith.xori %lt3A_246, %lt3A_248 : i1
      %and3A_250 = arith.andi %ne3A_249, %ne3A_245 : i1
      %add3A_251 = arith.addi %rem3A_243, %select_n3A_242 : i32
      %select_n3A_252 = arith.select %and3A_250, %add3A_251, %rem3A_243 : i32
      %add3A_253 = arith.addi %mul3A_2, %add3A_222 : i32
      %dma_wait3A_254 = arith.constant 0 : i32
      %dma_wait3A_255 = arith.constant 0 : i32
      %dma_wait3A_256 = arith.constant 0 : i32
      %dma_wait3A_257 = tpu.memref_slice %arg7[%dma_wait3A_254, %dma_wait3A_255, %dma_wait3A_256] : memref<3x64x128xf32, #tpu.memory_space<vmem>> -> memref<1x64x128xf32, #tpu.memory_space<vmem>>
      %dma_wait3A_258 = tpu.memref_squeeze %dma_wait3A_257 : memref<1x64x128xf32, #tpu.memory_space<vmem>> -> memref<64x128xf32, #tpu.memory_space<vmem>>
      %dma_wait3A_259 = tpu.memref_slice %arg6[%select_n3A, %select_n3A_252] : memref<4x128xi32, #tpu.memory_space<vmem>> -> memref<1x64xi32, #tpu.memory_space<vmem>>
      %dma_wait3A_260 = tpu.memref_squeeze %dma_wait3A_259 : memref<1x64xi32, #tpu.memory_space<vmem>> -> memref<64xi32, #tpu.memory_space<vmem>>
      %dma_wait3A_261 = arith.constant 0 : i32
      %dma_wait3A_262 = arith.constant 0 : i32
      %dma_wait3A_263 = tpu.memref_slice %arg2[%dma_wait3A_261, %dma_wait3A_262] : memref<100000x128xf32, #tpu.memory_space<hbm>> -> memref<100000x128xf32, #tpu.memory_space<hbm>>
      tpu.wait_indirect_dma semaphore(%arg10 : memref<!tpu.dma_semaphore, #tpu.memory_space<semaphore_mem>>) src(%dma_wait3A_263 : memref<100000x128xf32, #tpu.memory_space<hbm>>) dst(%dma_wait3A_258 : memref<64x128xf32, #tpu.memory_space<vmem>>)
      %dma_wait3A_264 = arith.constant 0 : i32
      %dma_wait3A_265 = arith.constant 0 : i32
      %dma_wait3A_266 = arith.constant 0 : i32
      %dma_wait3A_267 = tpu.memref_slice %arg8[%dma_wait3A_264, %dma_wait3A_265, %dma_wait3A_266] : memref<3x64x128xf32, #tpu.memory_space<vmem>> -> memref<1x64x128xf32, #tpu.memory_space<vmem>>
      %dma_wait3A_268 = tpu.memref_squeeze %dma_wait3A_267 : memref<1x64x128xf32, #tpu.memory_space<vmem>> -> memref<64x128xf32, #tpu.memory_space<vmem>>
      %dma_wait3A_269 = arith.constant 0 : i32
      %dma_wait3A_270 = tpu.memref_slice %arg4[%add3A_253, %dma_wait3A_269] : memref<16384x128xf32, #tpu.memory_space<hbm>> -> memref<64x128xf32, #tpu.memory_space<hbm>>
      %dma_wait3A_271 = arith.constant 0 : i32
      %dma_wait3A_272 = arith.constant 0 : i32
      %dma_wait3A_273 = tpu.memref_slice %arg8[%dma_wait3A_264, %dma_wait3A_271, %dma_wait3A_272] : memref<3x64x128xf32, #tpu.memory_space<vmem>> -> memref<1x64x128xf32, #tpu.memory_space<vmem>>
      %dma_wait3A_274 = tpu.memref_squeeze %dma_wait3A_273 : memref<1x64x128xf32, #tpu.memory_space<vmem>> -> memref<64x128xf32, #tpu.memory_space<vmem>>
      %dma_wait3A_275 = arith.constant 0 : i32
      %dma_wait3A_276 = tpu.memref_slice %arg4[%add3A_253, %dma_wait3A_275] : memref<16384x128xf32, #tpu.memory_space<hbm>> -> memref<64x128xf32, #tpu.memory_space<hbm>>
      tpu.wait_dma2 semaphore(%arg13 : memref<!tpu.dma_semaphore, #tpu.memory_space<semaphore_mem>>) src(%dma_wait3A_276 : memref<64x128xf32, #tpu.memory_space<hbm>>) dst(%dma_wait3A_274 : memref<64x128xf32, #tpu.memory_space<vmem>>)
      %parallel_loop3A_277 = arith.constant 0 : i32
      %parallel_loop3A_278 = arith.constant 64 : i32
      %parallel_loop3A_279 = arith.constant 1 : i32
      %parallel_loop3A_280:8 = scf.for %parallel_loop3A_467 = %parallel_loop3A_277 to %parallel_loop3A_278 step %parallel_loop3A_279 iter_args(%parallel_loop3A_468 = %scan3A_207, %parallel_loop3A_469 = %scan3A_208, %parallel_loop3A_470 = %scan3A_209, %parallel_loop3A_471 = %scan3A_210, %parallel_loop3A_472 = %scan3A_211, %parallel_loop3A_473 = %scan3A_212, %parallel_loop3A_474 = %scan3A_213, %parallel_loop3A_475 = %scan3A_214) -> (vector<16xf32>, vector<16xf32>, vector<16xf32>, vector<16xf32>, vector<16xf32>, vector<16xf32>, vector<16xf32>, vector<16xf32>)  : i32 {
        %parallel_loop3A_476 = arith.constant 0 : i32
        %parallel_loop3A_477 = arith.index_cast %parallel_loop3A_476 : i32 to index
        %parallel_loop3A_478 = arith.index_cast %parallel_loop3A_467 : i32 to index
        %parallel_loop3A_479 = arith.constant 0 : index
        %parallel_loop3A_480 = tpu.vector_load %arg8[%parallel_loop3A_477, %parallel_loop3A_478, %parallel_loop3A_479] {strides = array<i32>} : memref<3x64x128xf32, #tpu.memory_space<vmem>>, vector<1x1x16xf32>,
        %parallel_loop3A_481 = vector.shape_cast %parallel_loop3A_480 : vector<1x1x16xf32> to vector<16xf32>
        %parallel_loop3A_482 = arith.constant 0 : i32
        %parallel_loop3A_483 = arith.index_cast %parallel_loop3A_482 : i32 to index
        %parallel_loop3A_484 = arith.index_cast %parallel_loop3A_467 : i32 to index
        %parallel_loop3A_485 = arith.constant 0 : index
        %parallel_loop3A_486 = tpu.vector_load %arg7[%parallel_loop3A_483, %parallel_loop3A_484, %parallel_loop3A_485] {strides = array<i32>} : memref<3x64x128xf32, #tpu.memory_space<vmem>>, vector<1x1x16xf32>,
        %parallel_loop3A_487 = vector.shape_cast %parallel_loop3A_486 : vector<1x1x16xf32> to vector<16xf32>
        %parallel_loop3A_488 = arith.subf %parallel_loop3A_481, %parallel_loop3A_487 : vector<16xf32>
        %parallel_loop3A_489 = arith.mulf %parallel_loop3A_488, %parallel_loop3A_488 : vector<16xf32>
        %parallel_loop3A_490 = arith.addf %parallel_loop3A_468, %parallel_loop3A_489 : vector<16xf32>
        %parallel_loop3A_491 = arith.constant 0 : i32
        %parallel_loop3A_492 = arith.index_cast %parallel_loop3A_491 : i32 to index
        %parallel_loop3A_493 = arith.index_cast %parallel_loop3A_467 : i32 to index
        %parallel_loop3A_494 = arith.constant 16 : index
        %parallel_loop3A_495 = tpu.vector_load %arg8[%parallel_loop3A_492, %parallel_loop3A_493, %parallel_loop3A_494] {strides = array<i32>} : memref<3x64x128xf32, #tpu.memory_space<vmem>>, vector<1x1x16xf32>,
        %parallel_loop3A_496 = vector.shape_cast %parallel_loop3A_495 : vector<1x1x16xf32> to vector<16xf32>
        %parallel_loop3A_497 = arith.constant 0 : i32
        %parallel_loop3A_498 = arith.index_cast %parallel_loop3A_497 : i32 to index
        %parallel_loop3A_499 = arith.index_cast %parallel_loop3A_467 : i32 to index
        %parallel_loop3A_500 = arith.constant 16 : index
        %parallel_loop3A_501 = tpu.vector_load %arg7[%parallel_loop3A_498, %parallel_loop3A_499, %parallel_loop3A_500] {strides = array<i32>} : memref<3x64x128xf32, #tpu.memory_space<vmem>>, vector<1x1x16xf32>,
        %parallel_loop3A_502 = vector.shape_cast %parallel_loop3A_501 : vector<1x1x16xf32> to vector<16xf32>
        %parallel_loop3A_503 = arith.subf %parallel_loop3A_496, %parallel_loop3A_502 : vector<16xf32>
        %parallel_loop3A_504 = arith.mulf %parallel_loop3A_503, %parallel_loop3A_503 : vector<16xf32>
        %parallel_loop3A_505 = arith.addf %parallel_loop3A_469, %parallel_loop3A_504 : vector<16xf32>
        %parallel_loop3A_506 = arith.constant 0 : i32
        %parallel_loop3A_507 = arith.index_cast %parallel_loop3A_506 : i32 to index
        %parallel_loop3A_508 = arith.index_cast %parallel_loop3A_467 : i32 to index
        %parallel_loop3A_509 = arith.constant 32 : index
        %parallel_loop3A_510 = tpu.vector_load %arg8[%parallel_loop3A_507, %parallel_loop3A_508, %parallel_loop3A_509] {strides = array<i32>} : memref<3x64x128xf32, #tpu.memory_space<vmem>>, vector<1x1x16xf32>,
        %parallel_loop3A_511 = vector.shape_cast %parallel_loop3A_510 : vector<1x1x16xf32> to vector<16xf32>
        %parallel_loop3A_512 = arith.constant 0 : i32
        %parallel_loop3A_513 = arith.index_cast %parallel_loop3A_512 : i32 to index
        %parallel_loop3A_514 = arith.index_cast %parallel_loop3A_467 : i32 to index
        %parallel_loop3A_515 = arith.constant 32 : index
        %parallel_loop3A_516 = tpu.vector_load %arg7[%parallel_loop3A_513, %parallel_loop3A_514, %parallel_loop3A_515] {strides = array<i32>} : memref<3x64x128xf32, #tpu.memory_space<vmem>>, vector<1x1x16xf32>,
        %parallel_loop3A_517 = vector.shape_cast %parallel_loop3A_516 : vector<1x1x16xf32> to vector<16xf32>
        %parallel_loop3A_518 = arith.subf %parallel_loop3A_511, %parallel_loop3A_517 : vector<16xf32>
        %parallel_loop3A_519 = arith.mulf %parallel_loop3A_518, %parallel_loop3A_518 : vector<16xf32>
        %parallel_loop3A_520 = arith.addf %parallel_loop3A_470, %parallel_loop3A_519 : vector<16xf32>
        %parallel_loop3A_521 = arith.constant 0 : i32
        %parallel_loop3A_522 = arith.index_cast %parallel_loop3A_521 : i32 to index
        %parallel_loop3A_523 = arith.index_cast %parallel_loop3A_467 : i32 to index
        %parallel_loop3A_524 = arith.constant 48 : index
        %parallel_loop3A_525 = tpu.vector_load %arg8[%parallel_loop3A_522, %parallel_loop3A_523, %parallel_loop3A_524] {strides = array<i32>} : memref<3x64x128xf32, #tpu.memory_space<vmem>>, vector<1x1x16xf32>,
        %parallel_loop3A_526 = vector.shape_cast %parallel_loop3A_525 : vector<1x1x16xf32> to vector<16xf32>
        %parallel_loop3A_527 = arith.constant 0 : i32
        %parallel_loop3A_528 = arith.index_cast %parallel_loop3A_527 : i32 to index
        %parallel_loop3A_529 = arith.index_cast %parallel_loop3A_467 : i32 to index
        %parallel_loop3A_530 = arith.constant 48 : index
        %parallel_loop3A_531 = tpu.vector_load %arg7[%parallel_loop3A_528, %parallel_loop3A_529, %parallel_loop3A_530] {strides = array<i32>} : memref<3x64x128xf32, #tpu.memory_space<vmem>>, vector<1x1x16xf32>,
        %parallel_loop3A_532 = vector.shape_cast %parallel_loop3A_531 : vector<1x1x16xf32> to vector<16xf32>
        %parallel_loop3A_533 = arith.subf %parallel_loop3A_526, %parallel_loop3A_532 : vector<16xf32>
        %parallel_loop3A_534 = arith.mulf %parallel_loop3A_533, %parallel_loop3A_533 : vector<16xf32>
        %parallel_loop3A_535 = arith.addf %parallel_loop3A_471, %parallel_loop3A_534 : vector<16xf32>
        %parallel_loop3A_536 = arith.constant 0 : i32
        %parallel_loop3A_537 = arith.index_cast %parallel_loop3A_536 : i32 to index
        %parallel_loop3A_538 = arith.index_cast %parallel_loop3A_467 : i32 to index
        %parallel_loop3A_539 = arith.constant 64 : index
        %parallel_loop3A_540 = tpu.vector_load %arg8[%parallel_loop3A_537, %parallel_loop3A_538, %parallel_loop3A_539] {strides = array<i32>} : memref<3x64x128xf32, #tpu.memory_space<vmem>>, vector<1x1x16xf32>,
        %parallel_loop3A_541 = vector.shape_cast %parallel_loop3A_540 : vector<1x1x16xf32> to vector<16xf32>
        %parallel_loop3A_542 = arith.constant 0 : i32
        %parallel_loop3A_543 = arith.index_cast %parallel_loop3A_542 : i32 to index
        %parallel_loop3A_544 = arith.index_cast %parallel_loop3A_467 : i32 to index
        %parallel_loop3A_545 = arith.constant 64 : index
        %parallel_loop3A_546 = tpu.vector_load %arg7[%parallel_loop3A_543, %parallel_loop3A_544, %parallel_loop3A_545] {strides = array<i32>} : memref<3x64x128xf32, #tpu.memory_space<vmem>>, vector<1x1x16xf32>,
        %parallel_loop3A_547 = vector.shape_cast %parallel_loop3A_546 : vector<1x1x16xf32> to vector<16xf32>
        %parallel_loop3A_548 = arith.subf %parallel_loop3A_541, %parallel_loop3A_547 : vector<16xf32>
        %parallel_loop3A_549 = arith.mulf %parallel_loop3A_548, %parallel_loop3A_548 : vector<16xf32>
        %parallel_loop3A_550 = arith.addf %parallel_loop3A_472, %parallel_loop3A_549 : vector<16xf32>
        %parallel_loop3A_551 = arith.constant 0 : i32
        %parallel_loop3A_552 = arith.index_cast %parallel_loop3A_551 : i32 to index
        %parallel_loop3A_553 = arith.index_cast %parallel_loop3A_467 : i32 to index
        %parallel_loop3A_554 = arith.constant 80 : index
        %parallel_loop3A_555 = tpu.vector_load %arg8[%parallel_loop3A_552, %parallel_loop3A_553, %parallel_loop3A_554] {strides = array<i32>} : memref<3x64x128xf32, #tpu.memory_space<vmem>>, vector<1x1x16xf32>,
        %parallel_loop3A_556 = vector.shape_cast %parallel_loop3A_555 : vector<1x1x16xf32> to vector<16xf32>
        %parallel_loop3A_557 = arith.constant 0 : i32
        %parallel_loop3A_558 = arith.index_cast %parallel_loop3A_557 : i32 to index
        %parallel_loop3A_559 = arith.index_cast %parallel_loop3A_467 : i32 to index
        %parallel_loop3A_560 = arith.constant 80 : index
        %parallel_loop3A_561 = tpu.vector_load %arg7[%parallel_loop3A_558, %parallel_loop3A_559, %parallel_loop3A_560] {strides = array<i32>} : memref<3x64x128xf32, #tpu.memory_space<vmem>>, vector<1x1x16xf32>,
        %parallel_loop3A_562 = vector.shape_cast %parallel_loop3A_561 : vector<1x1x16xf32> to vector<16xf32>
        %parallel_loop3A_563 = arith.subf %parallel_loop3A_556, %parallel_loop3A_562 : vector<16xf32>
        %parallel_loop3A_564 = arith.mulf %parallel_loop3A_563, %parallel_loop3A_563 : vector<16xf32>
        %parallel_loop3A_565 = arith.addf %parallel_loop3A_473, %parallel_loop3A_564 : vector<16xf32>
        %parallel_loop3A_566 = arith.constant 0 : i32
        %parallel_loop3A_567 = arith.index_cast %parallel_loop3A_566 : i32 to index
        %parallel_loop3A_568 = arith.index_cast %parallel_loop3A_467 : i32 to index
        %parallel_loop3A_569 = arith.constant 96 : index
        %parallel_loop3A_570 = tpu.vector_load %arg8[%parallel_loop3A_567, %parallel_loop3A_568, %parallel_loop3A_569] {strides = array<i32>} : memref<3x64x128xf32, #tpu.memory_space<vmem>>, vector<1x1x16xf32>,
        %parallel_loop3A_571 = vector.shape_cast %parallel_loop3A_570 : vector<1x1x16xf32> to vector<16xf32>
        %parallel_loop3A_572 = arith.constant 0 : i32
        %parallel_loop3A_573 = arith.index_cast %parallel_loop3A_572 : i32 to index
        %parallel_loop3A_574 = arith.index_cast %parallel_loop3A_467 : i32 to index
        %parallel_loop3A_575 = arith.constant 96 : index
        %parallel_loop3A_576 = tpu.vector_load %arg7[%parallel_loop3A_573, %parallel_loop3A_574, %parallel_loop3A_575] {strides = array<i32>} : memref<3x64x128xf32, #tpu.memory_space<vmem>>, vector<1x1x16xf32>,
        %parallel_loop3A_577 = vector.shape_cast %parallel_loop3A_576 : vector<1x1x16xf32> to vector<16xf32>
        %parallel_loop3A_578 = arith.subf %parallel_loop3A_571, %parallel_loop3A_577 : vector<16xf32>
        %parallel_loop3A_579 = arith.mulf %parallel_loop3A_578, %parallel_loop3A_578 : vector<16xf32>
        %parallel_loop3A_580 = arith.addf %parallel_loop3A_474, %parallel_loop3A_579 : vector<16xf32>
        %parallel_loop3A_581 = arith.constant 0 : i32
        %parallel_loop3A_582 = arith.index_cast %parallel_loop3A_581 : i32 to index
        %parallel_loop3A_583 = arith.index_cast %parallel_loop3A_467 : i32 to index
        %parallel_loop3A_584 = arith.constant 112 : index
        %parallel_loop3A_585 = tpu.vector_load %arg8[%parallel_loop3A_582, %parallel_loop3A_583, %parallel_loop3A_584] {strides = array<i32>} : memref<3x64x128xf32, #tpu.memory_space<vmem>>, vector<1x1x16xf32>,
        %parallel_loop3A_586 = vector.shape_cast %parallel_loop3A_585 : vector<1x1x16xf32> to vector<16xf32>
        %parallel_loop3A_587 = arith.constant 0 : i32
        %parallel_loop3A_588 = arith.index_cast %parallel_loop3A_587 : i32 to index
        %parallel_loop3A_589 = arith.index_cast %parallel_loop3A_467 : i32 to index
        %parallel_loop3A_590 = arith.constant 112 : index
        %parallel_loop3A_591 = tpu.vector_load %arg7[%parallel_loop3A_588, %parallel_loop3A_589, %parallel_loop3A_590] {strides = array<i32>} : memref<3x64x128xf32, #tpu.memory_space<vmem>>, vector<1x1x16xf32>,
        %parallel_loop3A_592 = vector.shape_cast %parallel_loop3A_591 : vector<1x1x16xf32> to vector<16xf32>
        %parallel_loop3A_593 = arith.subf %parallel_loop3A_586, %parallel_loop3A_592 : vector<16xf32>
        %parallel_loop3A_594 = arith.mulf %parallel_loop3A_593, %parallel_loop3A_593 : vector<16xf32>
        %parallel_loop3A_595 = arith.addf %parallel_loop3A_475, %parallel_loop3A_594 : vector<16xf32>
        scf.yield %parallel_loop3A_490, %parallel_loop3A_505, %parallel_loop3A_520, %parallel_loop3A_535, %parallel_loop3A_550, %parallel_loop3A_565, %parallel_loop3A_580, %parallel_loop3A_595 : vector<16xf32>, vector<16xf32>, vector<16xf32>, vector<16xf32>, vector<16xf32>, vector<16xf32>, vector<16xf32>, vector<16xf32>
      } {sc.loop_unroll_factor = 2 : i64, sc.parallel_access}
      %add3A_281 = arith.constant 3 : i32
      %add3A_282 = arith.addi %add3A_218, %add3A_281 : i32
      %lt3A_283 = arith.constant 7 : i32
      %lt3A_284 = arith.cmpi slt, %add3A_282, %lt3A_283 : i32
      %convert_element_type3A = arith.extui %lt3A_284 : i1 to i32
      %cond3A = arith.constant 0 : i32
      %cond3A_285 = arith.cmpi ne, %convert_element_type3A, %cond3A : i32
      scf.if %cond3A_285 {
        %mul3A_467 = arith.constant 64 : i32
        %mul3A_468 = arith.muli %add3A_282, %mul3A_467 : i32
        %add3A_469 = arith.constant 0 : i32
        %add3A_470 = arith.addi %mul3A_468, %add3A_469 : i32
        %jit3A_471 = arith.constant 128 : i32
        %div3A_472 = arith.divsi %add3A_470, %jit3A_471 : i32
        %sign3A_473 = arith.constant 0 : i32
        %sign3A_474 = arith.cmpi sgt, %add3A_470, %sign3A_473 : i32
        %sign3A_475 = arith.extui %sign3A_474 : i1 to i32
        %sign3A_476 = arith.constant 0 : i32
        %sign3A_477 = arith.cmpi slt, %add3A_470, %sign3A_476 : i32
        %sign3A_478 = arith.extui %sign3A_477 : i1 to i32
        %sign3A_479 = arith.subi %sign3A_475, %sign3A_478 : i32
        %sign3A_480 = arith.constant 0 : i32
        %sign3A_481 = arith.cmpi sgt, %jit3A_471, %sign3A_480 : i32
        %sign3A_482 = arith.extui %sign3A_481 : i1 to i32
        %sign3A_483 = arith.constant 0 : i32
        %sign3A_484 = arith.cmpi slt, %jit3A_471, %sign3A_483 : i32
        %sign3A_485 = arith.extui %sign3A_484 : i1 to i32
        %sign3A_486 = arith.subi %sign3A_482, %sign3A_485 : i32
        %ne3A_487 = arith.cmpi ne, %sign3A_479, %sign3A_486 : i32
        %rem3A_488 = arith.remsi %add3A_470, %jit3A_471 : i32
        %ne3A_489 = arith.constant 0 : i32
        %ne3A_490 = arith.cmpi ne, %rem3A_488, %ne3A_489 : i32
        %and3A_491 = arith.andi %ne3A_487, %ne3A_490 : i1
        %sub3A_492 = arith.constant 1 : i32
        %sub3A_493 = arith.subi %div3A_472, %sub3A_492 : i32
        %select_n3A_494 = arith.select %and3A_491, %sub3A_493, %div3A_472 : i32
        %jit3A_495 = arith.constant 128 : i32
        %eq3A_496 = arith.constant 0 : i32
        %eq3A_497 = arith.cmpi eq, %jit3A_495, %eq3A_496 : i32
        %jit3A_498 = arith.constant 1 : i32
        %select_n3A_499 = arith.select %eq3A_497, %jit3A_498, %jit3A_495 : i32
        %rem3A_500 = arith.remsi %add3A_470, %select_n3A_499 : i32
        %ne3A_501 = arith.constant 0 : i32
        %ne3A_502 = arith.cmpi ne, %rem3A_500, %ne3A_501 : i32
        %lt3A_503 = arith.constant 0 : i32
        %lt3A_504 = arith.cmpi slt, %rem3A_500, %lt3A_503 : i32
        %lt3A_505 = arith.constant 0 : i32
        %lt3A_506 = arith.cmpi slt, %select_n3A_499, %lt3A_505 : i32
        %ne3A_507 = arith.xori %lt3A_504, %lt3A_506 : i1
        %and3A_508 = arith.andi %ne3A_507, %ne3A_502 : i1
        %add3A_509 = arith.addi %rem3A_500, %select_n3A_499 : i32
        %select_n3A_510 = arith.select %and3A_508, %add3A_509, %rem3A_500 : i32
        %add3A_511 = arith.addi %mul3A_2, %add3A_470 : i32
        %dma_start3A_512 = arith.constant 0 : i32
        %dma_start3A_513 = arith.constant 0 : i32
        %dma_start3A_514 = arith.constant 0 : i32
        %dma_start3A_515 = tpu.memref_slice %arg7[%dma_start3A_512, %dma_start3A_513, %dma_start3A_514] : memref<3x64x128xf32, #tpu.memory_space<vmem>> -> memref<1x64x128xf32, #tpu.memory_space<vmem>>
        %dma_start3A_516 = tpu.memref_squeeze %dma_start3A_515 : memref<1x64x128xf32, #tpu.memory_space<vmem>> -> memref<64x128xf32, #tpu.memory_space<vmem>>
        %dma_start3A_517 = tpu.memref_slice %arg6[%select_n3A_494, %select_n3A_510] : memref<4x128xi32, #tpu.memory_space<vmem>> -> memref<1x64xi32, #tpu.memory_space<vmem>>
        %dma_start3A_518 = tpu.memref_squeeze %dma_start3A_517 : memref<1x64xi32, #tpu.memory_space<vmem>> -> memref<64xi32, #tpu.memory_space<vmem>>
        %dma_start3A_519 = arith.constant 0 : i32
        %dma_start3A_520 = arith.constant 0 : i32
        %dma_start3A_521 = tpu.memref_slice %arg2[%dma_start3A_519, %dma_start3A_520] : memref<100000x128xf32, #tpu.memory_space<hbm>> -> memref<100000x128xf32, #tpu.memory_space<hbm>>
        tpu.enqueue_indirect_dma source(%dma_start3A_521 : memref<100000x128xf32, #tpu.memory_space<hbm>>) target(%dma_start3A_516 : memref<64x128xf32, #tpu.memory_space<vmem>>) offsets(%dma_start3A_518 : memref<64xi32, #tpu.memory_space<vmem>>) semaphore(%arg10 : memref<!tpu.dma_semaphore, #tpu.memory_space<semaphore_mem>>)
        %dma_start3A_522 = arith.constant 0 : i32
        %dma_start3A_523 = arith.constant 0 : i32
        %dma_start3A_524 = arith.constant 0 : i32
        %dma_start3A_525 = tpu.memref_slice %arg8[%dma_start3A_522, %dma_start3A_523, %dma_start3A_524] : memref<3x64x128xf32, #tpu.memory_space<vmem>> -> memref<1x64x128xf32, #tpu.memory_space<vmem>>
        %dma_start3A_526 = tpu.memref_squeeze %dma_start3A_525 : memref<1x64x128xf32, #tpu.memory_space<vmem>> -> memref<64x128xf32, #tpu.memory_space<vmem>>
        %dma_start3A_527 = arith.constant 0 : i32
        %dma_start3A_528 = tpu.memref_slice %arg4[%add3A_511, %dma_start3A_527] : memref<16384x128xf32, #tpu.memory_space<hbm>> -> memref<64x128xf32, #tpu.memory_space<hbm>>
        %dma_start3A_529 = arith.constant 0 : i32
        %dma_start3A_530 = arith.constant 0 : i32
        %dma_start3A_531 = tpu.memref_slice %arg8[%dma_start3A_522, %dma_start3A_529, %dma_start3A_530] : memref<3x64x128xf32, #tpu.memory_space<vmem>> -> memref<1x64x128xf32, #tpu.memory_space<vmem>>
        %dma_start3A_532 = tpu.memref_squeeze %dma_start3A_531 : memref<1x64x128xf32, #tpu.memory_space<vmem>> -> memref<64x128xf32, #tpu.memory_space<vmem>>
        %dma_start3A_533 = arith.constant 0 : i32
        %dma_start3A_534 = tpu.memref_slice %arg4[%add3A_511, %dma_start3A_533] : memref<16384x128xf32, #tpu.memory_space<hbm>> -> memref<64x128xf32, #tpu.memory_space<hbm>>
        tpu.enqueue_dma source(%dma_start3A_534 : memref<64x128xf32, #tpu.memory_space<hbm>>) target(%dma_start3A_532 : memref<64x128xf32, #tpu.memory_space<vmem>>) target_semaphore(%arg13 : memref<!tpu.dma_semaphore, #tpu.memory_space<semaphore_mem>>)
      } else {
      }
      %eq3A_286 = arith.constant 7 : i32
      %eq3A_287 = arith.cmpi eq, %add3A_282, %eq3A_286 : i32
      %convert_element_type3A_288 = arith.extui %eq3A_287 : i1 to i32
      %cond3A_289 = arith.constant 0 : i32
      %cond3A_290 = arith.cmpi ne, %convert_element_type3A_288, %cond3A_289 : i32
      scf.if %cond3A_290 {
        %mul3A_467 = arith.constant 64 : i32
        %mul3A_468 = arith.muli %add3A_282, %mul3A_467 : i32
        %add3A_469 = arith.constant 0 : i32
        %add3A_470 = arith.addi %mul3A_468, %add3A_469 : i32
        %jit3A_471 = arith.constant 128 : i32
        %div3A_472 = arith.divsi %add3A_470, %jit3A_471 : i32
        %sign3A_473 = arith.constant 0 : i32
        %sign3A_474 = arith.cmpi sgt, %add3A_470, %sign3A_473 : i32
        %sign3A_475 = arith.extui %sign3A_474 : i1 to i32
        %sign3A_476 = arith.constant 0 : i32
        %sign3A_477 = arith.cmpi slt, %add3A_470, %sign3A_476 : i32
        %sign3A_478 = arith.extui %sign3A_477 : i1 to i32
        %sign3A_479 = arith.subi %sign3A_475, %sign3A_478 : i32
        %sign3A_480 = arith.constant 0 : i32
        %sign3A_481 = arith.cmpi sgt, %jit3A_471, %sign3A_480 : i32
        %sign3A_482 = arith.extui %sign3A_481 : i1 to i32
        %sign3A_483 = arith.constant 0 : i32
        %sign3A_484 = arith.cmpi slt, %jit3A_471, %sign3A_483 : i32
        %sign3A_485 = arith.extui %sign3A_484 : i1 to i32
        %sign3A_486 = arith.subi %sign3A_482, %sign3A_485 : i32
        %ne3A_487 = arith.cmpi ne, %sign3A_479, %sign3A_486 : i32
        %rem3A_488 = arith.remsi %add3A_470, %jit3A_471 : i32
        %ne3A_489 = arith.constant 0 : i32
        %ne3A_490 = arith.cmpi ne, %rem3A_488, %ne3A_489 : i32
        %and3A_491 = arith.andi %ne3A_487, %ne3A_490 : i1
        %sub3A_492 = arith.constant 1 : i32
        %sub3A_493 = arith.subi %div3A_472, %sub3A_492 : i32
        %select_n3A_494 = arith.select %and3A_491, %sub3A_493, %div3A_472 : i32
        %jit3A_495 = arith.constant 128 : i32
        %eq3A_496 = arith.constant 0 : i32
        %eq3A_497 = arith.cmpi eq, %jit3A_495, %eq3A_496 : i32
        %jit3A_498 = arith.constant 1 : i32
        %select_n3A_499 = arith.select %eq3A_497, %jit3A_498, %jit3A_495 : i32
        %rem3A_500 = arith.remsi %add3A_470, %select_n3A_499 : i32
        %ne3A_501 = arith.constant 0 : i32
        %ne3A_502 = arith.cmpi ne, %rem3A_500, %ne3A_501 : i32
        %lt3A_503 = arith.constant 0 : i32
        %lt3A_504 = arith.cmpi slt, %rem3A_500, %lt3A_503 : i32
        %lt3A_505 = arith.constant 0 : i32
        %lt3A_506 = arith.cmpi slt, %select_n3A_499, %lt3A_505 : i32
        %ne3A_507 = arith.xori %lt3A_504, %lt3A_506 : i1
        %and3A_508 = arith.andi %ne3A_507, %ne3A_502 : i1
        %add3A_509 = arith.addi %rem3A_500, %select_n3A_499 : i32
        %select_n3A_510 = arith.select %and3A_508, %add3A_509, %rem3A_500 : i32
        %add3A_511 = arith.addi %mul3A_2, %add3A_470 : i32
        %dma_start3A_512 = arith.constant 0 : i32
        %dma_start3A_513 = arith.constant 0 : i32
        %dma_start3A_514 = arith.constant 0 : i32
        %dma_start3A_515 = tpu.memref_slice %arg7[%dma_start3A_512, %dma_start3A_513, %dma_start3A_514] : memref<3x64x128xf32, #tpu.memory_space<vmem>> -> memref<1x32x128xf32, #tpu.memory_space<vmem>>
        %dma_start3A_516 = tpu.memref_squeeze %dma_start3A_515 : memref<1x32x128xf32, #tpu.memory_space<vmem>> -> memref<32x128xf32, #tpu.memory_space<vmem>>
        %dma_start3A_517 = tpu.memref_slice %arg6[%select_n3A_494, %select_n3A_510] : memref<4x128xi32, #tpu.memory_space<vmem>> -> memref<1x32xi32, #tpu.memory_space<vmem>>
        %dma_start3A_518 = tpu.memref_squeeze %dma_start3A_517 : memref<1x32xi32, #tpu.memory_space<vmem>> -> memref<32xi32, #tpu.memory_space<vmem>>
        %dma_start3A_519 = arith.constant 0 : i32
        %dma_start3A_520 = arith.constant 0 : i32
        %dma_start3A_521 = tpu.memref_slice %arg2[%dma_start3A_519, %dma_start3A_520] : memref<100000x128xf32, #tpu.memory_space<hbm>> -> memref<100000x128xf32, #tpu.memory_space<hbm>>
        tpu.enqueue_indirect_dma source(%dma_start3A_521 : memref<100000x128xf32, #tpu.memory_space<hbm>>) target(%dma_start3A_516 : memref<32x128xf32, #tpu.memory_space<vmem>>) offsets(%dma_start3A_518 : memref<32xi32, #tpu.memory_space<vmem>>) semaphore(%arg10 : memref<!tpu.dma_semaphore, #tpu.memory_space<semaphore_mem>>)
        %dma_start3A_522 = arith.constant 0 : i32
        %dma_start3A_523 = arith.constant 0 : i32
        %dma_start3A_524 = arith.constant 0 : i32
        %dma_start3A_525 = tpu.memref_slice %arg8[%dma_start3A_522, %dma_start3A_523, %dma_start3A_524] : memref<3x64x128xf32, #tpu.memory_space<vmem>> -> memref<1x32x128xf32, #tpu.memory_space<vmem>>
        %dma_start3A_526 = tpu.memref_squeeze %dma_start3A_525 : memref<1x32x128xf32, #tpu.memory_space<vmem>> -> memref<32x128xf32, #tpu.memory_space<vmem>>
        %dma_start3A_527 = arith.constant 0 : i32
        %dma_start3A_528 = tpu.memref_slice %arg4[%add3A_511, %dma_start3A_527] : memref<16384x128xf32, #tpu.memory_space<hbm>> -> memref<32x128xf32, #tpu.memory_space<hbm>>
        %dma_start3A_529 = arith.constant 0 : i32
        %dma_start3A_530 = arith.constant 0 : i32
        %dma_start3A_531 = tpu.memref_slice %arg8[%dma_start3A_522, %dma_start3A_529, %dma_start3A_530] : memref<3x64x128xf32, #tpu.memory_space<vmem>> -> memref<1x32x128xf32, #tpu.memory_space<vmem>>
        %dma_start3A_532 = tpu.memref_squeeze %dma_start3A_531 : memref<1x32x128xf32, #tpu.memory_space<vmem>> -> memref<32x128xf32, #tpu.memory_space<vmem>>
        %dma_start3A_533 = arith.constant 0 : i32
        %dma_start3A_534 = tpu.memref_slice %arg4[%add3A_511, %dma_start3A_533] : memref<16384x128xf32, #tpu.memory_space<hbm>> -> memref<32x128xf32, #tpu.memory_space<hbm>>
        tpu.enqueue_dma source(%dma_start3A_534 : memref<32x128xf32, #tpu.memory_space<hbm>>) target(%dma_start3A_532 : memref<32x128xf32, #tpu.memory_space<vmem>>) target_semaphore(%arg13 : memref<!tpu.dma_semaphore, #tpu.memory_space<semaphore_mem>>)
        %mul3A_535 = arith.constant 64 : i32
        %mul3A_536 = arith.muli %add3A_282, %mul3A_535 : i32
        %add3A_537 = arith.constant 32 : i32
        %add3A_538 = arith.addi %mul3A_536, %add3A_537 : i32
        %jit3A_539 = arith.constant 128 : i32
        %div3A_540 = arith.divsi %add3A_538, %jit3A_539 : i32
        %sign3A_541 = arith.constant 0 : i32
        %sign3A_542 = arith.cmpi sgt, %add3A_538, %sign3A_541 : i32
        %sign3A_543 = arith.extui %sign3A_542 : i1 to i32
        %sign3A_544 = arith.constant 0 : i32
        %sign3A_545 = arith.cmpi slt, %add3A_538, %sign3A_544 : i32
        %sign3A_546 = arith.extui %sign3A_545 : i1 to i32
        %sign3A_547 = arith.subi %sign3A_543, %sign3A_546 : i32
        %sign3A_548 = arith.constant 0 : i32
        %sign3A_549 = arith.cmpi sgt, %jit3A_539, %sign3A_548 : i32
        %sign3A_550 = arith.extui %sign3A_549 : i1 to i32
        %sign3A_551 = arith.constant 0 : i32
        %sign3A_552 = arith.cmpi slt, %jit3A_539, %sign3A_551 : i32
        %sign3A_553 = arith.extui %sign3A_552 : i1 to i32
        %sign3A_554 = arith.subi %sign3A_550, %sign3A_553 : i32
        %ne3A_555 = arith.cmpi ne, %sign3A_547, %sign3A_554 : i32
        %rem3A_556 = arith.remsi %add3A_538, %jit3A_539 : i32
        %ne3A_557 = arith.constant 0 : i32
        %ne3A_558 = arith.cmpi ne, %rem3A_556, %ne3A_557 : i32
        %and3A_559 = arith.andi %ne3A_555, %ne3A_558 : i1
        %sub3A_560 = arith.constant 1 : i32
        %sub3A_561 = arith.subi %div3A_540, %sub3A_560 : i32
        %select_n3A_562 = arith.select %and3A_559, %sub3A_561, %div3A_540 : i32
        %jit3A_563 = arith.constant 128 : i32
        %eq3A_564 = arith.constant 0 : i32
        %eq3A_565 = arith.cmpi eq, %jit3A_563, %eq3A_564 : i32
        %jit3A_566 = arith.constant 1 : i32
        %select_n3A_567 = arith.select %eq3A_565, %jit3A_566, %jit3A_563 : i32
        %rem3A_568 = arith.remsi %add3A_538, %select_n3A_567 : i32
        %ne3A_569 = arith.constant 0 : i32
        %ne3A_570 = arith.cmpi ne, %rem3A_568, %ne3A_569 : i32
        %lt3A_571 = arith.constant 0 : i32
        %lt3A_572 = arith.cmpi slt, %rem3A_568, %lt3A_571 : i32
        %lt3A_573 = arith.constant 0 : i32
        %lt3A_574 = arith.cmpi slt, %select_n3A_567, %lt3A_573 : i32
        %ne3A_575 = arith.xori %lt3A_572, %lt3A_574 : i1
        %and3A_576 = arith.andi %ne3A_575, %ne3A_570 : i1
        %add3A_577 = arith.addi %rem3A_568, %select_n3A_567 : i32
        %select_n3A_578 = arith.select %and3A_576, %add3A_577, %rem3A_568 : i32
        %add3A_579 = arith.addi %mul3A_2, %add3A_538 : i32
        %dma_start3A_580 = arith.constant 0 : i32
        %dma_start3A_581 = arith.constant 32 : i32
        %dma_start3A_582 = arith.constant 0 : i32
        %dma_start3A_583 = tpu.memref_slice %arg7[%dma_start3A_580, %dma_start3A_581, %dma_start3A_582] : memref<3x64x128xf32, #tpu.memory_space<vmem>> -> memref<1x32x128xf32, #tpu.memory_space<vmem>>
        %dma_start3A_584 = tpu.memref_squeeze %dma_start3A_583 : memref<1x32x128xf32, #tpu.memory_space<vmem>> -> memref<32x128xf32, #tpu.memory_space<vmem>>
        %dma_start3A_585 = tpu.memref_slice %arg6[%select_n3A_562, %select_n3A_578] : memref<4x128xi32, #tpu.memory_space<vmem>> -> memref<1x32xi32, #tpu.memory_space<vmem>>
        %dma_start3A_586 = tpu.memref_squeeze %dma_start3A_585 : memref<1x32xi32, #tpu.memory_space<vmem>> -> memref<32xi32, #tpu.memory_space<vmem>>
        %dma_start3A_587 = arith.constant 0 : i32
        %dma_start3A_588 = arith.constant 0 : i32
        %dma_start3A_589 = tpu.memref_slice %arg2[%dma_start3A_587, %dma_start3A_588] : memref<100000x128xf32, #tpu.memory_space<hbm>> -> memref<100000x128xf32, #tpu.memory_space<hbm>>
        tpu.enqueue_indirect_dma source(%dma_start3A_589 : memref<100000x128xf32, #tpu.memory_space<hbm>>) target(%dma_start3A_584 : memref<32x128xf32, #tpu.memory_space<vmem>>) offsets(%dma_start3A_586 : memref<32xi32, #tpu.memory_space<vmem>>) semaphore(%arg10 : memref<!tpu.dma_semaphore, #tpu.memory_space<semaphore_mem>>)
        %dma_start3A_590 = arith.constant 0 : i32
        %dma_start3A_591 = arith.constant 32 : i32
        %dma_start3A_592 = arith.constant 0 : i32
        %dma_start3A_593 = tpu.memref_slice %arg8[%dma_start3A_590, %dma_start3A_591, %dma_start3A_592] : memref<3x64x128xf32, #tpu.memory_space<vmem>> -> memref<1x32x128xf32, #tpu.memory_space<vmem>>
        %dma_start3A_594 = tpu.memref_squeeze %dma_start3A_593 : memref<1x32x128xf32, #tpu.memory_space<vmem>> -> memref<32x128xf32, #tpu.memory_space<vmem>>
        %dma_start3A_595 = arith.constant 0 : i32
        %dma_start3A_596 = tpu.memref_slice %arg4[%add3A_579, %dma_start3A_595] : memref<16384x128xf32, #tpu.memory_space<hbm>> -> memref<32x128xf32, #tpu.memory_space<hbm>>
        %dma_start3A_597 = arith.constant 32 : i32
        %dma_start3A_598 = arith.constant 0 : i32
        %dma_start3A_599 = tpu.memref_slice %arg8[%dma_start3A_590, %dma_start3A_597, %dma_start3A_598] : memref<3x64x128xf32, #tpu.memory_space<vmem>> -> memref<1x32x128xf32, #tpu.memory_space<vmem>>
        %dma_start3A_600 = tpu.memref_squeeze %dma_start3A_599 : memref<1x32x128xf32, #tpu.memory_space<vmem>> -> memref<32x128xf32, #tpu.memory_space<vmem>>
        %dma_start3A_601 = arith.constant 0 : i32
        %dma_start3A_602 = tpu.memref_slice %arg4[%add3A_579, %dma_start3A_601] : memref<16384x128xf32, #tpu.memory_space<hbm>> -> memref<32x128xf32, #tpu.memory_space<hbm>>
        tpu.enqueue_dma source(%dma_start3A_602 : memref<32x128xf32, #tpu.memory_space<hbm>>) target(%dma_start3A_600 : memref<32x128xf32, #tpu.memory_space<vmem>>) target_semaphore(%arg13 : memref<!tpu.dma_semaphore, #tpu.memory_space<semaphore_mem>>)
      } else {
      }
      %mul3A_291 = arith.constant 3 : i32
      %mul3A_292 = arith.muli %mul3A_291, %scan3A_206 : i32
      %add3A_293 = arith.constant 1 : i32
      %add3A_294 = arith.addi %mul3A_292, %add3A_293 : i32
      %mul3A_295 = arith.constant 64 : i32
      %mul3A_296 = arith.muli %add3A_294, %mul3A_295 : i32
      %add3A_297 = arith.constant 0 : i32
      %add3A_298 = arith.addi %mul3A_296, %add3A_297 : i32
      %jit3A_299 = arith.constant 128 : i32
      %div3A_300 = arith.divsi %add3A_298, %jit3A_299 : i32
      %sign3A_301 = arith.constant 0 : i32
      %sign3A_302 = arith.cmpi sgt, %add3A_298, %sign3A_301 : i32
      %sign3A_303 = arith.extui %sign3A_302 : i1 to i32
      %sign3A_304 = arith.constant 0 : i32
      %sign3A_305 = arith.cmpi slt, %add3A_298, %sign3A_304 : i32
      %sign3A_306 = arith.extui %sign3A_305 : i1 to i32
      %sign3A_307 = arith.subi %sign3A_303, %sign3A_306 : i32
      %sign3A_308 = arith.constant 0 : i32
      %sign3A_309 = arith.cmpi sgt, %jit3A_299, %sign3A_308 : i32
      %sign3A_310 = arith.extui %sign3A_309 : i1 to i32
      %sign3A_311 = arith.constant 0 : i32
      %sign3A_312 = arith.cmpi slt, %jit3A_299, %sign3A_311 : i32
      %sign3A_313 = arith.extui %sign3A_312 : i1 to i32
      %sign3A_314 = arith.subi %sign3A_310, %sign3A_313 : i32
      %ne3A_315 = arith.cmpi ne, %sign3A_307, %sign3A_314 : i32
      %rem3A_316 = arith.remsi %add3A_298, %jit3A_299 : i32
      %ne3A_317 = arith.constant 0 : i32
      %ne3A_318 = arith.cmpi ne, %rem3A_316, %ne3A_317 : i32
      %and3A_319 = arith.andi %ne3A_315, %ne3A_318 : i1
      %sub3A_320 = arith.constant 1 : i32
      %sub3A_321 = arith.subi %div3A_300, %sub3A_320 : i32
      %select_n3A_322 = arith.select %and3A_319, %sub3A_321, %div3A_300 : i32
      %jit3A_323 = arith.constant 128 : i32
      %eq3A_324 = arith.constant 0 : i32
      %eq3A_325 = arith.cmpi eq, %jit3A_323, %eq3A_324 : i32
      %jit3A_326 = arith.constant 1 : i32
      %select_n3A_327 = arith.select %eq3A_325, %jit3A_326, %jit3A_323 : i32
      %rem3A_328 = arith.remsi %add3A_298, %select_n3A_327 : i32
      %ne3A_329 = arith.constant 0 : i32
      %ne3A_330 = arith.cmpi ne, %rem3A_328, %ne3A_329 : i32
      %lt3A_331 = arith.constant 0 : i32
      %lt3A_332 = arith.cmpi slt, %rem3A_328, %lt3A_331 : i32
      %lt3A_333 = arith.constant 0 : i32
      %lt3A_334 = arith.cmpi slt, %select_n3A_327, %lt3A_333 : i32
      %ne3A_335 = arith.xori %lt3A_332, %lt3A_334 : i1
      %and3A_336 = arith.andi %ne3A_335, %ne3A_330 : i1
      %add3A_337 = arith.addi %rem3A_328, %select_n3A_327 : i32
      %select_n3A_338 = arith.select %and3A_336, %add3A_337, %rem3A_328 : i32
      %add3A_339 = arith.addi %mul3A_2, %add3A_298 : i32
      %dma_wait3A_340 = arith.constant 1 : i32
      %dma_wait3A_341 = arith.constant 0 : i32
      %dma_wait3A_342 = arith.constant 0 : i32
      %dma_wait3A_343 = tpu.memref_slice %arg7[%dma_wait3A_340, %dma_wait3A_341, %dma_wait3A_342] : memref<3x64x128xf32, #tpu.memory_space<vmem>> -> memref<1x64x128xf32, #tpu.memory_space<vmem>>
      %dma_wait3A_344 = tpu.memref_squeeze %dma_wait3A_343 : memref<1x64x128xf32, #tpu.memory_space<vmem>> -> memref<64x128xf32, #tpu.memory_space<vmem>>
      %dma_wait3A_345 = tpu.memref_slice %arg6[%select_n3A_322, %select_n3A_338] : memref<4x128xi32, #tpu.memory_space<vmem>> -> memref<1x64xi32, #tpu.memory_space<vmem>>
      %dma_wait3A_346 = tpu.memref_squeeze %dma_wait3A_345 : memref<1x64xi32, #tpu.memory_space<vmem>> -> memref<64xi32, #tpu.memory_space<vmem>>
      %dma_wait3A_347 = arith.constant 0 : i32
      %dma_wait3A_348 = arith.constant 0 : i32
      %dma_wait3A_349 = tpu.memref_slice %arg2[%dma_wait3A_347, %dma_wait3A_348] : memref<100000x128xf32, #tpu.memory_space<hbm>> -> memref<100000x128xf32, #tpu.memory_space<hbm>>
      tpu.wait_indirect_dma semaphore(%arg11 : memref<!tpu.dma_semaphore, #tpu.memory_space<semaphore_mem>>) src(%dma_wait3A_349 : memref<100000x128xf32, #tpu.memory_space<hbm>>) dst(%dma_wait3A_344 : memref<64x128xf32, #tpu.memory_space<vmem>>)
      %dma_wait3A_350 = arith.constant 1 : i32
      %dma_wait3A_351 = arith.constant 0 : i32
      %dma_wait3A_352 = arith.constant 0 : i32
      %dma_wait3A_353 = tpu.memref_slice %arg8[%dma_wait3A_350, %dma_wait3A_351, %dma_wait3A_352] : memref<3x64x128xf32, #tpu.memory_space<vmem>> -> memref<1x64x128xf32, #tpu.memory_space<vmem>>
      %dma_wait3A_354 = tpu.memref_squeeze %dma_wait3A_353 : memref<1x64x128xf32, #tpu.memory_space<vmem>> -> memref<64x128xf32, #tpu.memory_space<vmem>>
      %dma_wait3A_355 = arith.constant 0 : i32
      %dma_wait3A_356 = tpu.memref_slice %arg4[%add3A_339, %dma_wait3A_355] : memref<16384x128xf32, #tpu.memory_space<hbm>> -> memref<64x128xf32, #tpu.memory_space<hbm>>
      %dma_wait3A_357 = arith.constant 0 : i32
      %dma_wait3A_358 = arith.constant 0 : i32
      %dma_wait3A_359 = tpu.memref_slice %arg8[%dma_wait3A_350, %dma_wait3A_357, %dma_wait3A_358] : memref<3x64x128xf32, #tpu.memory_space<vmem>> -> memref<1x64x128xf32, #tpu.memory_space<vmem>>
      %dma_wait3A_360 = tpu.memref_squeeze %dma_wait3A_359 : memref<1x64x128xf32, #tpu.memory_space<vmem>> -> memref<64x128xf32, #tpu.memory_space<vmem>>
      %dma_wait3A_361 = arith.constant 0 : i32
      %dma_wait3A_362 = tpu.memref_slice %arg4[%add3A_339, %dma_wait3A_361] : memref<16384x128xf32, #tpu.memory_space<hbm>> -> memref<64x128xf32, #tpu.memory_space<hbm>>
      tpu.wait_dma2 semaphore(%arg14 : memref<!tpu.dma_semaphore, #tpu.memory_space<semaphore_mem>>) src(%dma_wait3A_362 : memref<64x128xf32, #tpu.memory_space<hbm>>) dst(%dma_wait3A_360 : memref<64x128xf32, #tpu.memory_space<vmem>>)
      %parallel_loop3A_363 = arith.constant 0 : i32
      %parallel_loop3A_364 = arith.constant 64 : i32
      %parallel_loop3A_365 = arith.constant 1 : i32
      %parallel_loop3A_366:8 = scf.for %parallel_loop3A_467 = %parallel_loop3A_363 to %parallel_loop3A_364 step %parallel_loop3A_365 iter_args(%parallel_loop3A_468 = %parallel_loop3A_280#0, %parallel_loop3A_469 = %parallel_loop3A_280#1, %parallel_loop3A_470 = %parallel_loop3A_280#2, %parallel_loop3A_471 = %parallel_loop3A_280#3, %parallel_loop3A_472 = %parallel_loop3A_280#4, %parallel_loop3A_473 = %parallel_loop3A_280#5, %parallel_loop3A_474 = %parallel_loop3A_280#6, %parallel_loop3A_475 = %parallel_loop3A_280#7) -> (vector<16xf32>, vector<16xf32>, vector<16xf32>, vector<16xf32>, vector<16xf32>, vector<16xf32>, vector<16xf32>, vector<16xf32>)  : i32 {
        %parallel_loop3A_476 = arith.constant 1 : i32
        %parallel_loop3A_477 = arith.index_cast %parallel_loop3A_476 : i32 to index
        %parallel_loop3A_478 = arith.index_cast %parallel_loop3A_467 : i32 to index
        %parallel_loop3A_479 = arith.constant 0 : index
        %parallel_loop3A_480 = tpu.vector_load %arg8[%parallel_loop3A_477, %parallel_loop3A_478, %parallel_loop3A_479] {strides = array<i32>} : memref<3x64x128xf32, #tpu.memory_space<vmem>>, vector<1x1x16xf32>,
        %parallel_loop3A_481 = vector.shape_cast %parallel_loop3A_480 : vector<1x1x16xf32> to vector<16xf32>
        %parallel_loop3A_482 = arith.constant 1 : i32
        %parallel_loop3A_483 = arith.index_cast %parallel_loop3A_482 : i32 to index
        %parallel_loop3A_484 = arith.index_cast %parallel_loop3A_467 : i32 to index
        %parallel_loop3A_485 = arith.constant 0 : index
        %parallel_loop3A_486 = tpu.vector_load %arg7[%parallel_loop3A_483, %parallel_loop3A_484, %parallel_loop3A_485] {strides = array<i32>} : memref<3x64x128xf32, #tpu.memory_space<vmem>>, vector<1x1x16xf32>,
        %parallel_loop3A_487 = vector.shape_cast %parallel_loop3A_486 : vector<1x1x16xf32> to vector<16xf32>
        %parallel_loop3A_488 = arith.subf %parallel_loop3A_481, %parallel_loop3A_487 : vector<16xf32>
        %parallel_loop3A_489 = arith.mulf %parallel_loop3A_488, %parallel_loop3A_488 : vector<16xf32>
        %parallel_loop3A_490 = arith.addf %parallel_loop3A_468, %parallel_loop3A_489 : vector<16xf32>
        %parallel_loop3A_491 = arith.constant 1 : i32
        %parallel_loop3A_492 = arith.index_cast %parallel_loop3A_491 : i32 to index
        %parallel_loop3A_493 = arith.index_cast %parallel_loop3A_467 : i32 to index
        %parallel_loop3A_494 = arith.constant 16 : index
        %parallel_loop3A_495 = tpu.vector_load %arg8[%parallel_loop3A_492, %parallel_loop3A_493, %parallel_loop3A_494] {strides = array<i32>} : memref<3x64x128xf32, #tpu.memory_space<vmem>>, vector<1x1x16xf32>,
        %parallel_loop3A_496 = vector.shape_cast %parallel_loop3A_495 : vector<1x1x16xf32> to vector<16xf32>
        %parallel_loop3A_497 = arith.constant 1 : i32
        %parallel_loop3A_498 = arith.index_cast %parallel_loop3A_497 : i32 to index
        %parallel_loop3A_499 = arith.index_cast %parallel_loop3A_467 : i32 to index
        %parallel_loop3A_500 = arith.constant 16 : index
        %parallel_loop3A_501 = tpu.vector_load %arg7[%parallel_loop3A_498, %parallel_loop3A_499, %parallel_loop3A_500] {strides = array<i32>} : memref<3x64x128xf32, #tpu.memory_space<vmem>>, vector<1x1x16xf32>,
        %parallel_loop3A_502 = vector.shape_cast %parallel_loop3A_501 : vector<1x1x16xf32> to vector<16xf32>
        %parallel_loop3A_503 = arith.subf %parallel_loop3A_496, %parallel_loop3A_502 : vector<16xf32>
        %parallel_loop3A_504 = arith.mulf %parallel_loop3A_503, %parallel_loop3A_503 : vector<16xf32>
        %parallel_loop3A_505 = arith.addf %parallel_loop3A_469, %parallel_loop3A_504 : vector<16xf32>
        %parallel_loop3A_506 = arith.constant 1 : i32
        %parallel_loop3A_507 = arith.index_cast %parallel_loop3A_506 : i32 to index
        %parallel_loop3A_508 = arith.index_cast %parallel_loop3A_467 : i32 to index
        %parallel_loop3A_509 = arith.constant 32 : index
        %parallel_loop3A_510 = tpu.vector_load %arg8[%parallel_loop3A_507, %parallel_loop3A_508, %parallel_loop3A_509] {strides = array<i32>} : memref<3x64x128xf32, #tpu.memory_space<vmem>>, vector<1x1x16xf32>,
        %parallel_loop3A_511 = vector.shape_cast %parallel_loop3A_510 : vector<1x1x16xf32> to vector<16xf32>
        %parallel_loop3A_512 = arith.constant 1 : i32
        %parallel_loop3A_513 = arith.index_cast %parallel_loop3A_512 : i32 to index
        %parallel_loop3A_514 = arith.index_cast %parallel_loop3A_467 : i32 to index
        %parallel_loop3A_515 = arith.constant 32 : index
        %parallel_loop3A_516 = tpu.vector_load %arg7[%parallel_loop3A_513, %parallel_loop3A_514, %parallel_loop3A_515] {strides = array<i32>} : memref<3x64x128xf32, #tpu.memory_space<vmem>>, vector<1x1x16xf32>,
        %parallel_loop3A_517 = vector.shape_cast %parallel_loop3A_516 : vector<1x1x16xf32> to vector<16xf32>
        %parallel_loop3A_518 = arith.subf %parallel_loop3A_511, %parallel_loop3A_517 : vector<16xf32>
        %parallel_loop3A_519 = arith.mulf %parallel_loop3A_518, %parallel_loop3A_518 : vector<16xf32>
        %parallel_loop3A_520 = arith.addf %parallel_loop3A_470, %parallel_loop3A_519 : vector<16xf32>
        %parallel_loop3A_521 = arith.constant 1 : i32
        %parallel_loop3A_522 = arith.index_cast %parallel_loop3A_521 : i32 to index
        %parallel_loop3A_523 = arith.index_cast %parallel_loop3A_467 : i32 to index
        %parallel_loop3A_524 = arith.constant 48 : index
        %parallel_loop3A_525 = tpu.vector_load %arg8[%parallel_loop3A_522, %parallel_loop3A_523, %parallel_loop3A_524] {strides = array<i32>} : memref<3x64x128xf32, #tpu.memory_space<vmem>>, vector<1x1x16xf32>,
        %parallel_loop3A_526 = vector.shape_cast %parallel_loop3A_525 : vector<1x1x16xf32> to vector<16xf32>
        %parallel_loop3A_527 = arith.constant 1 : i32
        %parallel_loop3A_528 = arith.index_cast %parallel_loop3A_527 : i32 to index
        %parallel_loop3A_529 = arith.index_cast %parallel_loop3A_467 : i32 to index
        %parallel_loop3A_530 = arith.constant 48 : index
        %parallel_loop3A_531 = tpu.vector_load %arg7[%parallel_loop3A_528, %parallel_loop3A_529, %parallel_loop3A_530] {strides = array<i32>} : memref<3x64x128xf32, #tpu.memory_space<vmem>>, vector<1x1x16xf32>,
        %parallel_loop3A_532 = vector.shape_cast %parallel_loop3A_531 : vector<1x1x16xf32> to vector<16xf32>
        %parallel_loop3A_533 = arith.subf %parallel_loop3A_526, %parallel_loop3A_532 : vector<16xf32>
        %parallel_loop3A_534 = arith.mulf %parallel_loop3A_533, %parallel_loop3A_533 : vector<16xf32>
        %parallel_loop3A_535 = arith.addf %parallel_loop3A_471, %parallel_loop3A_534 : vector<16xf32>
        %parallel_loop3A_536 = arith.constant 1 : i32
        %parallel_loop3A_537 = arith.index_cast %parallel_loop3A_536 : i32 to index
        %parallel_loop3A_538 = arith.index_cast %parallel_loop3A_467 : i32 to index
        %parallel_loop3A_539 = arith.constant 64 : index
        %parallel_loop3A_540 = tpu.vector_load %arg8[%parallel_loop3A_537, %parallel_loop3A_538, %parallel_loop3A_539] {strides = array<i32>} : memref<3x64x128xf32, #tpu.memory_space<vmem>>, vector<1x1x16xf32>,
        %parallel_loop3A_541 = vector.shape_cast %parallel_loop3A_540 : vector<1x1x16xf32> to vector<16xf32>
        %parallel_loop3A_542 = arith.constant 1 : i32
        %parallel_loop3A_543 = arith.index_cast %parallel_loop3A_542 : i32 to index
        %parallel_loop3A_544 = arith.index_cast %parallel_loop3A_467 : i32 to index
        %parallel_loop3A_545 = arith.constant 64 : index
        %parallel_loop3A_546 = tpu.vector_load %arg7[%parallel_loop3A_543, %parallel_loop3A_544, %parallel_loop3A_545] {strides = array<i32>} : memref<3x64x128xf32, #tpu.memory_space<vmem>>, vector<1x1x16xf32>,
        %parallel_loop3A_547 = vector.shape_cast %parallel_loop3A_546 : vector<1x1x16xf32> to vector<16xf32>
        %parallel_loop3A_548 = arith.subf %parallel_loop3A_541, %parallel_loop3A_547 : vector<16xf32>
        %parallel_loop3A_549 = arith.mulf %parallel_loop3A_548, %parallel_loop3A_548 : vector<16xf32>
        %parallel_loop3A_550 = arith.addf %parallel_loop3A_472, %parallel_loop3A_549 : vector<16xf32>
        %parallel_loop3A_551 = arith.constant 1 : i32
        %parallel_loop3A_552 = arith.index_cast %parallel_loop3A_551 : i32 to index
        %parallel_loop3A_553 = arith.index_cast %parallel_loop3A_467 : i32 to index
        %parallel_loop3A_554 = arith.constant 80 : index
        %parallel_loop3A_555 = tpu.vector_load %arg8[%parallel_loop3A_552, %parallel_loop3A_553, %parallel_loop3A_554] {strides = array<i32>} : memref<3x64x128xf32, #tpu.memory_space<vmem>>, vector<1x1x16xf32>,
        %parallel_loop3A_556 = vector.shape_cast %parallel_loop3A_555 : vector<1x1x16xf32> to vector<16xf32>
        %parallel_loop3A_557 = arith.constant 1 : i32
        %parallel_loop3A_558 = arith.index_cast %parallel_loop3A_557 : i32 to index
        %parallel_loop3A_559 = arith.index_cast %parallel_loop3A_467 : i32 to index
        %parallel_loop3A_560 = arith.constant 80 : index
        %parallel_loop3A_561 = tpu.vector_load %arg7[%parallel_loop3A_558, %parallel_loop3A_559, %parallel_loop3A_560] {strides = array<i32>} : memref<3x64x128xf32, #tpu.memory_space<vmem>>, vector<1x1x16xf32>,
        %parallel_loop3A_562 = vector.shape_cast %parallel_loop3A_561 : vector<1x1x16xf32> to vector<16xf32>
        %parallel_loop3A_563 = arith.subf %parallel_loop3A_556, %parallel_loop3A_562 : vector<16xf32>
        %parallel_loop3A_564 = arith.mulf %parallel_loop3A_563, %parallel_loop3A_563 : vector<16xf32>
        %parallel_loop3A_565 = arith.addf %parallel_loop3A_473, %parallel_loop3A_564 : vector<16xf32>
        %parallel_loop3A_566 = arith.constant 1 : i32
        %parallel_loop3A_567 = arith.index_cast %parallel_loop3A_566 : i32 to index
        %parallel_loop3A_568 = arith.index_cast %parallel_loop3A_467 : i32 to index
        %parallel_loop3A_569 = arith.constant 96 : index
        %parallel_loop3A_570 = tpu.vector_load %arg8[%parallel_loop3A_567, %parallel_loop3A_568, %parallel_loop3A_569] {strides = array<i32>} : memref<3x64x128xf32, #tpu.memory_space<vmem>>, vector<1x1x16xf32>,
        %parallel_loop3A_571 = vector.shape_cast %parallel_loop3A_570 : vector<1x1x16xf32> to vector<16xf32>
        %parallel_loop3A_572 = arith.constant 1 : i32
        %parallel_loop3A_573 = arith.index_cast %parallel_loop3A_572 : i32 to index
        %parallel_loop3A_574 = arith.index_cast %parallel_loop3A_467 : i32 to index
        %parallel_loop3A_575 = arith.constant 96 : index
        %parallel_loop3A_576 = tpu.vector_load %arg7[%parallel_loop3A_573, %parallel_loop3A_574, %parallel_loop3A_575] {strides = array<i32>} : memref<3x64x128xf32, #tpu.memory_space<vmem>>, vector<1x1x16xf32>,
        %parallel_loop3A_577 = vector.shape_cast %parallel_loop3A_576 : vector<1x1x16xf32> to vector<16xf32>
        %parallel_loop3A_578 = arith.subf %parallel_loop3A_571, %parallel_loop3A_577 : vector<16xf32>
        %parallel_loop3A_579 = arith.mulf %parallel_loop3A_578, %parallel_loop3A_578 : vector<16xf32>
        %parallel_loop3A_580 = arith.addf %parallel_loop3A_474, %parallel_loop3A_579 : vector<16xf32>
        %parallel_loop3A_581 = arith.constant 1 : i32
        %parallel_loop3A_582 = arith.index_cast %parallel_loop3A_581 : i32 to index
        %parallel_loop3A_583 = arith.index_cast %parallel_loop3A_467 : i32 to index
        %parallel_loop3A_584 = arith.constant 112 : index
        %parallel_loop3A_585 = tpu.vector_load %arg8[%parallel_loop3A_582, %parallel_loop3A_583, %parallel_loop3A_584] {strides = array<i32>} : memref<3x64x128xf32, #tpu.memory_space<vmem>>, vector<1x1x16xf32>,
        %parallel_loop3A_586 = vector.shape_cast %parallel_loop3A_585 : vector<1x1x16xf32> to vector<16xf32>
        %parallel_loop3A_587 = arith.constant 1 : i32
        %parallel_loop3A_588 = arith.index_cast %parallel_loop3A_587 : i32 to index
        %parallel_loop3A_589 = arith.index_cast %parallel_loop3A_467 : i32 to index
        %parallel_loop3A_590 = arith.constant 112 : index
        %parallel_loop3A_591 = tpu.vector_load %arg7[%parallel_loop3A_588, %parallel_loop3A_589, %parallel_loop3A_590] {strides = array<i32>} : memref<3x64x128xf32, #tpu.memory_space<vmem>>, vector<1x1x16xf32>,
        %parallel_loop3A_592 = vector.shape_cast %parallel_loop3A_591 : vector<1x1x16xf32> to vector<16xf32>
        %parallel_loop3A_593 = arith.subf %parallel_loop3A_586, %parallel_loop3A_592 : vector<16xf32>
        %parallel_loop3A_594 = arith.mulf %parallel_loop3A_593, %parallel_loop3A_593 : vector<16xf32>
        %parallel_loop3A_595 = arith.addf %parallel_loop3A_475, %parallel_loop3A_594 : vector<16xf32>
        scf.yield %parallel_loop3A_490, %parallel_loop3A_505, %parallel_loop3A_520, %parallel_loop3A_535, %parallel_loop3A_550, %parallel_loop3A_565, %parallel_loop3A_580, %parallel_loop3A_595 : vector<16xf32>, vector<16xf32>, vector<16xf32>, vector<16xf32>, vector<16xf32>, vector<16xf32>, vector<16xf32>, vector<16xf32>
      } {sc.loop_unroll_factor = 2 : i64, sc.parallel_access}
      %add3A_367 = arith.constant 3 : i32
      %add3A_368 = arith.addi %add3A_294, %add3A_367 : i32
      %lt3A_369 = arith.constant 7 : i32
      %lt3A_370 = arith.cmpi slt, %add3A_368, %lt3A_369 : i32
      %convert_element_type3A_371 = arith.extui %lt3A_370 : i1 to i32
      %cond3A_372 = arith.constant 0 : i32
      %cond3A_373 = arith.cmpi ne, %convert_element_type3A_371, %cond3A_372 : i32
      scf.if %cond3A_373 {
        %mul3A_467 = arith.constant 64 : i32
        %mul3A_468 = arith.muli %add3A_368, %mul3A_467 : i32
        %add3A_469 = arith.constant 0 : i32
        %add3A_470 = arith.addi %mul3A_468, %add3A_469 : i32
        %jit3A_471 = arith.constant 128 : i32
        %div3A_472 = arith.divsi %add3A_470, %jit3A_471 : i32
        %sign3A_473 = arith.constant 0 : i32
        %sign3A_474 = arith.cmpi sgt, %add3A_470, %sign3A_473 : i32
        %sign3A_475 = arith.extui %sign3A_474 : i1 to i32
        %sign3A_476 = arith.constant 0 : i32
        %sign3A_477 = arith.cmpi slt, %add3A_470, %sign3A_476 : i32
        %sign3A_478 = arith.extui %sign3A_477 : i1 to i32
        %sign3A_479 = arith.subi %sign3A_475, %sign3A_478 : i32
        %sign3A_480 = arith.constant 0 : i32
        %sign3A_481 = arith.cmpi sgt, %jit3A_471, %sign3A_480 : i32
        %sign3A_482 = arith.extui %sign3A_481 : i1 to i32
        %sign3A_483 = arith.constant 0 : i32
        %sign3A_484 = arith.cmpi slt, %jit3A_471, %sign3A_483 : i32
        %sign3A_485 = arith.extui %sign3A_484 : i1 to i32
        %sign3A_486 = arith.subi %sign3A_482, %sign3A_485 : i32
        %ne3A_487 = arith.cmpi ne, %sign3A_479, %sign3A_486 : i32
        %rem3A_488 = arith.remsi %add3A_470, %jit3A_471 : i32
        %ne3A_489 = arith.constant 0 : i32
        %ne3A_490 = arith.cmpi ne, %rem3A_488, %ne3A_489 : i32
        %and3A_491 = arith.andi %ne3A_487, %ne3A_490 : i1
        %sub3A_492 = arith.constant 1 : i32
        %sub3A_493 = arith.subi %div3A_472, %sub3A_492 : i32
        %select_n3A_494 = arith.select %and3A_491, %sub3A_493, %div3A_472 : i32
        %jit3A_495 = arith.constant 128 : i32
        %eq3A_496 = arith.constant 0 : i32
        %eq3A_497 = arith.cmpi eq, %jit3A_495, %eq3A_496 : i32
        %jit3A_498 = arith.constant 1 : i32
        %select_n3A_499 = arith.select %eq3A_497, %jit3A_498, %jit3A_495 : i32
        %rem3A_500 = arith.remsi %add3A_470, %select_n3A_499 : i32
        %ne3A_501 = arith.constant 0 : i32
        %ne3A_502 = arith.cmpi ne, %rem3A_500, %ne3A_501 : i32
        %lt3A_503 = arith.constant 0 : i32
        %lt3A_504 = arith.cmpi slt, %rem3A_500, %lt3A_503 : i32
        %lt3A_505 = arith.constant 0 : i32
        %lt3A_506 = arith.cmpi slt, %select_n3A_499, %lt3A_505 : i32
        %ne3A_507 = arith.xori %lt3A_504, %lt3A_506 : i1
        %and3A_508 = arith.andi %ne3A_507, %ne3A_502 : i1
        %add3A_509 = arith.addi %rem3A_500, %select_n3A_499 : i32
        %select_n3A_510 = arith.select %and3A_508, %add3A_509, %rem3A_500 : i32
        %add3A_511 = arith.addi %mul3A_2, %add3A_470 : i32
        %dma_start3A_512 = arith.constant 1 : i32
        %dma_start3A_513 = arith.constant 0 : i32
        %dma_start3A_514 = arith.constant 0 : i32
        %dma_start3A_515 = tpu.memref_slice %arg7[%dma_start3A_512, %dma_start3A_513, %dma_start3A_514] : memref<3x64x128xf32, #tpu.memory_space<vmem>> -> memref<1x64x128xf32, #tpu.memory_space<vmem>>
        %dma_start3A_516 = tpu.memref_squeeze %dma_start3A_515 : memref<1x64x128xf32, #tpu.memory_space<vmem>> -> memref<64x128xf32, #tpu.memory_space<vmem>>
        %dma_start3A_517 = tpu.memref_slice %arg6[%select_n3A_494, %select_n3A_510] : memref<4x128xi32, #tpu.memory_space<vmem>> -> memref<1x64xi32, #tpu.memory_space<vmem>>
        %dma_start3A_518 = tpu.memref_squeeze %dma_start3A_517 : memref<1x64xi32, #tpu.memory_space<vmem>> -> memref<64xi32, #tpu.memory_space<vmem>>
        %dma_start3A_519 = arith.constant 0 : i32
        %dma_start3A_520 = arith.constant 0 : i32
        %dma_start3A_521 = tpu.memref_slice %arg2[%dma_start3A_519, %dma_start3A_520] : memref<100000x128xf32, #tpu.memory_space<hbm>> -> memref<100000x128xf32, #tpu.memory_space<hbm>>
        tpu.enqueue_indirect_dma source(%dma_start3A_521 : memref<100000x128xf32, #tpu.memory_space<hbm>>) target(%dma_start3A_516 : memref<64x128xf32, #tpu.memory_space<vmem>>) offsets(%dma_start3A_518 : memref<64xi32, #tpu.memory_space<vmem>>) semaphore(%arg11 : memref<!tpu.dma_semaphore, #tpu.memory_space<semaphore_mem>>)
        %dma_start3A_522 = arith.constant 1 : i32
        %dma_start3A_523 = arith.constant 0 : i32
        %dma_start3A_524 = arith.constant 0 : i32
        %dma_start3A_525 = tpu.memref_slice %arg8[%dma_start3A_522, %dma_start3A_523, %dma_start3A_524] : memref<3x64x128xf32, #tpu.memory_space<vmem>> -> memref<1x64x128xf32, #tpu.memory_space<vmem>>
        %dma_start3A_526 = tpu.memref_squeeze %dma_start3A_525 : memref<1x64x128xf32, #tpu.memory_space<vmem>> -> memref<64x128xf32, #tpu.memory_space<vmem>>
        %dma_start3A_527 = arith.constant 0 : i32
        %dma_start3A_528 = tpu.memref_slice %arg4[%add3A_511, %dma_start3A_527] : memref<16384x128xf32, #tpu.memory_space<hbm>> -> memref<64x128xf32, #tpu.memory_space<hbm>>
        %dma_start3A_529 = arith.constant 0 : i32
        %dma_start3A_530 = arith.constant 0 : i32
        %dma_start3A_531 = tpu.memref_slice %arg8[%dma_start3A_522, %dma_start3A_529, %dma_start3A_530] : memref<3x64x128xf32, #tpu.memory_space<vmem>> -> memref<1x64x128xf32, #tpu.memory_space<vmem>>
        %dma_start3A_532 = tpu.memref_squeeze %dma_start3A_531 : memref<1x64x128xf32, #tpu.memory_space<vmem>> -> memref<64x128xf32, #tpu.memory_space<vmem>>
        %dma_start3A_533 = arith.constant 0 : i32
        %dma_start3A_534 = tpu.memref_slice %arg4[%add3A_511, %dma_start3A_533] : memref<16384x128xf32, #tpu.memory_space<hbm>> -> memref<64x128xf32, #tpu.memory_space<hbm>>
        tpu.enqueue_dma source(%dma_start3A_534 : memref<64x128xf32, #tpu.memory_space<hbm>>) target(%dma_start3A_532 : memref<64x128xf32, #tpu.memory_space<vmem>>) target_semaphore(%arg14 : memref<!tpu.dma_semaphore, #tpu.memory_space<semaphore_mem>>)
      } else {
      }
      %eq3A_374 = arith.constant 7 : i32
      %eq3A_375 = arith.cmpi eq, %add3A_368, %eq3A_374 : i32
      %convert_element_type3A_376 = arith.extui %eq3A_375 : i1 to i32
      %cond3A_377 = arith.constant 0 : i32
      %cond3A_378 = arith.cmpi ne, %convert_element_type3A_376, %cond3A_377 : i32
      scf.if %cond3A_378 {
        %mul3A_467 = arith.constant 64 : i32
        %mul3A_468 = arith.muli %add3A_368, %mul3A_467 : i32
        %add3A_469 = arith.constant 0 : i32
        %add3A_470 = arith.addi %mul3A_468, %add3A_469 : i32
        %jit3A_471 = arith.constant 128 : i32
        %div3A_472 = arith.divsi %add3A_470, %jit3A_471 : i32
        %sign3A_473 = arith.constant 0 : i32
        %sign3A_474 = arith.cmpi sgt, %add3A_470, %sign3A_473 : i32
        %sign3A_475 = arith.extui %sign3A_474 : i1 to i32
        %sign3A_476 = arith.constant 0 : i32
        %sign3A_477 = arith.cmpi slt, %add3A_470, %sign3A_476 : i32
        %sign3A_478 = arith.extui %sign3A_477 : i1 to i32
        %sign3A_479 = arith.subi %sign3A_475, %sign3A_478 : i32
        %sign3A_480 = arith.constant 0 : i32
        %sign3A_481 = arith.cmpi sgt, %jit3A_471, %sign3A_480 : i32
        %sign3A_482 = arith.extui %sign3A_481 : i1 to i32
        %sign3A_483 = arith.constant 0 : i32
        %sign3A_484 = arith.cmpi slt, %jit3A_471, %sign3A_483 : i32
        %sign3A_485 = arith.extui %sign3A_484 : i1 to i32
        %sign3A_486 = arith.subi %sign3A_482, %sign3A_485 : i32
        %ne3A_487 = arith.cmpi ne, %sign3A_479, %sign3A_486 : i32
        %rem3A_488 = arith.remsi %add3A_470, %jit3A_471 : i32
        %ne3A_489 = arith.constant 0 : i32
        %ne3A_490 = arith.cmpi ne, %rem3A_488, %ne3A_489 : i32
        %and3A_491 = arith.andi %ne3A_487, %ne3A_490 : i1
        %sub3A_492 = arith.constant 1 : i32
        %sub3A_493 = arith.subi %div3A_472, %sub3A_492 : i32
        %select_n3A_494 = arith.select %and3A_491, %sub3A_493, %div3A_472 : i32
        %jit3A_495 = arith.constant 128 : i32
        %eq3A_496 = arith.constant 0 : i32
        %eq3A_497 = arith.cmpi eq, %jit3A_495, %eq3A_496 : i32
        %jit3A_498 = arith.constant 1 : i32
        %select_n3A_499 = arith.select %eq3A_497, %jit3A_498, %jit3A_495 : i32
        %rem3A_500 = arith.remsi %add3A_470, %select_n3A_499 : i32
        %ne3A_501 = arith.constant 0 : i32
        %ne3A_502 = arith.cmpi ne, %rem3A_500, %ne3A_501 : i32
        %lt3A_503 = arith.constant 0 : i32
        %lt3A_504 = arith.cmpi slt, %rem3A_500, %lt3A_503 : i32
        %lt3A_505 = arith.constant 0 : i32
        %lt3A_506 = arith.cmpi slt, %select_n3A_499, %lt3A_505 : i32
        %ne3A_507 = arith.xori %lt3A_504, %lt3A_506 : i1
        %and3A_508 = arith.andi %ne3A_507, %ne3A_502 : i1
        %add3A_509 = arith.addi %rem3A_500, %select_n3A_499 : i32
        %select_n3A_510 = arith.select %and3A_508, %add3A_509, %rem3A_500 : i32
        %add3A_511 = arith.addi %mul3A_2, %add3A_470 : i32
        %dma_start3A_512 = arith.constant 1 : i32
        %dma_start3A_513 = arith.constant 0 : i32
        %dma_start3A_514 = arith.constant 0 : i32
        %dma_start3A_515 = tpu.memref_slice %arg7[%dma_start3A_512, %dma_start3A_513, %dma_start3A_514] : memref<3x64x128xf32, #tpu.memory_space<vmem>> -> memref<1x32x128xf32, #tpu.memory_space<vmem>>
        %dma_start3A_516 = tpu.memref_squeeze %dma_start3A_515 : memref<1x32x128xf32, #tpu.memory_space<vmem>> -> memref<32x128xf32, #tpu.memory_space<vmem>>
        %dma_start3A_517 = tpu.memref_slice %arg6[%select_n3A_494, %select_n3A_510] : memref<4x128xi32, #tpu.memory_space<vmem>> -> memref<1x32xi32, #tpu.memory_space<vmem>>
        %dma_start3A_518 = tpu.memref_squeeze %dma_start3A_517 : memref<1x32xi32, #tpu.memory_space<vmem>> -> memref<32xi32, #tpu.memory_space<vmem>>
        %dma_start3A_519 = arith.constant 0 : i32
        %dma_start3A_520 = arith.constant 0 : i32
        %dma_start3A_521 = tpu.memref_slice %arg2[%dma_start3A_519, %dma_start3A_520] : memref<100000x128xf32, #tpu.memory_space<hbm>> -> memref<100000x128xf32, #tpu.memory_space<hbm>>
        tpu.enqueue_indirect_dma source(%dma_start3A_521 : memref<100000x128xf32, #tpu.memory_space<hbm>>) target(%dma_start3A_516 : memref<32x128xf32, #tpu.memory_space<vmem>>) offsets(%dma_start3A_518 : memref<32xi32, #tpu.memory_space<vmem>>) semaphore(%arg11 : memref<!tpu.dma_semaphore, #tpu.memory_space<semaphore_mem>>)
        %dma_start3A_522 = arith.constant 1 : i32
        %dma_start3A_523 = arith.constant 0 : i32
        %dma_start3A_524 = arith.constant 0 : i32
        %dma_start3A_525 = tpu.memref_slice %arg8[%dma_start3A_522, %dma_start3A_523, %dma_start3A_524] : memref<3x64x128xf32, #tpu.memory_space<vmem>> -> memref<1x32x128xf32, #tpu.memory_space<vmem>>
        %dma_start3A_526 = tpu.memref_squeeze %dma_start3A_525 : memref<1x32x128xf32, #tpu.memory_space<vmem>> -> memref<32x128xf32, #tpu.memory_space<vmem>>
        %dma_start3A_527 = arith.constant 0 : i32
        %dma_start3A_528 = tpu.memref_slice %arg4[%add3A_511, %dma_start3A_527] : memref<16384x128xf32, #tpu.memory_space<hbm>> -> memref<32x128xf32, #tpu.memory_space<hbm>>
        %dma_start3A_529 = arith.constant 0 : i32
        %dma_start3A_530 = arith.constant 0 : i32
        %dma_start3A_531 = tpu.memref_slice %arg8[%dma_start3A_522, %dma_start3A_529, %dma_start3A_530] : memref<3x64x128xf32, #tpu.memory_space<vmem>> -> memref<1x32x128xf32, #tpu.memory_space<vmem>>
        %dma_start3A_532 = tpu.memref_squeeze %dma_start3A_531 : memref<1x32x128xf32, #tpu.memory_space<vmem>> -> memref<32x128xf32, #tpu.memory_space<vmem>>
        %dma_start3A_533 = arith.constant 0 : i32
        %dma_start3A_534 = tpu.memref_slice %arg4[%add3A_511, %dma_start3A_533] : memref<16384x128xf32, #tpu.memory_space<hbm>> -> memref<32x128xf32, #tpu.memory_space<hbm>>
        tpu.enqueue_dma source(%dma_start3A_534 : memref<32x128xf32, #tpu.memory_space<hbm>>) target(%dma_start3A_532 : memref<32x128xf32, #tpu.memory_space<vmem>>) target_semaphore(%arg14 : memref<!tpu.dma_semaphore, #tpu.memory_space<semaphore_mem>>)
        %mul3A_535 = arith.constant 64 : i32
        %mul3A_536 = arith.muli %add3A_368, %mul3A_535 : i32
        %add3A_537 = arith.constant 32 : i32
        %add3A_538 = arith.addi %mul3A_536, %add3A_537 : i32
        %jit3A_539 = arith.constant 128 : i32
        %div3A_540 = arith.divsi %add3A_538, %jit3A_539 : i32
        %sign3A_541 = arith.constant 0 : i32
        %sign3A_542 = arith.cmpi sgt, %add3A_538, %sign3A_541 : i32
        %sign3A_543 = arith.extui %sign3A_542 : i1 to i32
        %sign3A_544 = arith.constant 0 : i32
        %sign3A_545 = arith.cmpi slt, %add3A_538, %sign3A_544 : i32
        %sign3A_546 = arith.extui %sign3A_545 : i1 to i32
        %sign3A_547 = arith.subi %sign3A_543, %sign3A_546 : i32
        %sign3A_548 = arith.constant 0 : i32
        %sign3A_549 = arith.cmpi sgt, %jit3A_539, %sign3A_548 : i32
        %sign3A_550 = arith.extui %sign3A_549 : i1 to i32
        %sign3A_551 = arith.constant 0 : i32
        %sign3A_552 = arith.cmpi slt, %jit3A_539, %sign3A_551 : i32
        %sign3A_553 = arith.extui %sign3A_552 : i1 to i32
        %sign3A_554 = arith.subi %sign3A_550, %sign3A_553 : i32
        %ne3A_555 = arith.cmpi ne, %sign3A_547, %sign3A_554 : i32
        %rem3A_556 = arith.remsi %add3A_538, %jit3A_539 : i32
        %ne3A_557 = arith.constant 0 : i32
        %ne3A_558 = arith.cmpi ne, %rem3A_556, %ne3A_557 : i32
        %and3A_559 = arith.andi %ne3A_555, %ne3A_558 : i1
        %sub3A_560 = arith.constant 1 : i32
        %sub3A_561 = arith.subi %div3A_540, %sub3A_560 : i32
        %select_n3A_562 = arith.select %and3A_559, %sub3A_561, %div3A_540 : i32
        %jit3A_563 = arith.constant 128 : i32
        %eq3A_564 = arith.constant 0 : i32
        %eq3A_565 = arith.cmpi eq, %jit3A_563, %eq3A_564 : i32
        %jit3A_566 = arith.constant 1 : i32
        %select_n3A_567 = arith.select %eq3A_565, %jit3A_566, %jit3A_563 : i32
        %rem3A_568 = arith.remsi %add3A_538, %select_n3A_567 : i32
        %ne3A_569 = arith.constant 0 : i32
        %ne3A_570 = arith.cmpi ne, %rem3A_568, %ne3A_569 : i32
        %lt3A_571 = arith.constant 0 : i32
        %lt3A_572 = arith.cmpi slt, %rem3A_568, %lt3A_571 : i32
        %lt3A_573 = arith.constant 0 : i32
        %lt3A_574 = arith.cmpi slt, %select_n3A_567, %lt3A_573 : i32
        %ne3A_575 = arith.xori %lt3A_572, %lt3A_574 : i1
        %and3A_576 = arith.andi %ne3A_575, %ne3A_570 : i1
        %add3A_577 = arith.addi %rem3A_568, %select_n3A_567 : i32
        %select_n3A_578 = arith.select %and3A_576, %add3A_577, %rem3A_568 : i32
        %add3A_579 = arith.addi %mul3A_2, %add3A_538 : i32
        %dma_start3A_580 = arith.constant 1 : i32
        %dma_start3A_581 = arith.constant 32 : i32
        %dma_start3A_582 = arith.constant 0 : i32
        %dma_start3A_583 = tpu.memref_slice %arg7[%dma_start3A_580, %dma_start3A_581, %dma_start3A_582] : memref<3x64x128xf32, #tpu.memory_space<vmem>> -> memref<1x32x128xf32, #tpu.memory_space<vmem>>
        %dma_start3A_584 = tpu.memref_squeeze %dma_start3A_583 : memref<1x32x128xf32, #tpu.memory_space<vmem>> -> memref<32x128xf32, #tpu.memory_space<vmem>>
        %dma_start3A_585 = tpu.memref_slice %arg6[%select_n3A_562, %select_n3A_578] : memref<4x128xi32, #tpu.memory_space<vmem>> -> memref<1x32xi32, #tpu.memory_space<vmem>>
        %dma_start3A_586 = tpu.memref_squeeze %dma_start3A_585 : memref<1x32xi32, #tpu.memory_space<vmem>> -> memref<32xi32, #tpu.memory_space<vmem>>
        %dma_start3A_587 = arith.constant 0 : i32
        %dma_start3A_588 = arith.constant 0 : i32
        %dma_start3A_589 = tpu.memref_slice %arg2[%dma_start3A_587, %dma_start3A_588] : memref<100000x128xf32, #tpu.memory_space<hbm>> -> memref<100000x128xf32, #tpu.memory_space<hbm>>
        tpu.enqueue_indirect_dma source(%dma_start3A_589 : memref<100000x128xf32, #tpu.memory_space<hbm>>) target(%dma_start3A_584 : memref<32x128xf32, #tpu.memory_space<vmem>>) offsets(%dma_start3A_586 : memref<32xi32, #tpu.memory_space<vmem>>) semaphore(%arg11 : memref<!tpu.dma_semaphore, #tpu.memory_space<semaphore_mem>>)
        %dma_start3A_590 = arith.constant 1 : i32
        %dma_start3A_591 = arith.constant 32 : i32
        %dma_start3A_592 = arith.constant 0 : i32
        %dma_start3A_593 = tpu.memref_slice %arg8[%dma_start3A_590, %dma_start3A_591, %dma_start3A_592] : memref<3x64x128xf32, #tpu.memory_space<vmem>> -> memref<1x32x128xf32, #tpu.memory_space<vmem>>
        %dma_start3A_594 = tpu.memref_squeeze %dma_start3A_593 : memref<1x32x128xf32, #tpu.memory_space<vmem>> -> memref<32x128xf32, #tpu.memory_space<vmem>>
        %dma_start3A_595 = arith.constant 0 : i32
        %dma_start3A_596 = tpu.memref_slice %arg4[%add3A_579, %dma_start3A_595] : memref<16384x128xf32, #tpu.memory_space<hbm>> -> memref<32x128xf32, #tpu.memory_space<hbm>>
        %dma_start3A_597 = arith.constant 32 : i32
        %dma_start3A_598 = arith.constant 0 : i32
        %dma_start3A_599 = tpu.memref_slice %arg8[%dma_start3A_590, %dma_start3A_597, %dma_start3A_598] : memref<3x64x128xf32, #tpu.memory_space<vmem>> -> memref<1x32x128xf32, #tpu.memory_space<vmem>>
        %dma_start3A_600 = tpu.memref_squeeze %dma_start3A_599 : memref<1x32x128xf32, #tpu.memory_space<vmem>> -> memref<32x128xf32, #tpu.memory_space<vmem>>
        %dma_start3A_601 = arith.constant 0 : i32
        %dma_start3A_602 = tpu.memref_slice %arg4[%add3A_579, %dma_start3A_601] : memref<16384x128xf32, #tpu.memory_space<hbm>> -> memref<32x128xf32, #tpu.memory_space<hbm>>
        tpu.enqueue_dma source(%dma_start3A_602 : memref<32x128xf32, #tpu.memory_space<hbm>>) target(%dma_start3A_600 : memref<32x128xf32, #tpu.memory_space<vmem>>) target_semaphore(%arg14 : memref<!tpu.dma_semaphore, #tpu.memory_space<semaphore_mem>>)
      } else {
      }
      %mul3A_379 = arith.constant 3 : i32
      %mul3A_380 = arith.muli %mul3A_379, %scan3A_206 : i32
      %add3A_381 = arith.constant 2 : i32
      %add3A_382 = arith.addi %mul3A_380, %add3A_381 : i32
      %mul3A_383 = arith.constant 64 : i32
      %mul3A_384 = arith.muli %add3A_382, %mul3A_383 : i32
      %add3A_385 = arith.constant 0 : i32
      %add3A_386 = arith.addi %mul3A_384, %add3A_385 : i32
      %jit3A_387 = arith.constant 128 : i32
      %div3A_388 = arith.divsi %add3A_386, %jit3A_387 : i32
      %sign3A_389 = arith.constant 0 : i32
      %sign3A_390 = arith.cmpi sgt, %add3A_386, %sign3A_389 : i32
      %sign3A_391 = arith.extui %sign3A_390 : i1 to i32
      %sign3A_392 = arith.constant 0 : i32
      %sign3A_393 = arith.cmpi slt, %add3A_386, %sign3A_392 : i32
      %sign3A_394 = arith.extui %sign3A_393 : i1 to i32
      %sign3A_395 = arith.subi %sign3A_391, %sign3A_394 : i32
      %sign3A_396 = arith.constant 0 : i32
      %sign3A_397 = arith.cmpi sgt, %jit3A_387, %sign3A_396 : i32
      %sign3A_398 = arith.extui %sign3A_397 : i1 to i32
      %sign3A_399 = arith.constant 0 : i32
      %sign3A_400 = arith.cmpi slt, %jit3A_387, %sign3A_399 : i32
      %sign3A_401 = arith.extui %sign3A_400 : i1 to i32
      %sign3A_402 = arith.subi %sign3A_398, %sign3A_401 : i32
      %ne3A_403 = arith.cmpi ne, %sign3A_395, %sign3A_402 : i32
      %rem3A_404 = arith.remsi %add3A_386, %jit3A_387 : i32
      %ne3A_405 = arith.constant 0 : i32
      %ne3A_406 = arith.cmpi ne, %rem3A_404, %ne3A_405 : i32
      %and3A_407 = arith.andi %ne3A_403, %ne3A_406 : i1
      %sub3A_408 = arith.constant 1 : i32
      %sub3A_409 = arith.subi %div3A_388, %sub3A_408 : i32
      %select_n3A_410 = arith.select %and3A_407, %sub3A_409, %div3A_388 : i32
      %jit3A_411 = arith.constant 128 : i32
      %eq3A_412 = arith.constant 0 : i32
      %eq3A_413 = arith.cmpi eq, %jit3A_411, %eq3A_412 : i32
      %jit3A_414 = arith.constant 1 : i32
      %select_n3A_415 = arith.select %eq3A_413, %jit3A_414, %jit3A_411 : i32
      %rem3A_416 = arith.remsi %add3A_386, %select_n3A_415 : i32
      %ne3A_417 = arith.constant 0 : i32
      %ne3A_418 = arith.cmpi ne, %rem3A_416, %ne3A_417 : i32
      %lt3A_419 = arith.constant 0 : i32
      %lt3A_420 = arith.cmpi slt, %rem3A_416, %lt3A_419 : i32
      %lt3A_421 = arith.constant 0 : i32
      %lt3A_422 = arith.cmpi slt, %select_n3A_415, %lt3A_421 : i32
      %ne3A_423 = arith.xori %lt3A_420, %lt3A_422 : i1
      %and3A_424 = arith.andi %ne3A_423, %ne3A_418 : i1
      %add3A_425 = arith.addi %rem3A_416, %select_n3A_415 : i32
      %select_n3A_426 = arith.select %and3A_424, %add3A_425, %rem3A_416 : i32
      %add3A_427 = arith.addi %mul3A_2, %add3A_386 : i32
      %dma_wait3A_428 = arith.constant 2 : i32
      %dma_wait3A_429 = arith.constant 0 : i32
      %dma_wait3A_430 = arith.constant 0 : i32
      %dma_wait3A_431 = tpu.memref_slice %arg7[%dma_wait3A_428, %dma_wait3A_429, %dma_wait3A_430] : memref<3x64x128xf32, #tpu.memory_space<vmem>> -> memref<1x64x128xf32, #tpu.memory_space<vmem>>
      %dma_wait3A_432 = tpu.memref_squeeze %dma_wait3A_431 : memref<1x64x128xf32, #tpu.memory_space<vmem>> -> memref<64x128xf32, #tpu.memory_space<vmem>>
      %dma_wait3A_433 = tpu.memref_slice %arg6[%select_n3A_410, %select_n3A_426] : memref<4x128xi32, #tpu.memory_space<vmem>> -> memref<1x64xi32, #tpu.memory_space<vmem>>
      %dma_wait3A_434 = tpu.memref_squeeze %dma_wait3A_433 : memref<1x64xi32, #tpu.memory_space<vmem>> -> memref<64xi32, #tpu.memory_space<vmem>>
      %dma_wait3A_435 = arith.constant 0 : i32
      %dma_wait3A_436 = arith.constant 0 : i32
      %dma_wait3A_437 = tpu.memref_slice %arg2[%dma_wait3A_435, %dma_wait3A_436] : memref<100000x128xf32, #tpu.memory_space<hbm>> -> memref<100000x128xf32, #tpu.memory_space<hbm>>
      tpu.wait_indirect_dma semaphore(%arg12 : memref<!tpu.dma_semaphore, #tpu.memory_space<semaphore_mem>>) src(%dma_wait3A_437 : memref<100000x128xf32, #tpu.memory_space<hbm>>) dst(%dma_wait3A_432 : memref<64x128xf32, #tpu.memory_space<vmem>>)
      %dma_wait3A_438 = arith.constant 2 : i32
      %dma_wait3A_439 = arith.constant 0 : i32
      %dma_wait3A_440 = arith.constant 0 : i32
      %dma_wait3A_441 = tpu.memref_slice %arg8[%dma_wait3A_438, %dma_wait3A_439, %dma_wait3A_440] : memref<3x64x128xf32, #tpu.memory_space<vmem>> -> memref<1x64x128xf32, #tpu.memory_space<vmem>>
      %dma_wait3A_442 = tpu.memref_squeeze %dma_wait3A_441 : memref<1x64x128xf32, #tpu.memory_space<vmem>> -> memref<64x128xf32, #tpu.memory_space<vmem>>
      %dma_wait3A_443 = arith.constant 0 : i32
      %dma_wait3A_444 = tpu.memref_slice %arg4[%add3A_427, %dma_wait3A_443] : memref<16384x128xf32, #tpu.memory_space<hbm>> -> memref<64x128xf32, #tpu.memory_space<hbm>>
      %dma_wait3A_445 = arith.constant 0 : i32
      %dma_wait3A_446 = arith.constant 0 : i32
      %dma_wait3A_447 = tpu.memref_slice %arg8[%dma_wait3A_438, %dma_wait3A_445, %dma_wait3A_446] : memref<3x64x128xf32, #tpu.memory_space<vmem>> -> memref<1x64x128xf32, #tpu.memory_space<vmem>>
      %dma_wait3A_448 = tpu.memref_squeeze %dma_wait3A_447 : memref<1x64x128xf32, #tpu.memory_space<vmem>> -> memref<64x128xf32, #tpu.memory_space<vmem>>
      %dma_wait3A_449 = arith.constant 0 : i32
      %dma_wait3A_450 = tpu.memref_slice %arg4[%add3A_427, %dma_wait3A_449] : memref<16384x128xf32, #tpu.memory_space<hbm>> -> memref<64x128xf32, #tpu.memory_space<hbm>>
      tpu.wait_dma2 semaphore(%arg15 : memref<!tpu.dma_semaphore, #tpu.memory_space<semaphore_mem>>) src(%dma_wait3A_450 : memref<64x128xf32, #tpu.memory_space<hbm>>) dst(%dma_wait3A_448 : memref<64x128xf32, #tpu.memory_space<vmem>>)
      %parallel_loop3A_451 = arith.constant 0 : i32
      %parallel_loop3A_452 = arith.constant 64 : i32
      %parallel_loop3A_453 = arith.constant 1 : i32
      %parallel_loop3A_454:8 = scf.for %parallel_loop3A_467 = %parallel_loop3A_451 to %parallel_loop3A_452 step %parallel_loop3A_453 iter_args(%parallel_loop3A_468 = %parallel_loop3A_366#0, %parallel_loop3A_469 = %parallel_loop3A_366#1, %parallel_loop3A_470 = %parallel_loop3A_366#2, %parallel_loop3A_471 = %parallel_loop3A_366#3, %parallel_loop3A_472 = %parallel_loop3A_366#4, %parallel_loop3A_473 = %parallel_loop3A_366#5, %parallel_loop3A_474 = %parallel_loop3A_366#6, %parallel_loop3A_475 = %parallel_loop3A_366#7) -> (vector<16xf32>, vector<16xf32>, vector<16xf32>, vector<16xf32>, vector<16xf32>, vector<16xf32>, vector<16xf32>, vector<16xf32>)  : i32 {
        %parallel_loop3A_476 = arith.constant 2 : i32
        %parallel_loop3A_477 = arith.index_cast %parallel_loop3A_476 : i32 to index
        %parallel_loop3A_478 = arith.index_cast %parallel_loop3A_467 : i32 to index
        %parallel_loop3A_479 = arith.constant 0 : index
        %parallel_loop3A_480 = tpu.vector_load %arg8[%parallel_loop3A_477, %parallel_loop3A_478, %parallel_loop3A_479] {strides = array<i32>} : memref<3x64x128xf32, #tpu.memory_space<vmem>>, vector<1x1x16xf32>,
        %parallel_loop3A_481 = vector.shape_cast %parallel_loop3A_480 : vector<1x1x16xf32> to vector<16xf32>
        %parallel_loop3A_482 = arith.constant 2 : i32
        %parallel_loop3A_483 = arith.index_cast %parallel_loop3A_482 : i32 to index
        %parallel_loop3A_484 = arith.index_cast %parallel_loop3A_467 : i32 to index
        %parallel_loop3A_485 = arith.constant 0 : index
        %parallel_loop3A_486 = tpu.vector_load %arg7[%parallel_loop3A_483, %parallel_loop3A_484, %parallel_loop3A_485] {strides = array<i32>} : memref<3x64x128xf32, #tpu.memory_space<vmem>>, vector<1x1x16xf32>,
        %parallel_loop3A_487 = vector.shape_cast %parallel_loop3A_486 : vector<1x1x16xf32> to vector<16xf32>
        %parallel_loop3A_488 = arith.subf %parallel_loop3A_481, %parallel_loop3A_487 : vector<16xf32>
        %parallel_loop3A_489 = arith.mulf %parallel_loop3A_488, %parallel_loop3A_488 : vector<16xf32>
        %parallel_loop3A_490 = arith.addf %parallel_loop3A_468, %parallel_loop3A_489 : vector<16xf32>
        %parallel_loop3A_491 = arith.constant 2 : i32
        %parallel_loop3A_492 = arith.index_cast %parallel_loop3A_491 : i32 to index
        %parallel_loop3A_493 = arith.index_cast %parallel_loop3A_467 : i32 to index
        %parallel_loop3A_494 = arith.constant 16 : index
        %parallel_loop3A_495 = tpu.vector_load %arg8[%parallel_loop3A_492, %parallel_loop3A_493, %parallel_loop3A_494] {strides = array<i32>} : memref<3x64x128xf32, #tpu.memory_space<vmem>>, vector<1x1x16xf32>,
        %parallel_loop3A_496 = vector.shape_cast %parallel_loop3A_495 : vector<1x1x16xf32> to vector<16xf32>
        %parallel_loop3A_497 = arith.constant 2 : i32
        %parallel_loop3A_498 = arith.index_cast %parallel_loop3A_497 : i32 to index
        %parallel_loop3A_499 = arith.index_cast %parallel_loop3A_467 : i32 to index
        %parallel_loop3A_500 = arith.constant 16 : index
        %parallel_loop3A_501 = tpu.vector_load %arg7[%parallel_loop3A_498, %parallel_loop3A_499, %parallel_loop3A_500] {strides = array<i32>} : memref<3x64x128xf32, #tpu.memory_space<vmem>>, vector<1x1x16xf32>,
        %parallel_loop3A_502 = vector.shape_cast %parallel_loop3A_501 : vector<1x1x16xf32> to vector<16xf32>
        %parallel_loop3A_503 = arith.subf %parallel_loop3A_496, %parallel_loop3A_502 : vector<16xf32>
        %parallel_loop3A_504 = arith.mulf %parallel_loop3A_503, %parallel_loop3A_503 : vector<16xf32>
        %parallel_loop3A_505 = arith.addf %parallel_loop3A_469, %parallel_loop3A_504 : vector<16xf32>
        %parallel_loop3A_506 = arith.constant 2 : i32
        %parallel_loop3A_507 = arith.index_cast %parallel_loop3A_506 : i32 to index
        %parallel_loop3A_508 = arith.index_cast %parallel_loop3A_467 : i32 to index
        %parallel_loop3A_509 = arith.constant 32 : index
        %parallel_loop3A_510 = tpu.vector_load %arg8[%parallel_loop3A_507, %parallel_loop3A_508, %parallel_loop3A_509] {strides = array<i32>} : memref<3x64x128xf32, #tpu.memory_space<vmem>>, vector<1x1x16xf32>,
        %parallel_loop3A_511 = vector.shape_cast %parallel_loop3A_510 : vector<1x1x16xf32> to vector<16xf32>
        %parallel_loop3A_512 = arith.constant 2 : i32
        %parallel_loop3A_513 = arith.index_cast %parallel_loop3A_512 : i32 to index
        %parallel_loop3A_514 = arith.index_cast %parallel_loop3A_467 : i32 to index
        %parallel_loop3A_515 = arith.constant 32 : index
        %parallel_loop3A_516 = tpu.vector_load %arg7[%parallel_loop3A_513, %parallel_loop3A_514, %parallel_loop3A_515] {strides = array<i32>} : memref<3x64x128xf32, #tpu.memory_space<vmem>>, vector<1x1x16xf32>,
        %parallel_loop3A_517 = vector.shape_cast %parallel_loop3A_516 : vector<1x1x16xf32> to vector<16xf32>
        %parallel_loop3A_518 = arith.subf %parallel_loop3A_511, %parallel_loop3A_517 : vector<16xf32>
        %parallel_loop3A_519 = arith.mulf %parallel_loop3A_518, %parallel_loop3A_518 : vector<16xf32>
        %parallel_loop3A_520 = arith.addf %parallel_loop3A_470, %parallel_loop3A_519 : vector<16xf32>
        %parallel_loop3A_521 = arith.constant 2 : i32
        %parallel_loop3A_522 = arith.index_cast %parallel_loop3A_521 : i32 to index
        %parallel_loop3A_523 = arith.index_cast %parallel_loop3A_467 : i32 to index
        %parallel_loop3A_524 = arith.constant 48 : index
        %parallel_loop3A_525 = tpu.vector_load %arg8[%parallel_loop3A_522, %parallel_loop3A_523, %parallel_loop3A_524] {strides = array<i32>} : memref<3x64x128xf32, #tpu.memory_space<vmem>>, vector<1x1x16xf32>,
        %parallel_loop3A_526 = vector.shape_cast %parallel_loop3A_525 : vector<1x1x16xf32> to vector<16xf32>
        %parallel_loop3A_527 = arith.constant 2 : i32
        %parallel_loop3A_528 = arith.index_cast %parallel_loop3A_527 : i32 to index
        %parallel_loop3A_529 = arith.index_cast %parallel_loop3A_467 : i32 to index
        %parallel_loop3A_530 = arith.constant 48 : index
        %parallel_loop3A_531 = tpu.vector_load %arg7[%parallel_loop3A_528, %parallel_loop3A_529, %parallel_loop3A_530] {strides = array<i32>} : memref<3x64x128xf32, #tpu.memory_space<vmem>>, vector<1x1x16xf32>,
        %parallel_loop3A_532 = vector.shape_cast %parallel_loop3A_531 : vector<1x1x16xf32> to vector<16xf32>
        %parallel_loop3A_533 = arith.subf %parallel_loop3A_526, %parallel_loop3A_532 : vector<16xf32>
        %parallel_loop3A_534 = arith.mulf %parallel_loop3A_533, %parallel_loop3A_533 : vector<16xf32>
        %parallel_loop3A_535 = arith.addf %parallel_loop3A_471, %parallel_loop3A_534 : vector<16xf32>
        %parallel_loop3A_536 = arith.constant 2 : i32
        %parallel_loop3A_537 = arith.index_cast %parallel_loop3A_536 : i32 to index
        %parallel_loop3A_538 = arith.index_cast %parallel_loop3A_467 : i32 to index
        %parallel_loop3A_539 = arith.constant 64 : index
        %parallel_loop3A_540 = tpu.vector_load %arg8[%parallel_loop3A_537, %parallel_loop3A_538, %parallel_loop3A_539] {strides = array<i32>} : memref<3x64x128xf32, #tpu.memory_space<vmem>>, vector<1x1x16xf32>,
        %parallel_loop3A_541 = vector.shape_cast %parallel_loop3A_540 : vector<1x1x16xf32> to vector<16xf32>
        %parallel_loop3A_542 = arith.constant 2 : i32
        %parallel_loop3A_543 = arith.index_cast %parallel_loop3A_542 : i32 to index
        %parallel_loop3A_544 = arith.index_cast %parallel_loop3A_467 : i32 to index
        %parallel_loop3A_545 = arith.constant 64 : index
        %parallel_loop3A_546 = tpu.vector_load %arg7[%parallel_loop3A_543, %parallel_loop3A_544, %parallel_loop3A_545] {strides = array<i32>} : memref<3x64x128xf32, #tpu.memory_space<vmem>>, vector<1x1x16xf32>,
        %parallel_loop3A_547 = vector.shape_cast %parallel_loop3A_546 : vector<1x1x16xf32> to vector<16xf32>
        %parallel_loop3A_548 = arith.subf %parallel_loop3A_541, %parallel_loop3A_547 : vector<16xf32>
        %parallel_loop3A_549 = arith.mulf %parallel_loop3A_548, %parallel_loop3A_548 : vector<16xf32>
        %parallel_loop3A_550 = arith.addf %parallel_loop3A_472, %parallel_loop3A_549 : vector<16xf32>
        %parallel_loop3A_551 = arith.constant 2 : i32
        %parallel_loop3A_552 = arith.index_cast %parallel_loop3A_551 : i32 to index
        %parallel_loop3A_553 = arith.index_cast %parallel_loop3A_467 : i32 to index
        %parallel_loop3A_554 = arith.constant 80 : index
        %parallel_loop3A_555 = tpu.vector_load %arg8[%parallel_loop3A_552, %parallel_loop3A_553, %parallel_loop3A_554] {strides = array<i32>} : memref<3x64x128xf32, #tpu.memory_space<vmem>>, vector<1x1x16xf32>,
        %parallel_loop3A_556 = vector.shape_cast %parallel_loop3A_555 : vector<1x1x16xf32> to vector<16xf32>
        %parallel_loop3A_557 = arith.constant 2 : i32
        %parallel_loop3A_558 = arith.index_cast %parallel_loop3A_557 : i32 to index
        %parallel_loop3A_559 = arith.index_cast %parallel_loop3A_467 : i32 to index
        %parallel_loop3A_560 = arith.constant 80 : index
        %parallel_loop3A_561 = tpu.vector_load %arg7[%parallel_loop3A_558, %parallel_loop3A_559, %parallel_loop3A_560] {strides = array<i32>} : memref<3x64x128xf32, #tpu.memory_space<vmem>>, vector<1x1x16xf32>,
        %parallel_loop3A_562 = vector.shape_cast %parallel_loop3A_561 : vector<1x1x16xf32> to vector<16xf32>
        %parallel_loop3A_563 = arith.subf %parallel_loop3A_556, %parallel_loop3A_562 : vector<16xf32>
        %parallel_loop3A_564 = arith.mulf %parallel_loop3A_563, %parallel_loop3A_563 : vector<16xf32>
        %parallel_loop3A_565 = arith.addf %parallel_loop3A_473, %parallel_loop3A_564 : vector<16xf32>
        %parallel_loop3A_566 = arith.constant 2 : i32
        %parallel_loop3A_567 = arith.index_cast %parallel_loop3A_566 : i32 to index
        %parallel_loop3A_568 = arith.index_cast %parallel_loop3A_467 : i32 to index
        %parallel_loop3A_569 = arith.constant 96 : index
        %parallel_loop3A_570 = tpu.vector_load %arg8[%parallel_loop3A_567, %parallel_loop3A_568, %parallel_loop3A_569] {strides = array<i32>} : memref<3x64x128xf32, #tpu.memory_space<vmem>>, vector<1x1x16xf32>,
        %parallel_loop3A_571 = vector.shape_cast %parallel_loop3A_570 : vector<1x1x16xf32> to vector<16xf32>
        %parallel_loop3A_572 = arith.constant 2 : i32
        %parallel_loop3A_573 = arith.index_cast %parallel_loop3A_572 : i32 to index
        %parallel_loop3A_574 = arith.index_cast %parallel_loop3A_467 : i32 to index
        %parallel_loop3A_575 = arith.constant 96 : index
        %parallel_loop3A_576 = tpu.vector_load %arg7[%parallel_loop3A_573, %parallel_loop3A_574, %parallel_loop3A_575] {strides = array<i32>} : memref<3x64x128xf32, #tpu.memory_space<vmem>>, vector<1x1x16xf32>,
        %parallel_loop3A_577 = vector.shape_cast %parallel_loop3A_576 : vector<1x1x16xf32> to vector<16xf32>
        %parallel_loop3A_578 = arith.subf %parallel_loop3A_571, %parallel_loop3A_577 : vector<16xf32>
        %parallel_loop3A_579 = arith.mulf %parallel_loop3A_578, %parallel_loop3A_578 : vector<16xf32>
        %parallel_loop3A_580 = arith.addf %parallel_loop3A_474, %parallel_loop3A_579 : vector<16xf32>
        %parallel_loop3A_581 = arith.constant 2 : i32
        %parallel_loop3A_582 = arith.index_cast %parallel_loop3A_581 : i32 to index
        %parallel_loop3A_583 = arith.index_cast %parallel_loop3A_467 : i32 to index
        %parallel_loop3A_584 = arith.constant 112 : index
        %parallel_loop3A_585 = tpu.vector_load %arg8[%parallel_loop3A_582, %parallel_loop3A_583, %parallel_loop3A_584] {strides = array<i32>} : memref<3x64x128xf32, #tpu.memory_space<vmem>>, vector<1x1x16xf32>,
        %parallel_loop3A_586 = vector.shape_cast %parallel_loop3A_585 : vector<1x1x16xf32> to vector<16xf32>
        %parallel_loop3A_587 = arith.constant 2 : i32
        %parallel_loop3A_588 = arith.index_cast %parallel_loop3A_587 : i32 to index
        %parallel_loop3A_589 = arith.index_cast %parallel_loop3A_467 : i32 to index
        %parallel_loop3A_590 = arith.constant 112 : index
        %parallel_loop3A_591 = tpu.vector_load %arg7[%parallel_loop3A_588, %parallel_loop3A_589, %parallel_loop3A_590] {strides = array<i32>} : memref<3x64x128xf32, #tpu.memory_space<vmem>>, vector<1x1x16xf32>,
        %parallel_loop3A_592 = vector.shape_cast %parallel_loop3A_591 : vector<1x1x16xf32> to vector<16xf32>
        %parallel_loop3A_593 = arith.subf %parallel_loop3A_586, %parallel_loop3A_592 : vector<16xf32>
        %parallel_loop3A_594 = arith.mulf %parallel_loop3A_593, %parallel_loop3A_593 : vector<16xf32>
        %parallel_loop3A_595 = arith.addf %parallel_loop3A_475, %parallel_loop3A_594 : vector<16xf32>
        scf.yield %parallel_loop3A_490, %parallel_loop3A_505, %parallel_loop3A_520, %parallel_loop3A_535, %parallel_loop3A_550, %parallel_loop3A_565, %parallel_loop3A_580, %parallel_loop3A_595 : vector<16xf32>, vector<16xf32>, vector<16xf32>, vector<16xf32>, vector<16xf32>, vector<16xf32>, vector<16xf32>, vector<16xf32>
      } {sc.loop_unroll_factor = 2 : i64, sc.parallel_access}
      %add3A_455 = arith.constant 3 : i32
      %add3A_456 = arith.addi %add3A_382, %add3A_455 : i32
      %lt3A_457 = arith.constant 7 : i32
      %lt3A_458 = arith.cmpi slt, %add3A_456, %lt3A_457 : i32
      %convert_element_type3A_459 = arith.extui %lt3A_458 : i1 to i32
      %cond3A_460 = arith.constant 0 : i32
      %cond3A_461 = arith.cmpi ne, %convert_element_type3A_459, %cond3A_460 : i32
      scf.if %cond3A_461 {
        %mul3A_467 = arith.constant 64 : i32
        %mul3A_468 = arith.muli %add3A_456, %mul3A_467 : i32
        %add3A_469 = arith.constant 0 : i32
        %add3A_470 = arith.addi %mul3A_468, %add3A_469 : i32
        %jit3A_471 = arith.constant 128 : i32
        %div3A_472 = arith.divsi %add3A_470, %jit3A_471 : i32
        %sign3A_473 = arith.constant 0 : i32
        %sign3A_474 = arith.cmpi sgt, %add3A_470, %sign3A_473 : i32
        %sign3A_475 = arith.extui %sign3A_474 : i1 to i32
        %sign3A_476 = arith.constant 0 : i32
        %sign3A_477 = arith.cmpi slt, %add3A_470, %sign3A_476 : i32
        %sign3A_478 = arith.extui %sign3A_477 : i1 to i32
        %sign3A_479 = arith.subi %sign3A_475, %sign3A_478 : i32
        %sign3A_480 = arith.constant 0 : i32
        %sign3A_481 = arith.cmpi sgt, %jit3A_471, %sign3A_480 : i32
        %sign3A_482 = arith.extui %sign3A_481 : i1 to i32
        %sign3A_483 = arith.constant 0 : i32
        %sign3A_484 = arith.cmpi slt, %jit3A_471, %sign3A_483 : i32
        %sign3A_485 = arith.extui %sign3A_484 : i1 to i32
        %sign3A_486 = arith.subi %sign3A_482, %sign3A_485 : i32
        %ne3A_487 = arith.cmpi ne, %sign3A_479, %sign3A_486 : i32
        %rem3A_488 = arith.remsi %add3A_470, %jit3A_471 : i32
        %ne3A_489 = arith.constant 0 : i32
        %ne3A_490 = arith.cmpi ne, %rem3A_488, %ne3A_489 : i32
        %and3A_491 = arith.andi %ne3A_487, %ne3A_490 : i1
        %sub3A_492 = arith.constant 1 : i32
        %sub3A_493 = arith.subi %div3A_472, %sub3A_492 : i32
        %select_n3A_494 = arith.select %and3A_491, %sub3A_493, %div3A_472 : i32
        %jit3A_495 = arith.constant 128 : i32
        %eq3A_496 = arith.constant 0 : i32
        %eq3A_497 = arith.cmpi eq, %jit3A_495, %eq3A_496 : i32
        %jit3A_498 = arith.constant 1 : i32
        %select_n3A_499 = arith.select %eq3A_497, %jit3A_498, %jit3A_495 : i32
        %rem3A_500 = arith.remsi %add3A_470, %select_n3A_499 : i32
        %ne3A_501 = arith.constant 0 : i32
        %ne3A_502 = arith.cmpi ne, %rem3A_500, %ne3A_501 : i32
        %lt3A_503 = arith.constant 0 : i32
        %lt3A_504 = arith.cmpi slt, %rem3A_500, %lt3A_503 : i32
        %lt3A_505 = arith.constant 0 : i32
        %lt3A_506 = arith.cmpi slt, %select_n3A_499, %lt3A_505 : i32
        %ne3A_507 = arith.xori %lt3A_504, %lt3A_506 : i1
        %and3A_508 = arith.andi %ne3A_507, %ne3A_502 : i1
        %add3A_509 = arith.addi %rem3A_500, %select_n3A_499 : i32
        %select_n3A_510 = arith.select %and3A_508, %add3A_509, %rem3A_500 : i32
        %add3A_511 = arith.addi %mul3A_2, %add3A_470 : i32
        %dma_start3A_512 = arith.constant 2 : i32
        %dma_start3A_513 = arith.constant 0 : i32
        %dma_start3A_514 = arith.constant 0 : i32
        %dma_start3A_515 = tpu.memref_slice %arg7[%dma_start3A_512, %dma_start3A_513, %dma_start3A_514] : memref<3x64x128xf32, #tpu.memory_space<vmem>> -> memref<1x64x128xf32, #tpu.memory_space<vmem>>
        %dma_start3A_516 = tpu.memref_squeeze %dma_start3A_515 : memref<1x64x128xf32, #tpu.memory_space<vmem>> -> memref<64x128xf32, #tpu.memory_space<vmem>>
        %dma_start3A_517 = tpu.memref_slice %arg6[%select_n3A_494, %select_n3A_510] : memref<4x128xi32, #tpu.memory_space<vmem>> -> memref<1x64xi32, #tpu.memory_space<vmem>>
        %dma_start3A_518 = tpu.memref_squeeze %dma_start3A_517 : memref<1x64xi32, #tpu.memory_space<vmem>> -> memref<64xi32, #tpu.memory_space<vmem>>
        %dma_start3A_519 = arith.constant 0 : i32
        %dma_start3A_520 = arith.constant 0 : i32
        %dma_start3A_521 = tpu.memref_slice %arg2[%dma_start3A_519, %dma_start3A_520] : memref<100000x128xf32, #tpu.memory_space<hbm>> -> memref<100000x128xf32, #tpu.memory_space<hbm>>
        tpu.enqueue_indirect_dma source(%dma_start3A_521 : memref<100000x128xf32, #tpu.memory_space<hbm>>) target(%dma_start3A_516 : memref<64x128xf32, #tpu.memory_space<vmem>>) offsets(%dma_start3A_518 : memref<64xi32, #tpu.memory_space<vmem>>) semaphore(%arg12 : memref<!tpu.dma_semaphore, #tpu.memory_space<semaphore_mem>>)
        %dma_start3A_522 = arith.constant 2 : i32
        %dma_start3A_523 = arith.constant 0 : i32
        %dma_start3A_524 = arith.constant 0 : i32
        %dma_start3A_525 = tpu.memref_slice %arg8[%dma_start3A_522, %dma_start3A_523, %dma_start3A_524] : memref<3x64x128xf32, #tpu.memory_space<vmem>> -> memref<1x64x128xf32, #tpu.memory_space<vmem>>
        %dma_start3A_526 = tpu.memref_squeeze %dma_start3A_525 : memref<1x64x128xf32, #tpu.memory_space<vmem>> -> memref<64x128xf32, #tpu.memory_space<vmem>>
        %dma_start3A_527 = arith.constant 0 : i32
        %dma_start3A_528 = tpu.memref_slice %arg4[%add3A_511, %dma_start3A_527] : memref<16384x128xf32, #tpu.memory_space<hbm>> -> memref<64x128xf32, #tpu.memory_space<hbm>>
        %dma_start3A_529 = arith.constant 0 : i32
        %dma_start3A_530 = arith.constant 0 : i32
        %dma_start3A_531 = tpu.memref_slice %arg8[%dma_start3A_522, %dma_start3A_529, %dma_start3A_530] : memref<3x64x128xf32, #tpu.memory_space<vmem>> -> memref<1x64x128xf32, #tpu.memory_space<vmem>>
        %dma_start3A_532 = tpu.memref_squeeze %dma_start3A_531 : memref<1x64x128xf32, #tpu.memory_space<vmem>> -> memref<64x128xf32, #tpu.memory_space<vmem>>
        %dma_start3A_533 = arith.constant 0 : i32
        %dma_start3A_534 = tpu.memref_slice %arg4[%add3A_511, %dma_start3A_533] : memref<16384x128xf32, #tpu.memory_space<hbm>> -> memref<64x128xf32, #tpu.memory_space<hbm>>
        tpu.enqueue_dma source(%dma_start3A_534 : memref<64x128xf32, #tpu.memory_space<hbm>>) target(%dma_start3A_532 : memref<64x128xf32, #tpu.memory_space<vmem>>) target_semaphore(%arg15 : memref<!tpu.dma_semaphore, #tpu.memory_space<semaphore_mem>>)
      } else {
      }
      %eq3A_462 = arith.constant 7 : i32
      %eq3A_463 = arith.cmpi eq, %add3A_456, %eq3A_462 : i32
      %convert_element_type3A_464 = arith.extui %eq3A_463 : i1 to i32
      %cond3A_465 = arith.constant 0 : i32
      %cond3A_466 = arith.cmpi ne, %convert_element_type3A_464, %cond3A_465 : i32
      scf.if %cond3A_466 {
        %mul3A_467 = arith.constant 64 : i32
        %mul3A_468 = arith.muli %add3A_456, %mul3A_467 : i32
        %add3A_469 = arith.constant 0 : i32
        %add3A_470 = arith.addi %mul3A_468, %add3A_469 : i32
        %jit3A_471 = arith.constant 128 : i32
        %div3A_472 = arith.divsi %add3A_470, %jit3A_471 : i32
        %sign3A_473 = arith.constant 0 : i32
        %sign3A_474 = arith.cmpi sgt, %add3A_470, %sign3A_473 : i32
        %sign3A_475 = arith.extui %sign3A_474 : i1 to i32
        %sign3A_476 = arith.constant 0 : i32
        %sign3A_477 = arith.cmpi slt, %add3A_470, %sign3A_476 : i32
        %sign3A_478 = arith.extui %sign3A_477 : i1 to i32
        %sign3A_479 = arith.subi %sign3A_475, %sign3A_478 : i32
        %sign3A_480 = arith.constant 0 : i32
        %sign3A_481 = arith.cmpi sgt, %jit3A_471, %sign3A_480 : i32
        %sign3A_482 = arith.extui %sign3A_481 : i1 to i32
        %sign3A_483 = arith.constant 0 : i32
        %sign3A_484 = arith.cmpi slt, %jit3A_471, %sign3A_483 : i32
        %sign3A_485 = arith.extui %sign3A_484 : i1 to i32
        %sign3A_486 = arith.subi %sign3A_482, %sign3A_485 : i32
        %ne3A_487 = arith.cmpi ne, %sign3A_479, %sign3A_486 : i32
        %rem3A_488 = arith.remsi %add3A_470, %jit3A_471 : i32
        %ne3A_489 = arith.constant 0 : i32
        %ne3A_490 = arith.cmpi ne, %rem3A_488, %ne3A_489 : i32
        %and3A_491 = arith.andi %ne3A_487, %ne3A_490 : i1
        %sub3A_492 = arith.constant 1 : i32
        %sub3A_493 = arith.subi %div3A_472, %sub3A_492 : i32
        %select_n3A_494 = arith.select %and3A_491, %sub3A_493, %div3A_472 : i32
        %jit3A_495 = arith.constant 128 : i32
        %eq3A_496 = arith.constant 0 : i32
        %eq3A_497 = arith.cmpi eq, %jit3A_495, %eq3A_496 : i32
        %jit3A_498 = arith.constant 1 : i32
        %select_n3A_499 = arith.select %eq3A_497, %jit3A_498, %jit3A_495 : i32
        %rem3A_500 = arith.remsi %add3A_470, %select_n3A_499 : i32
        %ne3A_501 = arith.constant 0 : i32
        %ne3A_502 = arith.cmpi ne, %rem3A_500, %ne3A_501 : i32
        %lt3A_503 = arith.constant 0 : i32
        %lt3A_504 = arith.cmpi slt, %rem3A_500, %lt3A_503 : i32
        %lt3A_505 = arith.constant 0 : i32
        %lt3A_506 = arith.cmpi slt, %select_n3A_499, %lt3A_505 : i32
        %ne3A_507 = arith.xori %lt3A_504, %lt3A_506 : i1
        %and3A_508 = arith.andi %ne3A_507, %ne3A_502 : i1
        %add3A_509 = arith.addi %rem3A_500, %select_n3A_499 : i32
        %select_n3A_510 = arith.select %and3A_508, %add3A_509, %rem3A_500 : i32
        %add3A_511 = arith.addi %mul3A_2, %add3A_470 : i32
        %dma_start3A_512 = arith.constant 2 : i32
        %dma_start3A_513 = arith.constant 0 : i32
        %dma_start3A_514 = arith.constant 0 : i32
        %dma_start3A_515 = tpu.memref_slice %arg7[%dma_start3A_512, %dma_start3A_513, %dma_start3A_514] : memref<3x64x128xf32, #tpu.memory_space<vmem>> -> memref<1x32x128xf32, #tpu.memory_space<vmem>>
        %dma_start3A_516 = tpu.memref_squeeze %dma_start3A_515 : memref<1x32x128xf32, #tpu.memory_space<vmem>> -> memref<32x128xf32, #tpu.memory_space<vmem>>
        %dma_start3A_517 = tpu.memref_slice %arg6[%select_n3A_494, %select_n3A_510] : memref<4x128xi32, #tpu.memory_space<vmem>> -> memref<1x32xi32, #tpu.memory_space<vmem>>
        %dma_start3A_518 = tpu.memref_squeeze %dma_start3A_517 : memref<1x32xi32, #tpu.memory_space<vmem>> -> memref<32xi32, #tpu.memory_space<vmem>>
        %dma_start3A_519 = arith.constant 0 : i32
        %dma_start3A_520 = arith.constant 0 : i32
        %dma_start3A_521 = tpu.memref_slice %arg2[%dma_start3A_519, %dma_start3A_520] : memref<100000x128xf32, #tpu.memory_space<hbm>> -> memref<100000x128xf32, #tpu.memory_space<hbm>>
        tpu.enqueue_indirect_dma source(%dma_start3A_521 : memref<100000x128xf32, #tpu.memory_space<hbm>>) target(%dma_start3A_516 : memref<32x128xf32, #tpu.memory_space<vmem>>) offsets(%dma_start3A_518 : memref<32xi32, #tpu.memory_space<vmem>>) semaphore(%arg12 : memref<!tpu.dma_semaphore, #tpu.memory_space<semaphore_mem>>)
        %dma_start3A_522 = arith.constant 2 : i32
        %dma_start3A_523 = arith.constant 0 : i32
        %dma_start3A_524 = arith.constant 0 : i32
        %dma_start3A_525 = tpu.memref_slice %arg8[%dma_start3A_522, %dma_start3A_523, %dma_start3A_524] : memref<3x64x128xf32, #tpu.memory_space<vmem>> -> memref<1x32x128xf32, #tpu.memory_space<vmem>>
        %dma_start3A_526 = tpu.memref_squeeze %dma_start3A_525 : memref<1x32x128xf32, #tpu.memory_space<vmem>> -> memref<32x128xf32, #tpu.memory_space<vmem>>
        %dma_start3A_527 = arith.constant 0 : i32
        %dma_start3A_528 = tpu.memref_slice %arg4[%add3A_511, %dma_start3A_527] : memref<16384x128xf32, #tpu.memory_space<hbm>> -> memref<32x128xf32, #tpu.memory_space<hbm>>
        %dma_start3A_529 = arith.constant 0 : i32
        %dma_start3A_530 = arith.constant 0 : i32
        %dma_start3A_531 = tpu.memref_slice %arg8[%dma_start3A_522, %dma_start3A_529, %dma_start3A_530] : memref<3x64x128xf32, #tpu.memory_space<vmem>> -> memref<1x32x128xf32, #tpu.memory_space<vmem>>
        %dma_start3A_532 = tpu.memref_squeeze %dma_start3A_531 : memref<1x32x128xf32, #tpu.memory_space<vmem>> -> memref<32x128xf32, #tpu.memory_space<vmem>>
        %dma_start3A_533 = arith.constant 0 : i32
        %dma_start3A_534 = tpu.memref_slice %arg4[%add3A_511, %dma_start3A_533] : memref<16384x128xf32, #tpu.memory_space<hbm>> -> memref<32x128xf32, #tpu.memory_space<hbm>>
        tpu.enqueue_dma source(%dma_start3A_534 : memref<32x128xf32, #tpu.memory_space<hbm>>) target(%dma_start3A_532 : memref<32x128xf32, #tpu.memory_space<vmem>>) target_semaphore(%arg15 : memref<!tpu.dma_semaphore, #tpu.memory_space<semaphore_mem>>)
        %mul3A_535 = arith.constant 64 : i32
        %mul3A_536 = arith.muli %add3A_456, %mul3A_535 : i32
        %add3A_537 = arith.constant 32 : i32
        %add3A_538 = arith.addi %mul3A_536, %add3A_537 : i32
        %jit3A_539 = arith.constant 128 : i32
        %div3A_540 = arith.divsi %add3A_538, %jit3A_539 : i32
        %sign3A_541 = arith.constant 0 : i32
        %sign3A_542 = arith.cmpi sgt, %add3A_538, %sign3A_541 : i32
        %sign3A_543 = arith.extui %sign3A_542 : i1 to i32
        %sign3A_544 = arith.constant 0 : i32
        %sign3A_545 = arith.cmpi slt, %add3A_538, %sign3A_544 : i32
        %sign3A_546 = arith.extui %sign3A_545 : i1 to i32
        %sign3A_547 = arith.subi %sign3A_543, %sign3A_546 : i32
        %sign3A_548 = arith.constant 0 : i32
        %sign3A_549 = arith.cmpi sgt, %jit3A_539, %sign3A_548 : i32
        %sign3A_550 = arith.extui %sign3A_549 : i1 to i32
        %sign3A_551 = arith.constant 0 : i32
        %sign3A_552 = arith.cmpi slt, %jit3A_539, %sign3A_551 : i32
        %sign3A_553 = arith.extui %sign3A_552 : i1 to i32
        %sign3A_554 = arith.subi %sign3A_550, %sign3A_553 : i32
        %ne3A_555 = arith.cmpi ne, %sign3A_547, %sign3A_554 : i32
        %rem3A_556 = arith.remsi %add3A_538, %jit3A_539 : i32
        %ne3A_557 = arith.constant 0 : i32
        %ne3A_558 = arith.cmpi ne, %rem3A_556, %ne3A_557 : i32
        %and3A_559 = arith.andi %ne3A_555, %ne3A_558 : i1
        %sub3A_560 = arith.constant 1 : i32
        %sub3A_561 = arith.subi %div3A_540, %sub3A_560 : i32
        %select_n3A_562 = arith.select %and3A_559, %sub3A_561, %div3A_540 : i32
        %jit3A_563 = arith.constant 128 : i32
        %eq3A_564 = arith.constant 0 : i32
        %eq3A_565 = arith.cmpi eq, %jit3A_563, %eq3A_564 : i32
        %jit3A_566 = arith.constant 1 : i32
        %select_n3A_567 = arith.select %eq3A_565, %jit3A_566, %jit3A_563 : i32
        %rem3A_568 = arith.remsi %add3A_538, %select_n3A_567 : i32
        %ne3A_569 = arith.constant 0 : i32
        %ne3A_570 = arith.cmpi ne, %rem3A_568, %ne3A_569 : i32
        %lt3A_571 = arith.constant 0 : i32
        %lt3A_572 = arith.cmpi slt, %rem3A_568, %lt3A_571 : i32
        %lt3A_573 = arith.constant 0 : i32
        %lt3A_574 = arith.cmpi slt, %select_n3A_567, %lt3A_573 : i32
        %ne3A_575 = arith.xori %lt3A_572, %lt3A_574 : i1
        %and3A_576 = arith.andi %ne3A_575, %ne3A_570 : i1
        %add3A_577 = arith.addi %rem3A_568, %select_n3A_567 : i32
        %select_n3A_578 = arith.select %and3A_576, %add3A_577, %rem3A_568 : i32
        %add3A_579 = arith.addi %mul3A_2, %add3A_538 : i32
        %dma_start3A_580 = arith.constant 2 : i32
        %dma_start3A_581 = arith.constant 32 : i32
        %dma_start3A_582 = arith.constant 0 : i32
        %dma_start3A_583 = tpu.memref_slice %arg7[%dma_start3A_580, %dma_start3A_581, %dma_start3A_582] : memref<3x64x128xf32, #tpu.memory_space<vmem>> -> memref<1x32x128xf32, #tpu.memory_space<vmem>>
        %dma_start3A_584 = tpu.memref_squeeze %dma_start3A_583 : memref<1x32x128xf32, #tpu.memory_space<vmem>> -> memref<32x128xf32, #tpu.memory_space<vmem>>
        %dma_start3A_585 = tpu.memref_slice %arg6[%select_n3A_562, %select_n3A_578] : memref<4x128xi32, #tpu.memory_space<vmem>> -> memref<1x32xi32, #tpu.memory_space<vmem>>
        %dma_start3A_586 = tpu.memref_squeeze %dma_start3A_585 : memref<1x32xi32, #tpu.memory_space<vmem>> -> memref<32xi32, #tpu.memory_space<vmem>>
        %dma_start3A_587 = arith.constant 0 : i32
        %dma_start3A_588 = arith.constant 0 : i32
        %dma_start3A_589 = tpu.memref_slice %arg2[%dma_start3A_587, %dma_start3A_588] : memref<100000x128xf32, #tpu.memory_space<hbm>> -> memref<100000x128xf32, #tpu.memory_space<hbm>>
        tpu.enqueue_indirect_dma source(%dma_start3A_589 : memref<100000x128xf32, #tpu.memory_space<hbm>>) target(%dma_start3A_584 : memref<32x128xf32, #tpu.memory_space<vmem>>) offsets(%dma_start3A_586 : memref<32xi32, #tpu.memory_space<vmem>>) semaphore(%arg12 : memref<!tpu.dma_semaphore, #tpu.memory_space<semaphore_mem>>)
        %dma_start3A_590 = arith.constant 2 : i32
        %dma_start3A_591 = arith.constant 32 : i32
        %dma_start3A_592 = arith.constant 0 : i32
        %dma_start3A_593 = tpu.memref_slice %arg8[%dma_start3A_590, %dma_start3A_591, %dma_start3A_592] : memref<3x64x128xf32, #tpu.memory_space<vmem>> -> memref<1x32x128xf32, #tpu.memory_space<vmem>>
        %dma_start3A_594 = tpu.memref_squeeze %dma_start3A_593 : memref<1x32x128xf32, #tpu.memory_space<vmem>> -> memref<32x128xf32, #tpu.memory_space<vmem>>
        %dma_start3A_595 = arith.constant 0 : i32
        %dma_start3A_596 = tpu.memref_slice %arg4[%add3A_579, %dma_start3A_595] : memref<16384x128xf32, #tpu.memory_space<hbm>> -> memref<32x128xf32, #tpu.memory_space<hbm>>
        %dma_start3A_597 = arith.constant 32 : i32
        %dma_start3A_598 = arith.constant 0 : i32
        %dma_start3A_599 = tpu.memref_slice %arg8[%dma_start3A_590, %dma_start3A_597, %dma_start3A_598] : memref<3x64x128xf32, #tpu.memory_space<vmem>> -> memref<1x32x128xf32, #tpu.memory_space<vmem>>
        %dma_start3A_600 = tpu.memref_squeeze %dma_start3A_599 : memref<1x32x128xf32, #tpu.memory_space<vmem>> -> memref<32x128xf32, #tpu.memory_space<vmem>>
        %dma_start3A_601 = arith.constant 0 : i32
        %dma_start3A_602 = tpu.memref_slice %arg4[%add3A_579, %dma_start3A_601] : memref<16384x128xf32, #tpu.memory_space<hbm>> -> memref<32x128xf32, #tpu.memory_space<hbm>>
        tpu.enqueue_dma source(%dma_start3A_602 : memref<32x128xf32, #tpu.memory_space<hbm>>) target(%dma_start3A_600 : memref<32x128xf32, #tpu.memory_space<vmem>>) target_semaphore(%arg15 : memref<!tpu.dma_semaphore, #tpu.memory_space<semaphore_mem>>)
      } else {
      }
      scf.yield %parallel_loop3A_454#0, %parallel_loop3A_454#1, %parallel_loop3A_454#2, %parallel_loop3A_454#3, %parallel_loop3A_454#4, %parallel_loop3A_454#5, %parallel_loop3A_454#6, %parallel_loop3A_454#7 : vector<16xf32>, vector<16xf32>, vector<16xf32>, vector<16xf32>, vector<16xf32>, vector<16xf32>, vector<16xf32>, vector<16xf32>
    }
    %scan3A_104 = arith.constant 2 : i32
    %add3A_105 = arith.constant 384 : i32
    %add3A_106 = arith.addi %mul3A_2, %add3A_105 : i32
    %dma_wait3A = arith.constant 3 : i32
    %dma_wait3A_107 = arith.constant 0 : i32
    %dma_wait3A_108 = arith.constant 0 : i32
    %dma_wait3A_109 = arith.constant 0 : i32
    %dma_wait3A_110 = tpu.memref_slice %arg7[%dma_wait3A_107, %dma_wait3A_108, %dma_wait3A_109] : memref<3x64x128xf32, #tpu.memory_space<vmem>> -> memref<1x64x128xf32, #tpu.memory_space<vmem>>
    %dma_wait3A_111 = tpu.memref_squeeze %dma_wait3A_110 : memref<1x64x128xf32, #tpu.memory_space<vmem>> -> memref<64x128xf32, #tpu.memory_space<vmem>>
    %dma_wait3A_112 = arith.constant 0 : i32
    %dma_wait3A_113 = tpu.memref_slice %arg6[%dma_wait3A, %dma_wait3A_112] : memref<4x128xi32, #tpu.memory_space<vmem>> -> memref<1x64xi32, #tpu.memory_space<vmem>>
    %dma_wait3A_114 = tpu.memref_squeeze %dma_wait3A_113 : memref<1x64xi32, #tpu.memory_space<vmem>> -> memref<64xi32, #tpu.memory_space<vmem>>
    %dma_wait3A_115 = arith.constant 0 : i32
    %dma_wait3A_116 = arith.constant 0 : i32
    %dma_wait3A_117 = tpu.memref_slice %arg2[%dma_wait3A_115, %dma_wait3A_116] : memref<100000x128xf32, #tpu.memory_space<hbm>> -> memref<100000x128xf32, #tpu.memory_space<hbm>>
    tpu.wait_indirect_dma semaphore(%arg10 : memref<!tpu.dma_semaphore, #tpu.memory_space<semaphore_mem>>) src(%dma_wait3A_117 : memref<100000x128xf32, #tpu.memory_space<hbm>>) dst(%dma_wait3A_111 : memref<64x128xf32, #tpu.memory_space<vmem>>)
    %dma_wait3A_118 = arith.constant 0 : i32
    %dma_wait3A_119 = arith.constant 0 : i32
    %dma_wait3A_120 = arith.constant 0 : i32
    %dma_wait3A_121 = tpu.memref_slice %arg8[%dma_wait3A_118, %dma_wait3A_119, %dma_wait3A_120] : memref<3x64x128xf32, #tpu.memory_space<vmem>> -> memref<1x64x128xf32, #tpu.memory_space<vmem>>
    %dma_wait3A_122 = tpu.memref_squeeze %dma_wait3A_121 : memref<1x64x128xf32, #tpu.memory_space<vmem>> -> memref<64x128xf32, #tpu.memory_space<vmem>>
    %dma_wait3A_123 = arith.constant 0 : i32
    %dma_wait3A_124 = tpu.memref_slice %arg4[%add3A_106, %dma_wait3A_123] : memref<16384x128xf32, #tpu.memory_space<hbm>> -> memref<64x128xf32, #tpu.memory_space<hbm>>
    %dma_wait3A_125 = arith.constant 0 : i32
    %dma_wait3A_126 = arith.constant 0 : i32
    %dma_wait3A_127 = tpu.memref_slice %arg8[%dma_wait3A_118, %dma_wait3A_125, %dma_wait3A_126] : memref<3x64x128xf32, #tpu.memory_space<vmem>> -> memref<1x64x128xf32, #tpu.memory_space<vmem>>
    %dma_wait3A_128 = tpu.memref_squeeze %dma_wait3A_127 : memref<1x64x128xf32, #tpu.memory_space<vmem>> -> memref<64x128xf32, #tpu.memory_space<vmem>>
    %dma_wait3A_129 = arith.constant 0 : i32
    %dma_wait3A_130 = tpu.memref_slice %arg4[%add3A_106, %dma_wait3A_129] : memref<16384x128xf32, #tpu.memory_space<hbm>> -> memref<64x128xf32, #tpu.memory_space<hbm>>
    tpu.wait_dma2 semaphore(%arg13 : memref<!tpu.dma_semaphore, #tpu.memory_space<semaphore_mem>>) src(%dma_wait3A_130 : memref<64x128xf32, #tpu.memory_space<hbm>>) dst(%dma_wait3A_128 : memref<64x128xf32, #tpu.memory_space<vmem>>)
    %parallel_loop3A = arith.constant 0 : i32
    %parallel_loop3A_131 = arith.constant 64 : i32
    %parallel_loop3A_132 = arith.constant 1 : i32
    %parallel_loop3A_133:8 = scf.for %parallel_loop3A_206 = %parallel_loop3A to %parallel_loop3A_131 step %parallel_loop3A_132 iter_args(%parallel_loop3A_207 = %scan3A_103#0, %parallel_loop3A_208 = %scan3A_103#1, %parallel_loop3A_209 = %scan3A_103#2, %parallel_loop3A_210 = %scan3A_103#3, %parallel_loop3A_211 = %scan3A_103#4, %parallel_loop3A_212 = %scan3A_103#5, %parallel_loop3A_213 = %scan3A_103#6, %parallel_loop3A_214 = %scan3A_103#7) -> (vector<16xf32>, vector<16xf32>, vector<16xf32>, vector<16xf32>, vector<16xf32>, vector<16xf32>, vector<16xf32>, vector<16xf32>)  : i32 {
      %parallel_loop3A_215 = arith.constant 0 : i32
      %parallel_loop3A_216 = arith.index_cast %parallel_loop3A_215 : i32 to index
      %parallel_loop3A_217 = arith.index_cast %parallel_loop3A_206 : i32 to index
      %parallel_loop3A_218 = arith.constant 0 : index
      %parallel_loop3A_219 = tpu.vector_load %arg8[%parallel_loop3A_216, %parallel_loop3A_217, %parallel_loop3A_218] {strides = array<i32>} : memref<3x64x128xf32, #tpu.memory_space<vmem>>, vector<1x1x16xf32>,
      %parallel_loop3A_220 = vector.shape_cast %parallel_loop3A_219 : vector<1x1x16xf32> to vector<16xf32>
      %parallel_loop3A_221 = arith.constant 0 : i32
      %parallel_loop3A_222 = arith.index_cast %parallel_loop3A_221 : i32 to index
      %parallel_loop3A_223 = arith.index_cast %parallel_loop3A_206 : i32 to index
      %parallel_loop3A_224 = arith.constant 0 : index
      %parallel_loop3A_225 = tpu.vector_load %arg7[%parallel_loop3A_222, %parallel_loop3A_223, %parallel_loop3A_224] {strides = array<i32>} : memref<3x64x128xf32, #tpu.memory_space<vmem>>, vector<1x1x16xf32>,
      %parallel_loop3A_226 = vector.shape_cast %parallel_loop3A_225 : vector<1x1x16xf32> to vector<16xf32>
      %parallel_loop3A_227 = arith.subf %parallel_loop3A_220, %parallel_loop3A_226 : vector<16xf32>
      %parallel_loop3A_228 = arith.mulf %parallel_loop3A_227, %parallel_loop3A_227 : vector<16xf32>
      %parallel_loop3A_229 = arith.addf %parallel_loop3A_207, %parallel_loop3A_228 : vector<16xf32>
      %parallel_loop3A_230 = arith.constant 0 : i32
      %parallel_loop3A_231 = arith.index_cast %parallel_loop3A_230 : i32 to index
      %parallel_loop3A_232 = arith.index_cast %parallel_loop3A_206 : i32 to index
      %parallel_loop3A_233 = arith.constant 16 : index
      %parallel_loop3A_234 = tpu.vector_load %arg8[%parallel_loop3A_231, %parallel_loop3A_232, %parallel_loop3A_233] {strides = array<i32>} : memref<3x64x128xf32, #tpu.memory_space<vmem>>, vector<1x1x16xf32>,
      %parallel_loop3A_235 = vector.shape_cast %parallel_loop3A_234 : vector<1x1x16xf32> to vector<16xf32>
      %parallel_loop3A_236 = arith.constant 0 : i32
      %parallel_loop3A_237 = arith.index_cast %parallel_loop3A_236 : i32 to index
      %parallel_loop3A_238 = arith.index_cast %parallel_loop3A_206 : i32 to index
      %parallel_loop3A_239 = arith.constant 16 : index
      %parallel_loop3A_240 = tpu.vector_load %arg7[%parallel_loop3A_237, %parallel_loop3A_238, %parallel_loop3A_239] {strides = array<i32>} : memref<3x64x128xf32, #tpu.memory_space<vmem>>, vector<1x1x16xf32>,
      %parallel_loop3A_241 = vector.shape_cast %parallel_loop3A_240 : vector<1x1x16xf32> to vector<16xf32>
      %parallel_loop3A_242 = arith.subf %parallel_loop3A_235, %parallel_loop3A_241 : vector<16xf32>
      %parallel_loop3A_243 = arith.mulf %parallel_loop3A_242, %parallel_loop3A_242 : vector<16xf32>
      %parallel_loop3A_244 = arith.addf %parallel_loop3A_208, %parallel_loop3A_243 : vector<16xf32>
      %parallel_loop3A_245 = arith.constant 0 : i32
      %parallel_loop3A_246 = arith.index_cast %parallel_loop3A_245 : i32 to index
      %parallel_loop3A_247 = arith.index_cast %parallel_loop3A_206 : i32 to index
      %parallel_loop3A_248 = arith.constant 32 : index
      %parallel_loop3A_249 = tpu.vector_load %arg8[%parallel_loop3A_246, %parallel_loop3A_247, %parallel_loop3A_248] {strides = array<i32>} : memref<3x64x128xf32, #tpu.memory_space<vmem>>, vector<1x1x16xf32>,
      %parallel_loop3A_250 = vector.shape_cast %parallel_loop3A_249 : vector<1x1x16xf32> to vector<16xf32>
      %parallel_loop3A_251 = arith.constant 0 : i32
      %parallel_loop3A_252 = arith.index_cast %parallel_loop3A_251 : i32 to index
      %parallel_loop3A_253 = arith.index_cast %parallel_loop3A_206 : i32 to index
      %parallel_loop3A_254 = arith.constant 32 : index
      %parallel_loop3A_255 = tpu.vector_load %arg7[%parallel_loop3A_252, %parallel_loop3A_253, %parallel_loop3A_254] {strides = array<i32>} : memref<3x64x128xf32, #tpu.memory_space<vmem>>, vector<1x1x16xf32>,
      %parallel_loop3A_256 = vector.shape_cast %parallel_loop3A_255 : vector<1x1x16xf32> to vector<16xf32>
      %parallel_loop3A_257 = arith.subf %parallel_loop3A_250, %parallel_loop3A_256 : vector<16xf32>
      %parallel_loop3A_258 = arith.mulf %parallel_loop3A_257, %parallel_loop3A_257 : vector<16xf32>
      %parallel_loop3A_259 = arith.addf %parallel_loop3A_209, %parallel_loop3A_258 : vector<16xf32>
      %parallel_loop3A_260 = arith.constant 0 : i32
      %parallel_loop3A_261 = arith.index_cast %parallel_loop3A_260 : i32 to index
      %parallel_loop3A_262 = arith.index_cast %parallel_loop3A_206 : i32 to index
      %parallel_loop3A_263 = arith.constant 48 : index
      %parallel_loop3A_264 = tpu.vector_load %arg8[%parallel_loop3A_261, %parallel_loop3A_262, %parallel_loop3A_263] {strides = array<i32>} : memref<3x64x128xf32, #tpu.memory_space<vmem>>, vector<1x1x16xf32>,
      %parallel_loop3A_265 = vector.shape_cast %parallel_loop3A_264 : vector<1x1x16xf32> to vector<16xf32>
      %parallel_loop3A_266 = arith.constant 0 : i32
      %parallel_loop3A_267 = arith.index_cast %parallel_loop3A_266 : i32 to index
      %parallel_loop3A_268 = arith.index_cast %parallel_loop3A_206 : i32 to index
      %parallel_loop3A_269 = arith.constant 48 : index
      %parallel_loop3A_270 = tpu.vector_load %arg7[%parallel_loop3A_267, %parallel_loop3A_268, %parallel_loop3A_269] {strides = array<i32>} : memref<3x64x128xf32, #tpu.memory_space<vmem>>, vector<1x1x16xf32>,
      %parallel_loop3A_271 = vector.shape_cast %parallel_loop3A_270 : vector<1x1x16xf32> to vector<16xf32>
      %parallel_loop3A_272 = arith.subf %parallel_loop3A_265, %parallel_loop3A_271 : vector<16xf32>
      %parallel_loop3A_273 = arith.mulf %parallel_loop3A_272, %parallel_loop3A_272 : vector<16xf32>
      %parallel_loop3A_274 = arith.addf %parallel_loop3A_210, %parallel_loop3A_273 : vector<16xf32>
      %parallel_loop3A_275 = arith.constant 0 : i32
      %parallel_loop3A_276 = arith.index_cast %parallel_loop3A_275 : i32 to index
      %parallel_loop3A_277 = arith.index_cast %parallel_loop3A_206 : i32 to index
      %parallel_loop3A_278 = arith.constant 64 : index
      %parallel_loop3A_279 = tpu.vector_load %arg8[%parallel_loop3A_276, %parallel_loop3A_277, %parallel_loop3A_278] {strides = array<i32>} : memref<3x64x128xf32, #tpu.memory_space<vmem>>, vector<1x1x16xf32>,
      %parallel_loop3A_280 = vector.shape_cast %parallel_loop3A_279 : vector<1x1x16xf32> to vector<16xf32>
      %parallel_loop3A_281 = arith.constant 0 : i32
      %parallel_loop3A_282 = arith.index_cast %parallel_loop3A_281 : i32 to index
      %parallel_loop3A_283 = arith.index_cast %parallel_loop3A_206 : i32 to index
      %parallel_loop3A_284 = arith.constant 64 : index
      %parallel_loop3A_285 = tpu.vector_load %arg7[%parallel_loop3A_282, %parallel_loop3A_283, %parallel_loop3A_284] {strides = array<i32>} : memref<3x64x128xf32, #tpu.memory_space<vmem>>, vector<1x1x16xf32>,
      %parallel_loop3A_286 = vector.shape_cast %parallel_loop3A_285 : vector<1x1x16xf32> to vector<16xf32>
      %parallel_loop3A_287 = arith.subf %parallel_loop3A_280, %parallel_loop3A_286 : vector<16xf32>
      %parallel_loop3A_288 = arith.mulf %parallel_loop3A_287, %parallel_loop3A_287 : vector<16xf32>
      %parallel_loop3A_289 = arith.addf %parallel_loop3A_211, %parallel_loop3A_288 : vector<16xf32>
      %parallel_loop3A_290 = arith.constant 0 : i32
      %parallel_loop3A_291 = arith.index_cast %parallel_loop3A_290 : i32 to index
      %parallel_loop3A_292 = arith.index_cast %parallel_loop3A_206 : i32 to index
      %parallel_loop3A_293 = arith.constant 80 : index
      %parallel_loop3A_294 = tpu.vector_load %arg8[%parallel_loop3A_291, %parallel_loop3A_292, %parallel_loop3A_293] {strides = array<i32>} : memref<3x64x128xf32, #tpu.memory_space<vmem>>, vector<1x1x16xf32>,
      %parallel_loop3A_295 = vector.shape_cast %parallel_loop3A_294 : vector<1x1x16xf32> to vector<16xf32>
      %parallel_loop3A_296 = arith.constant 0 : i32
      %parallel_loop3A_297 = arith.index_cast %parallel_loop3A_296 : i32 to index
      %parallel_loop3A_298 = arith.index_cast %parallel_loop3A_206 : i32 to index
      %parallel_loop3A_299 = arith.constant 80 : index
      %parallel_loop3A_300 = tpu.vector_load %arg7[%parallel_loop3A_297, %parallel_loop3A_298, %parallel_loop3A_299] {strides = array<i32>} : memref<3x64x128xf32, #tpu.memory_space<vmem>>, vector<1x1x16xf32>,
      %parallel_loop3A_301 = vector.shape_cast %parallel_loop3A_300 : vector<1x1x16xf32> to vector<16xf32>
      %parallel_loop3A_302 = arith.subf %parallel_loop3A_295, %parallel_loop3A_301 : vector<16xf32>
      %parallel_loop3A_303 = arith.mulf %parallel_loop3A_302, %parallel_loop3A_302 : vector<16xf32>
      %parallel_loop3A_304 = arith.addf %parallel_loop3A_212, %parallel_loop3A_303 : vector<16xf32>
      %parallel_loop3A_305 = arith.constant 0 : i32
      %parallel_loop3A_306 = arith.index_cast %parallel_loop3A_305 : i32 to index
      %parallel_loop3A_307 = arith.index_cast %parallel_loop3A_206 : i32 to index
      %parallel_loop3A_308 = arith.constant 96 : index
      %parallel_loop3A_309 = tpu.vector_load %arg8[%parallel_loop3A_306, %parallel_loop3A_307, %parallel_loop3A_308] {strides = array<i32>} : memref<3x64x128xf32, #tpu.memory_space<vmem>>, vector<1x1x16xf32>,
      %parallel_loop3A_310 = vector.shape_cast %parallel_loop3A_309 : vector<1x1x16xf32> to vector<16xf32>
      %parallel_loop3A_311 = arith.constant 0 : i32
      %parallel_loop3A_312 = arith.index_cast %parallel_loop3A_311 : i32 to index
      %parallel_loop3A_313 = arith.index_cast %parallel_loop3A_206 : i32 to index
      %parallel_loop3A_314 = arith.constant 96 : index
      %parallel_loop3A_315 = tpu.vector_load %arg7[%parallel_loop3A_312, %parallel_loop3A_313, %parallel_loop3A_314] {strides = array<i32>} : memref<3x64x128xf32, #tpu.memory_space<vmem>>, vector<1x1x16xf32>,
      %parallel_loop3A_316 = vector.shape_cast %parallel_loop3A_315 : vector<1x1x16xf32> to vector<16xf32>
      %parallel_loop3A_317 = arith.subf %parallel_loop3A_310, %parallel_loop3A_316 : vector<16xf32>
      %parallel_loop3A_318 = arith.mulf %parallel_loop3A_317, %parallel_loop3A_317 : vector<16xf32>
      %parallel_loop3A_319 = arith.addf %parallel_loop3A_213, %parallel_loop3A_318 : vector<16xf32>
      %parallel_loop3A_320 = arith.constant 0 : i32
      %parallel_loop3A_321 = arith.index_cast %parallel_loop3A_320 : i32 to index
      %parallel_loop3A_322 = arith.index_cast %parallel_loop3A_206 : i32 to index
      %parallel_loop3A_323 = arith.constant 112 : index
      %parallel_loop3A_324 = tpu.vector_load %arg8[%parallel_loop3A_321, %parallel_loop3A_322, %parallel_loop3A_323] {strides = array<i32>} : memref<3x64x128xf32, #tpu.memory_space<vmem>>, vector<1x1x16xf32>,
      %parallel_loop3A_325 = vector.shape_cast %parallel_loop3A_324 : vector<1x1x16xf32> to vector<16xf32>
      %parallel_loop3A_326 = arith.constant 0 : i32
      %parallel_loop3A_327 = arith.index_cast %parallel_loop3A_326 : i32 to index
      %parallel_loop3A_328 = arith.index_cast %parallel_loop3A_206 : i32 to index
      %parallel_loop3A_329 = arith.constant 112 : index
      %parallel_loop3A_330 = tpu.vector_load %arg7[%parallel_loop3A_327, %parallel_loop3A_328, %parallel_loop3A_329] {strides = array<i32>} : memref<3x64x128xf32, #tpu.memory_space<vmem>>, vector<1x1x16xf32>,
      %parallel_loop3A_331 = vector.shape_cast %parallel_loop3A_330 : vector<1x1x16xf32> to vector<16xf32>
      %parallel_loop3A_332 = arith.subf %parallel_loop3A_325, %parallel_loop3A_331 : vector<16xf32>
      %parallel_loop3A_333 = arith.mulf %parallel_loop3A_332, %parallel_loop3A_332 : vector<16xf32>
      %parallel_loop3A_334 = arith.addf %parallel_loop3A_214, %parallel_loop3A_333 : vector<16xf32>
      scf.yield %parallel_loop3A_229, %parallel_loop3A_244, %parallel_loop3A_259, %parallel_loop3A_274, %parallel_loop3A_289, %parallel_loop3A_304, %parallel_loop3A_319, %parallel_loop3A_334 : vector<16xf32>, vector<16xf32>, vector<16xf32>, vector<16xf32>, vector<16xf32>, vector<16xf32>, vector<16xf32>, vector<16xf32>
    } {sc.loop_unroll_factor = 2 : i64, sc.parallel_access}
    %add3A_134 = arith.constant 448 : i32
    %add3A_135 = arith.addi %mul3A_2, %add3A_134 : i32
    %dma_wait3A_136 = arith.constant 3 : i32
    %dma_wait3A_137 = arith.constant 1 : i32
    %dma_wait3A_138 = arith.constant 0 : i32
    %dma_wait3A_139 = arith.constant 0 : i32
    %dma_wait3A_140 = tpu.memref_slice %arg7[%dma_wait3A_137, %dma_wait3A_138, %dma_wait3A_139] : memref<3x64x128xf32, #tpu.memory_space<vmem>> -> memref<1x32x128xf32, #tpu.memory_space<vmem>>
    %dma_wait3A_141 = tpu.memref_squeeze %dma_wait3A_140 : memref<1x32x128xf32, #tpu.memory_space<vmem>> -> memref<32x128xf32, #tpu.memory_space<vmem>>
    %dma_wait3A_142 = arith.constant 64 : i32
    %dma_wait3A_143 = tpu.memref_slice %arg6[%dma_wait3A_136, %dma_wait3A_142] : memref<4x128xi32, #tpu.memory_space<vmem>> -> memref<1x32xi32, #tpu.memory_space<vmem>>
    %dma_wait3A_144 = tpu.memref_squeeze %dma_wait3A_143 : memref<1x32xi32, #tpu.memory_space<vmem>> -> memref<32xi32, #tpu.memory_space<vmem>>
    %dma_wait3A_145 = arith.constant 0 : i32
    %dma_wait3A_146 = arith.constant 0 : i32
    %dma_wait3A_147 = tpu.memref_slice %arg2[%dma_wait3A_145, %dma_wait3A_146] : memref<100000x128xf32, #tpu.memory_space<hbm>> -> memref<100000x128xf32, #tpu.memory_space<hbm>>
    tpu.wait_indirect_dma semaphore(%arg11 : memref<!tpu.dma_semaphore, #tpu.memory_space<semaphore_mem>>) src(%dma_wait3A_147 : memref<100000x128xf32, #tpu.memory_space<hbm>>) dst(%dma_wait3A_141 : memref<32x128xf32, #tpu.memory_space<vmem>>)
    %dma_wait3A_148 = arith.constant 1 : i32
    %dma_wait3A_149 = arith.constant 0 : i32
    %dma_wait3A_150 = arith.constant 0 : i32
    %dma_wait3A_151 = tpu.memref_slice %arg8[%dma_wait3A_148, %dma_wait3A_149, %dma_wait3A_150] : memref<3x64x128xf32, #tpu.memory_space<vmem>> -> memref<1x32x128xf32, #tpu.memory_space<vmem>>
    %dma_wait3A_152 = tpu.memref_squeeze %dma_wait3A_151 : memref<1x32x128xf32, #tpu.memory_space<vmem>> -> memref<32x128xf32, #tpu.memory_space<vmem>>
    %dma_wait3A_153 = arith.constant 0 : i32
    %dma_wait3A_154 = tpu.memref_slice %arg4[%add3A_135, %dma_wait3A_153] : memref<16384x128xf32, #tpu.memory_space<hbm>> -> memref<32x128xf32, #tpu.memory_space<hbm>>
    %dma_wait3A_155 = arith.constant 0 : i32
    %dma_wait3A_156 = arith.constant 0 : i32
    %dma_wait3A_157 = tpu.memref_slice %arg8[%dma_wait3A_148, %dma_wait3A_155, %dma_wait3A_156] : memref<3x64x128xf32, #tpu.memory_space<vmem>> -> memref<1x32x128xf32, #tpu.memory_space<vmem>>
    %dma_wait3A_158 = tpu.memref_squeeze %dma_wait3A_157 : memref<1x32x128xf32, #tpu.memory_space<vmem>> -> memref<32x128xf32, #tpu.memory_space<vmem>>
    %dma_wait3A_159 = arith.constant 0 : i32
    %dma_wait3A_160 = tpu.memref_slice %arg4[%add3A_135, %dma_wait3A_159] : memref<16384x128xf32, #tpu.memory_space<hbm>> -> memref<32x128xf32, #tpu.memory_space<hbm>>
    tpu.wait_dma2 semaphore(%arg14 : memref<!tpu.dma_semaphore, #tpu.memory_space<semaphore_mem>>) src(%dma_wait3A_160 : memref<32x128xf32, #tpu.memory_space<hbm>>) dst(%dma_wait3A_158 : memref<32x128xf32, #tpu.memory_space<vmem>>)
    %parallel_loop3A_161 = arith.constant 0 : i32
    %parallel_loop3A_162 = arith.constant 32 : i32
    %parallel_loop3A_163 = arith.constant 1 : i32
    %parallel_loop3A_164:8 = scf.for %parallel_loop3A_206 = %parallel_loop3A_161 to %parallel_loop3A_162 step %parallel_loop3A_163 iter_args(%parallel_loop3A_207 = %parallel_loop3A_133#0, %parallel_loop3A_208 = %parallel_loop3A_133#1, %parallel_loop3A_209 = %parallel_loop3A_133#2, %parallel_loop3A_210 = %parallel_loop3A_133#3, %parallel_loop3A_211 = %parallel_loop3A_133#4, %parallel_loop3A_212 = %parallel_loop3A_133#5, %parallel_loop3A_213 = %parallel_loop3A_133#6, %parallel_loop3A_214 = %parallel_loop3A_133#7) -> (vector<16xf32>, vector<16xf32>, vector<16xf32>, vector<16xf32>, vector<16xf32>, vector<16xf32>, vector<16xf32>, vector<16xf32>)  : i32 {
      %parallel_loop3A_215 = arith.constant 1 : i32
      %parallel_loop3A_216 = arith.index_cast %parallel_loop3A_215 : i32 to index
      %parallel_loop3A_217 = arith.index_cast %parallel_loop3A_206 : i32 to index
      %parallel_loop3A_218 = arith.constant 0 : index
      %parallel_loop3A_219 = tpu.vector_load %arg8[%parallel_loop3A_216, %parallel_loop3A_217, %parallel_loop3A_218] {strides = array<i32>} : memref<3x64x128xf32, #tpu.memory_space<vmem>>, vector<1x1x16xf32>,
      %parallel_loop3A_220 = vector.shape_cast %parallel_loop3A_219 : vector<1x1x16xf32> to vector<16xf32>
      %parallel_loop3A_221 = arith.constant 1 : i32
      %parallel_loop3A_222 = arith.index_cast %parallel_loop3A_221 : i32 to index
      %parallel_loop3A_223 = arith.index_cast %parallel_loop3A_206 : i32 to index
      %parallel_loop3A_224 = arith.constant 0 : index
      %parallel_loop3A_225 = tpu.vector_load %arg7[%parallel_loop3A_222, %parallel_loop3A_223, %parallel_loop3A_224] {strides = array<i32>} : memref<3x64x128xf32, #tpu.memory_space<vmem>>, vector<1x1x16xf32>,
      %parallel_loop3A_226 = vector.shape_cast %parallel_loop3A_225 : vector<1x1x16xf32> to vector<16xf32>
      %parallel_loop3A_227 = arith.subf %parallel_loop3A_220, %parallel_loop3A_226 : vector<16xf32>
      %parallel_loop3A_228 = arith.mulf %parallel_loop3A_227, %parallel_loop3A_227 : vector<16xf32>
      %parallel_loop3A_229 = arith.addf %parallel_loop3A_207, %parallel_loop3A_228 : vector<16xf32>
      %parallel_loop3A_230 = arith.constant 1 : i32
      %parallel_loop3A_231 = arith.index_cast %parallel_loop3A_230 : i32 to index
      %parallel_loop3A_232 = arith.index_cast %parallel_loop3A_206 : i32 to index
      %parallel_loop3A_233 = arith.constant 16 : index
      %parallel_loop3A_234 = tpu.vector_load %arg8[%parallel_loop3A_231, %parallel_loop3A_232, %parallel_loop3A_233] {strides = array<i32>} : memref<3x64x128xf32, #tpu.memory_space<vmem>>, vector<1x1x16xf32>,
      %parallel_loop3A_235 = vector.shape_cast %parallel_loop3A_234 : vector<1x1x16xf32> to vector<16xf32>
      %parallel_loop3A_236 = arith.constant 1 : i32
      %parallel_loop3A_237 = arith.index_cast %parallel_loop3A_236 : i32 to index
      %parallel_loop3A_238 = arith.index_cast %parallel_loop3A_206 : i32 to index
      %parallel_loop3A_239 = arith.constant 16 : index
      %parallel_loop3A_240 = tpu.vector_load %arg7[%parallel_loop3A_237, %parallel_loop3A_238, %parallel_loop3A_239] {strides = array<i32>} : memref<3x64x128xf32, #tpu.memory_space<vmem>>, vector<1x1x16xf32>,
      %parallel_loop3A_241 = vector.shape_cast %parallel_loop3A_240 : vector<1x1x16xf32> to vector<16xf32>
      %parallel_loop3A_242 = arith.subf %parallel_loop3A_235, %parallel_loop3A_241 : vector<16xf32>
      %parallel_loop3A_243 = arith.mulf %parallel_loop3A_242, %parallel_loop3A_242 : vector<16xf32>
      %parallel_loop3A_244 = arith.addf %parallel_loop3A_208, %parallel_loop3A_243 : vector<16xf32>
      %parallel_loop3A_245 = arith.constant 1 : i32
      %parallel_loop3A_246 = arith.index_cast %parallel_loop3A_245 : i32 to index
      %parallel_loop3A_247 = arith.index_cast %parallel_loop3A_206 : i32 to index
      %parallel_loop3A_248 = arith.constant 32 : index
      %parallel_loop3A_249 = tpu.vector_load %arg8[%parallel_loop3A_246, %parallel_loop3A_247, %parallel_loop3A_248] {strides = array<i32>} : memref<3x64x128xf32, #tpu.memory_space<vmem>>, vector<1x1x16xf32>,
      %parallel_loop3A_250 = vector.shape_cast %parallel_loop3A_249 : vector<1x1x16xf32> to vector<16xf32>
      %parallel_loop3A_251 = arith.constant 1 : i32
      %parallel_loop3A_252 = arith.index_cast %parallel_loop3A_251 : i32 to index
      %parallel_loop3A_253 = arith.index_cast %parallel_loop3A_206 : i32 to index
      %parallel_loop3A_254 = arith.constant 32 : index
      %parallel_loop3A_255 = tpu.vector_load %arg7[%parallel_loop3A_252, %parallel_loop3A_253, %parallel_loop3A_254] {strides = array<i32>} : memref<3x64x128xf32, #tpu.memory_space<vmem>>, vector<1x1x16xf32>,
      %parallel_loop3A_256 = vector.shape_cast %parallel_loop3A_255 : vector<1x1x16xf32> to vector<16xf32>
      %parallel_loop3A_257 = arith.subf %parallel_loop3A_250, %parallel_loop3A_256 : vector<16xf32>
      %parallel_loop3A_258 = arith.mulf %parallel_loop3A_257, %parallel_loop3A_257 : vector<16xf32>
      %parallel_loop3A_259 = arith.addf %parallel_loop3A_209, %parallel_loop3A_258 : vector<16xf32>
      %parallel_loop3A_260 = arith.constant 1 : i32
      %parallel_loop3A_261 = arith.index_cast %parallel_loop3A_260 : i32 to index
      %parallel_loop3A_262 = arith.index_cast %parallel_loop3A_206 : i32 to index
      %parallel_loop3A_263 = arith.constant 48 : index
      %parallel_loop3A_264 = tpu.vector_load %arg8[%parallel_loop3A_261, %parallel_loop3A_262, %parallel_loop3A_263] {strides = array<i32>} : memref<3x64x128xf32, #tpu.memory_space<vmem>>, vector<1x1x16xf32>,
      %parallel_loop3A_265 = vector.shape_cast %parallel_loop3A_264 : vector<1x1x16xf32> to vector<16xf32>
      %parallel_loop3A_266 = arith.constant 1 : i32
      %parallel_loop3A_267 = arith.index_cast %parallel_loop3A_266 : i32 to index
      %parallel_loop3A_268 = arith.index_cast %parallel_loop3A_206 : i32 to index
      %parallel_loop3A_269 = arith.constant 48 : index
      %parallel_loop3A_270 = tpu.vector_load %arg7[%parallel_loop3A_267, %parallel_loop3A_268, %parallel_loop3A_269] {strides = array<i32>} : memref<3x64x128xf32, #tpu.memory_space<vmem>>, vector<1x1x16xf32>,
      %parallel_loop3A_271 = vector.shape_cast %parallel_loop3A_270 : vector<1x1x16xf32> to vector<16xf32>
      %parallel_loop3A_272 = arith.subf %parallel_loop3A_265, %parallel_loop3A_271 : vector<16xf32>
      %parallel_loop3A_273 = arith.mulf %parallel_loop3A_272, %parallel_loop3A_272 : vector<16xf32>
      %parallel_loop3A_274 = arith.addf %parallel_loop3A_210, %parallel_loop3A_273 : vector<16xf32>
      %parallel_loop3A_275 = arith.constant 1 : i32
      %parallel_loop3A_276 = arith.index_cast %parallel_loop3A_275 : i32 to index
      %parallel_loop3A_277 = arith.index_cast %parallel_loop3A_206 : i32 to index
      %parallel_loop3A_278 = arith.constant 64 : index
      %parallel_loop3A_279 = tpu.vector_load %arg8[%parallel_loop3A_276, %parallel_loop3A_277, %parallel_loop3A_278] {strides = array<i32>} : memref<3x64x128xf32, #tpu.memory_space<vmem>>, vector<1x1x16xf32>,
      %parallel_loop3A_280 = vector.shape_cast %parallel_loop3A_279 : vector<1x1x16xf32> to vector<16xf32>
      %parallel_loop3A_281 = arith.constant 1 : i32
      %parallel_loop3A_282 = arith.index_cast %parallel_loop3A_281 : i32 to index
      %parallel_loop3A_283 = arith.index_cast %parallel_loop3A_206 : i32 to index
      %parallel_loop3A_284 = arith.constant 64 : index
      %parallel_loop3A_285 = tpu.vector_load %arg7[%parallel_loop3A_282, %parallel_loop3A_283, %parallel_loop3A_284] {strides = array<i32>} : memref<3x64x128xf32, #tpu.memory_space<vmem>>, vector<1x1x16xf32>,
      %parallel_loop3A_286 = vector.shape_cast %parallel_loop3A_285 : vector<1x1x16xf32> to vector<16xf32>
      %parallel_loop3A_287 = arith.subf %parallel_loop3A_280, %parallel_loop3A_286 : vector<16xf32>
      %parallel_loop3A_288 = arith.mulf %parallel_loop3A_287, %parallel_loop3A_287 : vector<16xf32>
      %parallel_loop3A_289 = arith.addf %parallel_loop3A_211, %parallel_loop3A_288 : vector<16xf32>
      %parallel_loop3A_290 = arith.constant 1 : i32
      %parallel_loop3A_291 = arith.index_cast %parallel_loop3A_290 : i32 to index
      %parallel_loop3A_292 = arith.index_cast %parallel_loop3A_206 : i32 to index
      %parallel_loop3A_293 = arith.constant 80 : index
      %parallel_loop3A_294 = tpu.vector_load %arg8[%parallel_loop3A_291, %parallel_loop3A_292, %parallel_loop3A_293] {strides = array<i32>} : memref<3x64x128xf32, #tpu.memory_space<vmem>>, vector<1x1x16xf32>,
      %parallel_loop3A_295 = vector.shape_cast %parallel_loop3A_294 : vector<1x1x16xf32> to vector<16xf32>
      %parallel_loop3A_296 = arith.constant 1 : i32
      %parallel_loop3A_297 = arith.index_cast %parallel_loop3A_296 : i32 to index
      %parallel_loop3A_298 = arith.index_cast %parallel_loop3A_206 : i32 to index
      %parallel_loop3A_299 = arith.constant 80 : index
      %parallel_loop3A_300 = tpu.vector_load %arg7[%parallel_loop3A_297, %parallel_loop3A_298, %parallel_loop3A_299] {strides = array<i32>} : memref<3x64x128xf32, #tpu.memory_space<vmem>>, vector<1x1x16xf32>,
      %parallel_loop3A_301 = vector.shape_cast %parallel_loop3A_300 : vector<1x1x16xf32> to vector<16xf32>
      %parallel_loop3A_302 = arith.subf %parallel_loop3A_295, %parallel_loop3A_301 : vector<16xf32>
      %parallel_loop3A_303 = arith.mulf %parallel_loop3A_302, %parallel_loop3A_302 : vector<16xf32>
      %parallel_loop3A_304 = arith.addf %parallel_loop3A_212, %parallel_loop3A_303 : vector<16xf32>
      %parallel_loop3A_305 = arith.constant 1 : i32
      %parallel_loop3A_306 = arith.index_cast %parallel_loop3A_305 : i32 to index
      %parallel_loop3A_307 = arith.index_cast %parallel_loop3A_206 : i32 to index
      %parallel_loop3A_308 = arith.constant 96 : index
      %parallel_loop3A_309 = tpu.vector_load %arg8[%parallel_loop3A_306, %parallel_loop3A_307, %parallel_loop3A_308] {strides = array<i32>} : memref<3x64x128xf32, #tpu.memory_space<vmem>>, vector<1x1x16xf32>,
      %parallel_loop3A_310 = vector.shape_cast %parallel_loop3A_309 : vector<1x1x16xf32> to vector<16xf32>
      %parallel_loop3A_311 = arith.constant 1 : i32
      %parallel_loop3A_312 = arith.index_cast %parallel_loop3A_311 : i32 to index
      %parallel_loop3A_313 = arith.index_cast %parallel_loop3A_206 : i32 to index
      %parallel_loop3A_314 = arith.constant 96 : index
      %parallel_loop3A_315 = tpu.vector_load %arg7[%parallel_loop3A_312, %parallel_loop3A_313, %parallel_loop3A_314] {strides = array<i32>} : memref<3x64x128xf32, #tpu.memory_space<vmem>>, vector<1x1x16xf32>,
      %parallel_loop3A_316 = vector.shape_cast %parallel_loop3A_315 : vector<1x1x16xf32> to vector<16xf32>
      %parallel_loop3A_317 = arith.subf %parallel_loop3A_310, %parallel_loop3A_316 : vector<16xf32>
      %parallel_loop3A_318 = arith.mulf %parallel_loop3A_317, %parallel_loop3A_317 : vector<16xf32>
      %parallel_loop3A_319 = arith.addf %parallel_loop3A_213, %parallel_loop3A_318 : vector<16xf32>
      %parallel_loop3A_320 = arith.constant 1 : i32
      %parallel_loop3A_321 = arith.index_cast %parallel_loop3A_320 : i32 to index
      %parallel_loop3A_322 = arith.index_cast %parallel_loop3A_206 : i32 to index
      %parallel_loop3A_323 = arith.constant 112 : index
      %parallel_loop3A_324 = tpu.vector_load %arg8[%parallel_loop3A_321, %parallel_loop3A_322, %parallel_loop3A_323] {strides = array<i32>} : memref<3x64x128xf32, #tpu.memory_space<vmem>>, vector<1x1x16xf32>,
      %parallel_loop3A_325 = vector.shape_cast %parallel_loop3A_324 : vector<1x1x16xf32> to vector<16xf32>
      %parallel_loop3A_326 = arith.constant 1 : i32
      %parallel_loop3A_327 = arith.index_cast %parallel_loop3A_326 : i32 to index
      %parallel_loop3A_328 = arith.index_cast %parallel_loop3A_206 : i32 to index
      %parallel_loop3A_329 = arith.constant 112 : index
      %parallel_loop3A_330 = tpu.vector_load %arg7[%parallel_loop3A_327, %parallel_loop3A_328, %parallel_loop3A_329] {strides = array<i32>} : memref<3x64x128xf32, #tpu.memory_space<vmem>>, vector<1x1x16xf32>,
      %parallel_loop3A_331 = vector.shape_cast %parallel_loop3A_330 : vector<1x1x16xf32> to vector<16xf32>
      %parallel_loop3A_332 = arith.subf %parallel_loop3A_325, %parallel_loop3A_331 : vector<16xf32>
      %parallel_loop3A_333 = arith.mulf %parallel_loop3A_332, %parallel_loop3A_332 : vector<16xf32>
      %parallel_loop3A_334 = arith.addf %parallel_loop3A_214, %parallel_loop3A_333 : vector<16xf32>
      scf.yield %parallel_loop3A_229, %parallel_loop3A_244, %parallel_loop3A_259, %parallel_loop3A_274, %parallel_loop3A_289, %parallel_loop3A_304, %parallel_loop3A_319, %parallel_loop3A_334 : vector<16xf32>, vector<16xf32>, vector<16xf32>, vector<16xf32>, vector<16xf32>, vector<16xf32>, vector<16xf32>, vector<16xf32>
    } {sc.loop_unroll_factor = 2 : i64, sc.parallel_access}
    %add3A_165 = arith.constant 480 : i32
    %add3A_166 = arith.addi %mul3A_2, %add3A_165 : i32
    %dma_wait3A_167 = arith.constant 3 : i32
    %dma_wait3A_168 = arith.constant 1 : i32
    %dma_wait3A_169 = arith.constant 32 : i32
    %dma_wait3A_170 = arith.constant 0 : i32
    %dma_wait3A_171 = tpu.memref_slice %arg7[%dma_wait3A_168, %dma_wait3A_169, %dma_wait3A_170] : memref<3x64x128xf32, #tpu.memory_space<vmem>> -> memref<1x32x128xf32, #tpu.memory_space<vmem>>
    %dma_wait3A_172 = tpu.memref_squeeze %dma_wait3A_171 : memref<1x32x128xf32, #tpu.memory_space<vmem>> -> memref<32x128xf32, #tpu.memory_space<vmem>>
    %dma_wait3A_173 = arith.constant 96 : i32
    %dma_wait3A_174 = tpu.memref_slice %arg6[%dma_wait3A_167, %dma_wait3A_173] : memref<4x128xi32, #tpu.memory_space<vmem>> -> memref<1x32xi32, #tpu.memory_space<vmem>>
    %dma_wait3A_175 = tpu.memref_squeeze %dma_wait3A_174 : memref<1x32xi32, #tpu.memory_space<vmem>> -> memref<32xi32, #tpu.memory_space<vmem>>
    %dma_wait3A_176 = arith.constant 0 : i32
    %dma_wait3A_177 = arith.constant 0 : i32
    %dma_wait3A_178 = tpu.memref_slice %arg2[%dma_wait3A_176, %dma_wait3A_177] : memref<100000x128xf32, #tpu.memory_space<hbm>> -> memref<100000x128xf32, #tpu.memory_space<hbm>>
    tpu.wait_indirect_dma semaphore(%arg11 : memref<!tpu.dma_semaphore, #tpu.memory_space<semaphore_mem>>) src(%dma_wait3A_178 : memref<100000x128xf32, #tpu.memory_space<hbm>>) dst(%dma_wait3A_172 : memref<32x128xf32, #tpu.memory_space<vmem>>)
    %dma_wait3A_179 = arith.constant 1 : i32
    %dma_wait3A_180 = arith.constant 32 : i32
    %dma_wait3A_181 = arith.constant 0 : i32
    %dma_wait3A_182 = tpu.memref_slice %arg8[%dma_wait3A_179, %dma_wait3A_180, %dma_wait3A_181] : memref<3x64x128xf32, #tpu.memory_space<vmem>> -> memref<1x32x128xf32, #tpu.memory_space<vmem>>
    %dma_wait3A_183 = tpu.memref_squeeze %dma_wait3A_182 : memref<1x32x128xf32, #tpu.memory_space<vmem>> -> memref<32x128xf32, #tpu.memory_space<vmem>>
    %dma_wait3A_184 = arith.constant 0 : i32
    %dma_wait3A_185 = tpu.memref_slice %arg4[%add3A_166, %dma_wait3A_184] : memref<16384x128xf32, #tpu.memory_space<hbm>> -> memref<32x128xf32, #tpu.memory_space<hbm>>
    %dma_wait3A_186 = arith.constant 32 : i32
    %dma_wait3A_187 = arith.constant 0 : i32
    %dma_wait3A_188 = tpu.memref_slice %arg8[%dma_wait3A_179, %dma_wait3A_186, %dma_wait3A_187] : memref<3x64x128xf32, #tpu.memory_space<vmem>> -> memref<1x32x128xf32, #tpu.memory_space<vmem>>
    %dma_wait3A_189 = tpu.memref_squeeze %dma_wait3A_188 : memref<1x32x128xf32, #tpu.memory_space<vmem>> -> memref<32x128xf32, #tpu.memory_space<vmem>>
    %dma_wait3A_190 = arith.constant 0 : i32
    %dma_wait3A_191 = tpu.memref_slice %arg4[%add3A_166, %dma_wait3A_190] : memref<16384x128xf32, #tpu.memory_space<hbm>> -> memref<32x128xf32, #tpu.memory_space<hbm>>
    tpu.wait_dma2 semaphore(%arg14 : memref<!tpu.dma_semaphore, #tpu.memory_space<semaphore_mem>>) src(%dma_wait3A_191 : memref<32x128xf32, #tpu.memory_space<hbm>>) dst(%dma_wait3A_189 : memref<32x128xf32, #tpu.memory_space<vmem>>)
    %parallel_loop3A_192 = arith.constant 32 : i32
    %parallel_loop3A_193 = arith.constant 64 : i32
    %parallel_loop3A_194 = arith.constant 1 : i32
    %parallel_loop3A_195:8 = scf.for %parallel_loop3A_206 = %parallel_loop3A_192 to %parallel_loop3A_193 step %parallel_loop3A_194 iter_args(%parallel_loop3A_207 = %parallel_loop3A_164#0, %parallel_loop3A_208 = %parallel_loop3A_164#1, %parallel_loop3A_209 = %parallel_loop3A_164#2, %parallel_loop3A_210 = %parallel_loop3A_164#3, %parallel_loop3A_211 = %parallel_loop3A_164#4, %parallel_loop3A_212 = %parallel_loop3A_164#5, %parallel_loop3A_213 = %parallel_loop3A_164#6, %parallel_loop3A_214 = %parallel_loop3A_164#7) -> (vector<16xf32>, vector<16xf32>, vector<16xf32>, vector<16xf32>, vector<16xf32>, vector<16xf32>, vector<16xf32>, vector<16xf32>)  : i32 {
      %parallel_loop3A_215 = arith.constant 1 : i32
      %parallel_loop3A_216 = arith.index_cast %parallel_loop3A_215 : i32 to index
      %parallel_loop3A_217 = arith.index_cast %parallel_loop3A_206 : i32 to index
      %parallel_loop3A_218 = arith.constant 0 : index
      %parallel_loop3A_219 = tpu.vector_load %arg8[%parallel_loop3A_216, %parallel_loop3A_217, %parallel_loop3A_218] {strides = array<i32>} : memref<3x64x128xf32, #tpu.memory_space<vmem>>, vector<1x1x16xf32>,
      %parallel_loop3A_220 = vector.shape_cast %parallel_loop3A_219 : vector<1x1x16xf32> to vector<16xf32>
      %parallel_loop3A_221 = arith.constant 1 : i32
      %parallel_loop3A_222 = arith.index_cast %parallel_loop3A_221 : i32 to index
      %parallel_loop3A_223 = arith.index_cast %parallel_loop3A_206 : i32 to index
      %parallel_loop3A_224 = arith.constant 0 : index
      %parallel_loop3A_225 = tpu.vector_load %arg7[%parallel_loop3A_222, %parallel_loop3A_223, %parallel_loop3A_224] {strides = array<i32>} : memref<3x64x128xf32, #tpu.memory_space<vmem>>, vector<1x1x16xf32>,
      %parallel_loop3A_226 = vector.shape_cast %parallel_loop3A_225 : vector<1x1x16xf32> to vector<16xf32>
      %parallel_loop3A_227 = arith.subf %parallel_loop3A_220, %parallel_loop3A_226 : vector<16xf32>
      %parallel_loop3A_228 = arith.mulf %parallel_loop3A_227, %parallel_loop3A_227 : vector<16xf32>
      %parallel_loop3A_229 = arith.addf %parallel_loop3A_207, %parallel_loop3A_228 : vector<16xf32>
      %parallel_loop3A_230 = arith.constant 1 : i32
      %parallel_loop3A_231 = arith.index_cast %parallel_loop3A_230 : i32 to index
      %parallel_loop3A_232 = arith.index_cast %parallel_loop3A_206 : i32 to index
      %parallel_loop3A_233 = arith.constant 16 : index
      %parallel_loop3A_234 = tpu.vector_load %arg8[%parallel_loop3A_231, %parallel_loop3A_232, %parallel_loop3A_233] {strides = array<i32>} : memref<3x64x128xf32, #tpu.memory_space<vmem>>, vector<1x1x16xf32>,
      %parallel_loop3A_235 = vector.shape_cast %parallel_loop3A_234 : vector<1x1x16xf32> to vector<16xf32>
      %parallel_loop3A_236 = arith.constant 1 : i32
      %parallel_loop3A_237 = arith.index_cast %parallel_loop3A_236 : i32 to index
      %parallel_loop3A_238 = arith.index_cast %parallel_loop3A_206 : i32 to index
      %parallel_loop3A_239 = arith.constant 16 : index
      %parallel_loop3A_240 = tpu.vector_load %arg7[%parallel_loop3A_237, %parallel_loop3A_238, %parallel_loop3A_239] {strides = array<i32>} : memref<3x64x128xf32, #tpu.memory_space<vmem>>, vector<1x1x16xf32>,
      %parallel_loop3A_241 = vector.shape_cast %parallel_loop3A_240 : vector<1x1x16xf32> to vector<16xf32>
      %parallel_loop3A_242 = arith.subf %parallel_loop3A_235, %parallel_loop3A_241 : vector<16xf32>
      %parallel_loop3A_243 = arith.mulf %parallel_loop3A_242, %parallel_loop3A_242 : vector<16xf32>
      %parallel_loop3A_244 = arith.addf %parallel_loop3A_208, %parallel_loop3A_243 : vector<16xf32>
      %parallel_loop3A_245 = arith.constant 1 : i32
      %parallel_loop3A_246 = arith.index_cast %parallel_loop3A_245 : i32 to index
      %parallel_loop3A_247 = arith.index_cast %parallel_loop3A_206 : i32 to index
      %parallel_loop3A_248 = arith.constant 32 : index
      %parallel_loop3A_249 = tpu.vector_load %arg8[%parallel_loop3A_246, %parallel_loop3A_247, %parallel_loop3A_248] {strides = array<i32>} : memref<3x64x128xf32, #tpu.memory_space<vmem>>, vector<1x1x16xf32>,
      %parallel_loop3A_250 = vector.shape_cast %parallel_loop3A_249 : vector<1x1x16xf32> to vector<16xf32>
      %parallel_loop3A_251 = arith.constant 1 : i32
      %parallel_loop3A_252 = arith.index_cast %parallel_loop3A_251 : i32 to index
      %parallel_loop3A_253 = arith.index_cast %parallel_loop3A_206 : i32 to index
      %parallel_loop3A_254 = arith.constant 32 : index
      %parallel_loop3A_255 = tpu.vector_load %arg7[%parallel_loop3A_252, %parallel_loop3A_253, %parallel_loop3A_254] {strides = array<i32>} : memref<3x64x128xf32, #tpu.memory_space<vmem>>, vector<1x1x16xf32>,
      %parallel_loop3A_256 = vector.shape_cast %parallel_loop3A_255 : vector<1x1x16xf32> to vector<16xf32>
      %parallel_loop3A_257 = arith.subf %parallel_loop3A_250, %parallel_loop3A_256 : vector<16xf32>
      %parallel_loop3A_258 = arith.mulf %parallel_loop3A_257, %parallel_loop3A_257 : vector<16xf32>
      %parallel_loop3A_259 = arith.addf %parallel_loop3A_209, %parallel_loop3A_258 : vector<16xf32>
      %parallel_loop3A_260 = arith.constant 1 : i32
      %parallel_loop3A_261 = arith.index_cast %parallel_loop3A_260 : i32 to index
      %parallel_loop3A_262 = arith.index_cast %parallel_loop3A_206 : i32 to index
      %parallel_loop3A_263 = arith.constant 48 : index
      %parallel_loop3A_264 = tpu.vector_load %arg8[%parallel_loop3A_261, %parallel_loop3A_262, %parallel_loop3A_263] {strides = array<i32>} : memref<3x64x128xf32, #tpu.memory_space<vmem>>, vector<1x1x16xf32>,
      %parallel_loop3A_265 = vector.shape_cast %parallel_loop3A_264 : vector<1x1x16xf32> to vector<16xf32>
      %parallel_loop3A_266 = arith.constant 1 : i32
      %parallel_loop3A_267 = arith.index_cast %parallel_loop3A_266 : i32 to index
      %parallel_loop3A_268 = arith.index_cast %parallel_loop3A_206 : i32 to index
      %parallel_loop3A_269 = arith.constant 48 : index
      %parallel_loop3A_270 = tpu.vector_load %arg7[%parallel_loop3A_267, %parallel_loop3A_268, %parallel_loop3A_269] {strides = array<i32>} : memref<3x64x128xf32, #tpu.memory_space<vmem>>, vector<1x1x16xf32>,
      %parallel_loop3A_271 = vector.shape_cast %parallel_loop3A_270 : vector<1x1x16xf32> to vector<16xf32>
      %parallel_loop3A_272 = arith.subf %parallel_loop3A_265, %parallel_loop3A_271 : vector<16xf32>
      %parallel_loop3A_273 = arith.mulf %parallel_loop3A_272, %parallel_loop3A_272 : vector<16xf32>
      %parallel_loop3A_274 = arith.addf %parallel_loop3A_210, %parallel_loop3A_273 : vector<16xf32>
      %parallel_loop3A_275 = arith.constant 1 : i32
      %parallel_loop3A_276 = arith.index_cast %parallel_loop3A_275 : i32 to index
      %parallel_loop3A_277 = arith.index_cast %parallel_loop3A_206 : i32 to index
      %parallel_loop3A_278 = arith.constant 64 : index
      %parallel_loop3A_279 = tpu.vector_load %arg8[%parallel_loop3A_276, %parallel_loop3A_277, %parallel_loop3A_278] {strides = array<i32>} : memref<3x64x128xf32, #tpu.memory_space<vmem>>, vector<1x1x16xf32>,
      %parallel_loop3A_280 = vector.shape_cast %parallel_loop3A_279 : vector<1x1x16xf32> to vector<16xf32>
      %parallel_loop3A_281 = arith.constant 1 : i32
      %parallel_loop3A_282 = arith.index_cast %parallel_loop3A_281 : i32 to index
      %parallel_loop3A_283 = arith.index_cast %parallel_loop3A_206 : i32 to index
      %parallel_loop3A_284 = arith.constant 64 : index
      %parallel_loop3A_285 = tpu.vector_load %arg7[%parallel_loop3A_282, %parallel_loop3A_283, %parallel_loop3A_284] {strides = array<i32>} : memref<3x64x128xf32, #tpu.memory_space<vmem>>, vector<1x1x16xf32>,
      %parallel_loop3A_286 = vector.shape_cast %parallel_loop3A_285 : vector<1x1x16xf32> to vector<16xf32>
      %parallel_loop3A_287 = arith.subf %parallel_loop3A_280, %parallel_loop3A_286 : vector<16xf32>
      %parallel_loop3A_288 = arith.mulf %parallel_loop3A_287, %parallel_loop3A_287 : vector<16xf32>
      %parallel_loop3A_289 = arith.addf %parallel_loop3A_211, %parallel_loop3A_288 : vector<16xf32>
      %parallel_loop3A_290 = arith.constant 1 : i32
      %parallel_loop3A_291 = arith.index_cast %parallel_loop3A_290 : i32 to index
      %parallel_loop3A_292 = arith.index_cast %parallel_loop3A_206 : i32 to index
      %parallel_loop3A_293 = arith.constant 80 : index
      %parallel_loop3A_294 = tpu.vector_load %arg8[%parallel_loop3A_291, %parallel_loop3A_292, %parallel_loop3A_293] {strides = array<i32>} : memref<3x64x128xf32, #tpu.memory_space<vmem>>, vector<1x1x16xf32>,
      %parallel_loop3A_295 = vector.shape_cast %parallel_loop3A_294 : vector<1x1x16xf32> to vector<16xf32>
      %parallel_loop3A_296 = arith.constant 1 : i32
      %parallel_loop3A_297 = arith.index_cast %parallel_loop3A_296 : i32 to index
      %parallel_loop3A_298 = arith.index_cast %parallel_loop3A_206 : i32 to index
      %parallel_loop3A_299 = arith.constant 80 : index
      %parallel_loop3A_300 = tpu.vector_load %arg7[%parallel_loop3A_297, %parallel_loop3A_298, %parallel_loop3A_299] {strides = array<i32>} : memref<3x64x128xf32, #tpu.memory_space<vmem>>, vector<1x1x16xf32>,
      %parallel_loop3A_301 = vector.shape_cast %parallel_loop3A_300 : vector<1x1x16xf32> to vector<16xf32>
      %parallel_loop3A_302 = arith.subf %parallel_loop3A_295, %parallel_loop3A_301 : vector<16xf32>
      %parallel_loop3A_303 = arith.mulf %parallel_loop3A_302, %parallel_loop3A_302 : vector<16xf32>
      %parallel_loop3A_304 = arith.addf %parallel_loop3A_212, %parallel_loop3A_303 : vector<16xf32>
      %parallel_loop3A_305 = arith.constant 1 : i32
      %parallel_loop3A_306 = arith.index_cast %parallel_loop3A_305 : i32 to index
      %parallel_loop3A_307 = arith.index_cast %parallel_loop3A_206 : i32 to index
      %parallel_loop3A_308 = arith.constant 96 : index
      %parallel_loop3A_309 = tpu.vector_load %arg8[%parallel_loop3A_306, %parallel_loop3A_307, %parallel_loop3A_308] {strides = array<i32>} : memref<3x64x128xf32, #tpu.memory_space<vmem>>, vector<1x1x16xf32>,
      %parallel_loop3A_310 = vector.shape_cast %parallel_loop3A_309 : vector<1x1x16xf32> to vector<16xf32>
      %parallel_loop3A_311 = arith.constant 1 : i32
      %parallel_loop3A_312 = arith.index_cast %parallel_loop3A_311 : i32 to index
      %parallel_loop3A_313 = arith.index_cast %parallel_loop3A_206 : i32 to index
      %parallel_loop3A_314 = arith.constant 96 : index
      %parallel_loop3A_315 = tpu.vector_load %arg7[%parallel_loop3A_312, %parallel_loop3A_313, %parallel_loop3A_314] {strides = array<i32>} : memref<3x64x128xf32, #tpu.memory_space<vmem>>, vector<1x1x16xf32>,
      %parallel_loop3A_316 = vector.shape_cast %parallel_loop3A_315 : vector<1x1x16xf32> to vector<16xf32>
      %parallel_loop3A_317 = arith.subf %parallel_loop3A_310, %parallel_loop3A_316 : vector<16xf32>
      %parallel_loop3A_318 = arith.mulf %parallel_loop3A_317, %parallel_loop3A_317 : vector<16xf32>
      %parallel_loop3A_319 = arith.addf %parallel_loop3A_213, %parallel_loop3A_318 : vector<16xf32>
      %parallel_loop3A_320 = arith.constant 1 : i32
      %parallel_loop3A_321 = arith.index_cast %parallel_loop3A_320 : i32 to index
      %parallel_loop3A_322 = arith.index_cast %parallel_loop3A_206 : i32 to index
      %parallel_loop3A_323 = arith.constant 112 : index
      %parallel_loop3A_324 = tpu.vector_load %arg8[%parallel_loop3A_321, %parallel_loop3A_322, %parallel_loop3A_323] {strides = array<i32>} : memref<3x64x128xf32, #tpu.memory_space<vmem>>, vector<1x1x16xf32>,
      %parallel_loop3A_325 = vector.shape_cast %parallel_loop3A_324 : vector<1x1x16xf32> to vector<16xf32>
      %parallel_loop3A_326 = arith.constant 1 : i32
      %parallel_loop3A_327 = arith.index_cast %parallel_loop3A_326 : i32 to index
      %parallel_loop3A_328 = arith.index_cast %parallel_loop3A_206 : i32 to index
      %parallel_loop3A_329 = arith.constant 112 : index
      %parallel_loop3A_330 = tpu.vector_load %arg7[%parallel_loop3A_327, %parallel_loop3A_328, %parallel_loop3A_329] {strides = array<i32>} : memref<3x64x128xf32, #tpu.memory_space<vmem>>, vector<1x1x16xf32>,
      %parallel_loop3A_331 = vector.shape_cast %parallel_loop3A_330 : vector<1x1x16xf32> to vector<16xf32>
      %parallel_loop3A_332 = arith.subf %parallel_loop3A_325, %parallel_loop3A_331 : vector<16xf32>
      %parallel_loop3A_333 = arith.mulf %parallel_loop3A_332, %parallel_loop3A_332 : vector<16xf32>
      %parallel_loop3A_334 = arith.addf %parallel_loop3A_214, %parallel_loop3A_333 : vector<16xf32>
      scf.yield %parallel_loop3A_229, %parallel_loop3A_244, %parallel_loop3A_259, %parallel_loop3A_274, %parallel_loop3A_289, %parallel_loop3A_304, %parallel_loop3A_319, %parallel_loop3A_334 : vector<16xf32>, vector<16xf32>, vector<16xf32>, vector<16xf32>, vector<16xf32>, vector<16xf32>, vector<16xf32>, vector<16xf32>
    } {sc.loop_unroll_factor = 2 : i64, sc.parallel_access}
    %add3A_196 = arith.addf %parallel_loop3A_195#0, %parallel_loop3A_195#1 : vector<16xf32>
    %add3A_197 = arith.addf %add3A_196, %parallel_loop3A_195#2 : vector<16xf32>
    %add3A_198 = arith.addf %add3A_197, %parallel_loop3A_195#3 : vector<16xf32>
    %add3A_199 = arith.addf %add3A_198, %parallel_loop3A_195#4 : vector<16xf32>
    %add3A_200 = arith.addf %add3A_199, %parallel_loop3A_195#5 : vector<16xf32>
    %add3A_201 = arith.addf %add3A_200, %parallel_loop3A_195#6 : vector<16xf32>
    %add3A_202 = arith.addf %add3A_201, %parallel_loop3A_195#7 : vector<16xf32>
    %swap3A = arith.constant 0 : index
    %swap3A_203 = tpu.vector_load %arg9[%swap3A] {strides = array<i32>} : memref<16xf32, #tpu.memory_space<vmem>>, vector<16xf32>,
    %swap3A_204 = vector.shape_cast %swap3A_203 : vector<16xf32> to vector<16xf32>
    %swap3A_205 = vector.shape_cast %add3A_202 : vector<16xf32> to vector<16xf32>
    tpu.vector_store %arg9[%swap3A], %swap3A_205 {strides = array<i32>} : memref<16xf32, #tpu.memory_space<vmem>>, vector<16xf32>,
    "tpu.region"() ({
      %run_scoped3A = tpu.sem_alloc : memref<!tpu.dma_semaphore, #tpu.memory_space<semaphore_mem>>
      %dma_start3A_206 = arith.constant 0 : i32
      %dma_start3A_207 = tpu.memref_slice %arg5[%add3A, %dma_start3A_206] : memref<32x16xf32, #tpu.memory_space<hbm>> -> memref<1x16xf32, #tpu.memory_space<hbm>>
      %dma_start3A_208 = tpu.memref_squeeze %dma_start3A_207 : memref<1x16xf32, #tpu.memory_space<hbm>> -> memref<16xf32, #tpu.memory_space<hbm>>
      %dma_start3A_209 = arith.constant 0 : i32
      %dma_start3A_210 = tpu.memref_slice %arg5[%add3A, %dma_start3A_209] : memref<32x16xf32, #tpu.memory_space<hbm>> -> memref<1x16xf32, #tpu.memory_space<hbm>>
      %dma_start3A_211 = tpu.memref_squeeze %dma_start3A_210 : memref<1x16xf32, #tpu.memory_space<hbm>> -> memref<16xf32, #tpu.memory_space<hbm>>
      tpu.enqueue_dma source(%arg9 : memref<16xf32, #tpu.memory_space<vmem>>) target(%dma_start3A_211 : memref<16xf32, #tpu.memory_space<hbm>>) target_semaphore(%run_scoped3A : memref<!tpu.dma_semaphore, #tpu.memory_space<semaphore_mem>>)
      %dma_wait3A_212 = arith.constant 0 : i32
      %dma_wait3A_213 = tpu.memref_slice %arg5[%add3A, %dma_wait3A_212] : memref<32x16xf32, #tpu.memory_space<hbm>> -> memref<1x16xf32, #tpu.memory_space<hbm>>
      %dma_wait3A_214 = tpu.memref_squeeze %dma_wait3A_213 : memref<1x16xf32, #tpu.memory_space<hbm>> -> memref<16xf32, #tpu.memory_space<hbm>>
      %dma_wait3A_215 = arith.constant 0 : i32
      %dma_wait3A_216 = tpu.memref_slice %arg5[%add3A, %dma_wait3A_215] : memref<32x16xf32, #tpu.memory_space<hbm>> -> memref<1x16xf32, #tpu.memory_space<hbm>>
      %dma_wait3A_217 = tpu.memref_squeeze %dma_wait3A_216 : memref<1x16xf32, #tpu.memory_space<hbm>> -> memref<16xf32, #tpu.memory_space<hbm>>
      tpu.wait_dma2 semaphore(%run_scoped3A : memref<!tpu.dma_semaphore, #tpu.memory_space<semaphore_mem>>) src(%arg9 : memref<16xf32, #tpu.memory_space<vmem>>) dst(%dma_wait3A_217 : memref<16xf32, #tpu.memory_space<hbm>>)
      tpu.yield
    }) : () -> ()
    return
  }
}

</mosaic_0001>

<sc_bundles>
// kernel: _partial_sums.3.cloned.1.call-start
scs
__scs_entry_jumppad:
0x0: {  	(pc) =	sbr.rel $0x88, $3  }
0x1: {  	(tag) =	ssettag $0x0;
	lr =	simm.s32 $0x1  }
0x2: {  	[smem:$0x3F9E] =	sst lr;
	_ =	strace $0xD0000000  }
0x3: {  	_ = 	snop  }
0x4: {  	_ = 	snop  }
0x5: {  	_ = 	snop  }
0x6: {  	_ = 	snop  }
0x7: {  	_ = 	snop  }
__scs_overlays_trampoline_lowered:
0x8: {  	[smem:$0x3FAD] =	sst s0  }
0x9: {  	[smem:$0x3FAE] =	sst s1  }
0xa: {  	[smem:$0x3FAF] =	sst s2  }
0xb: {  	[smem:$0x3FB0] =	sst s3  }
0xc: {  	[smem:$0x3FB1] =	sst s4  }
0xd: {  	[smem:$0x3FB2] =	sst s5  }
0xe: {  	[smem:$0x3FB3] =	sst s6  }
0xf: {  	[smem:$0x3FB4] =	sst s7  }
0x10: {  	[smem:$0x3FB5] =	sst s8  }
0x11: {  	[smem:$0x3FB6] =	sst s9;
	s0 =	simm.s32 @!p0 $0x0  }
0x12: {  	s1 =	sld [smem:$0x3F9C];
	s0 =	simm.s32 @p0 $0x1  }
0x13: {  	[smem:$0x3FB7] =	sst s0;
	s0 =	simm.s32 @!p1 $0x0  }
0x14: {  	s2 =	sld [smem:$0x3F9B];
	s0 =	simm.s32 @p1 $0x1  }
0x15: {  	[smem:$0x3FB8] =	sst s0;
	s0 =	simm.s32 @!p2 $0x0  }
0x16: {  	s3 =	sld [smem:$0x3FDB];
	s0 =	simm.s32 @p2 $0x1  }
0x17: {  	s4 =	simm.s32 $0x1BF5;
	[smem:$0x3FBA] =	sst s0  }
0x18: {  	s0 =	sld [smem:$0x3F9D];
	_ =	swait.ge [sflag:s4], $0x0  }
0x19: {  	s7 =	sld [smem:$0x3F9E]  }
0x1a: {  	s8 =	sadd.s32 $0xFFFFE003, lr  }
0x1b: {  	s9 =	sadd.s32 $0xFFFFFEF7, lr;
	s5 =	simm.s32 $0xFFFFFFFF;
	p2 =	slt.u32 s8, $0xFFFFF086  }
0x1c: {  	p1 =	slt.u32 s9, $0xF7A;
	s5 =	simm.s32 @!p2 $0x0  }
0x1d: {  	s5 =	simm.s32 @p1 $0x1;
	p0 =	seq.s32 s7, s2  }
0x1e: {  	s7 =	smul.u32 @!p0 $0xF7A, s2;
	p2 =	seq.s32 @!p0 s5, $0x0  }
0x1f: {  	s9 =	smul.u32 $0xF7A, s1;
	s8 =	simm.s32 @!p0 $0x1BF5;
	p2 =	por !p2, p0  }
0x20: {  	[sflag:s8] =	ssyncset.s32 @!p0 $0xFFFFF086;
	s6 =	sadd.s32 @!p0 s3, s7;
	s7 =	simm.s32 @!p0 $0x108  }
0x21: {  	s3 =	sadd.s32 s3, s9;
	s6 =	sadd.s32 @!p0 $0x88, s6;
	s7 =	simm.s32 @p2 $0x1082  }
0x22: {  	[simem:s7], [sflag:s8] =	dma.local @!p0 [hbm:s6], $0xF7A  }
0x23: {  	s9 =	sor.u32 $0xD0000000, s2;
	s6 =	simm.s32 $0x108;
	_ =	swait.ge @!p0 [sflag:s8], $0x0  }
0x24: {  	s3 =	sadd.s32 $0x88, s3;
	s6 =	simm.s32 @!p1 $0x1082;
	[sflag:s4] =	ssyncset.s32 $0xFFFFF086  }
0x25: {  	[simem:s6], [sflag:s4] =	dma.local [hbm:s3], $0xF7A  }
0x26: {  	[smem:$0x3F9E] =	sst s1;
	(tag) =	ssettag s2;
	_ =	strace s9  }
0x27: {  	s1 =	sld [smem:$0x3FAE]  }
0x28: {  	s2 =	sld [smem:$0x3FAF]  }
0x29: {  	s4 =	sld [smem:$0x3FB1]  }
0x2a: {  	p0 =	seq.s32 s5, $0x0;
	s5 =	sld [smem:$0x3FB2]  }
0x2b: {  	s6 =	sld [smem:$0x3FB3]  }
0x2c: {  	s7 =	sld [smem:$0x3FB4]  }
0x2d: {  	s3 =	simm.s32 $0x108;
	s8 =	sld [smem:$0x3FB5]  }
0x2e: {  	s3 =	simm.s32 @!p0 $0x1082;
	s9 =	sld [smem:$0x3FB6]  }
0x2f: {  	lr =	sadd.s32 s0, s3;
	s0 =	sld [smem:$0x3FAD]  }
0x30: {  	s3 =	sld [smem:$0x3FB0]  }
0x31: {  	[smem:$0x3FB9] =	sst s10  }
0x32: {  	s10 =	sld [smem:$0x3FB7];
	_ =	sdelay $0x3  }
0x33: {  	p0 =	seq.s32 s10, $0x1;
	s10 =	sld [smem:$0x3FB9];
	_ =	sdelay $0x3  }
0x34: {  	[smem:$0x3FB9] =	sst s10  }
0x35: {  	s10 =	sld [smem:$0x3FB8];
	_ =	sdelay $0x3  }
0x36: {  	p1 =	seq.s32 s10, $0x1;
	s10 =	sld [smem:$0x3FB9];
	_ =	sdelay $0x3  }
0x37: {  	[smem:$0x3FB9] =	sst s10  }
0x38: {  	s10 =	sld [smem:$0x3FBA]  }
0x39: {  	_ = 	snop;
	(pc) =	sbr.ind lr, $3  }
0x3a: {  	_ = 	snop  }
0x3b: {  	_ = 	snop  }
0x3c: {  	p2 =	seq.s32 s10, $0x1;
	s10 =	sld [smem:$0x3FB9]  }
0x3d: {  	_ =	shalt  }
0x3e: {  	_ =	shalt  }
0x3f: {  	_ =	shalt  }
0x40: {  	_ =	shalt  }
0x41: {  	_ =	shalt  }
0x42: {  	_ =	shalt  }
0x43: {  	_ =	shalt  }
0x44: {  	_ =	shalt  }
0x45: {  	_ =	shalt  }
0x46: {  	_ =	shalt  }
0x47: {  	_ =	shalt  }
0x48: {  	_ =	shalt  }
0x49: {  	_ =	shalt  }
0x4a: {  	_ =	shalt  }
0x4b: {  	_ =	shalt  }
0x4c: {  	_ =	shalt  }
0x4d: {  	_ =	shalt  }
0x4e: {  	_ =	shalt  }
0x4f: {  	_ =	shalt  }
0x50: {  	_ =	shalt  }
0x51: {  	_ =	shalt  }
0x52: {  	_ =	shalt  }
0x53: {  	_ =	shalt  }
0x54: {  	_ =	shalt  }
0x55: {  	_ =	shalt  }
0x56: {  	_ =	shalt  }
0x57: {  	_ =	shalt  }
0x58: {  	_ =	shalt  }
0x59: {  	_ =	shalt  }
0x5a: {  	_ =	shalt  }
0x5b: {  	_ =	shalt  }
0x5c: {  	_ =	shalt  }
0x5d: {  	_ =	shalt  }
0x5e: {  	_ =	shalt  }
0x5f: {  	_ =	shalt  }
0x60: {  	_ =	shalt  }
0x61: {  	_ =	shalt  }
0x62: {  	_ =	shalt  }
0x63: {  	_ =	shalt  }
0x64: {  	_ =	shalt  }
0x65: {  	_ =	shalt  }
0x66: {  	_ =	shalt  }
0x67: {  	_ =	shalt  }
0x68: {  	_ =	shalt  }
0x69: {  	_ =	shalt  }
0x6a: {  	_ =	shalt  }
0x6b: {  	_ =	shalt  }
0x6c: {  	_ =	shalt  }
0x6d: {  	_ =	shalt  }
0x6e: {  	_ =	shalt  }
0x6f: {  	_ =	shalt  }
0x70: {  	_ =	shalt  }
0x71: {  	_ =	shalt  }
0x72: {  	_ =	shalt  }
0x73: {  	_ =	shalt  }
0x74: {  	_ =	shalt  }
0x75: {  	_ =	shalt  }
0x76: {  	_ =	shalt  }
0x77: {  	_ =	shalt  }
0x78: {  	_ =	shalt  }
0x79: {  	_ =	shalt  }
0x7a: {  	_ =	shalt  }
0x7b: {  	_ =	shalt  }
0x7c: {  	_ =	shalt  }
0x7d: {  	_ =	shalt  }
0x7e: {  	_ =	shalt  }
0x7f: {  	_ =	shalt  }
0x80: {  	_ =	shalt  }
0x81: {  	_ =	shalt  }
0x82: {  	_ =	shalt  }
0x83: {  	_ =	shalt  }
0x84: {  	_ =	shalt  }
0x85: {  	_ =	shalt  }
0x86: {  	_ =	shalt  }
0x87: {  	_ =	shalt  }
.Lfunc_end0:
.L_simem_size_0:
called_computation_lowered:
.L_overlay_start_0:
0x88: {  	s2 =	sld [smem:$0x3FD9]  }
0x89: {  	s3 =	sld [smem:$0x3FFE];
	_ =	sdelay $0x1  }
0x8a: {  	s1 =	srdreg.scid  }
0x8b: {  	s0 =	sand.u32 $0x1, s1  }
0x8c: {  	s17 =	sshll.u32 s0, $0xA;
	s2 =	sadd.s32 s3, s2  }
0x8d: {  	s2 =	sadd.s32 s2, s17  }
0x8e: {  	[smem:$0x3FC5] =	sst s2  }
0x8f: {  	_ = 	snop  }
0x90: {  	s2 =	sld [smem:$0x3FC9]  }
0x91: {  	s18 =	sld [smem:$0x3FC8]  }
0x92: {  	s4 =	sld [smem:$0x3FC7];
	(tm) =	ssettm $0x1  }
0x93: {  	s5 =	sld [smem:$0x3FFB];
	_ =	sdelay $0x3  }
0x94: {  	_ =	strace s5  }
0x95: {  	s5 =	sld [smem:$0x3FFC];
	_ =	sdelay $0x3  }
0x96: {  	_ =	strace s5  }
0x97: {  	s5 =	sld [smem:$0x3FFD];
	_ =	sdelay $0x3  }
0x98: {  	_ =	strace s5  }
0x99: {  	_ =	strace $0x8FFFFFFF  }
0x9a: {  	s19 =	sld [smem:$0x3FDB];
	_ =	sdelay $0x1  }
0x9b: {  	s6 =	simm.s32 $_scs_section_size  }
0x9c: {  	s7 =	simm.s32 $_size__tile_overlayer_lowered;
	s8 =	simm.s32 $_tile_overlayer_lowered  }
0x9d: {  	s22 =	simm.s32 $0x1BFF;
	s21 =	sshll.u32 s8, $0x1;
	s5 =	sadd.s32 s6, s19  }
0x9e: {  	s9 =	simm.s32 $0x0;
	s20 =	sshll.u32 s7, $0x1;
	s7 =	sadd.s32 s21, s5  }
0x9f: {  	[timem:s9], [sflag:s22] =	dma.local [hbm:s7], s20  }
0xa0: {  	_ =	swait.ge [sflag:s22], s20  }
0xa1: {  	s6 =	ssub.s32 $0x0, s20;
	[sflag:s22] =	ssyncset.done $0x0  }
0xa2: {  	[sflag:s22] =	ssyncadd.s32 s6;
	_ =	sdelay $0x1  }
0xa3: {  	s23 =	simm.s32 $0x1B8B  }
0xa4: {  	_ =	swait.ge [sflag:s23], $0x1  }
0xa5: {  	[sflag:s23] =	ssyncset.done $0x0  }
0xa6: {  	s25 =	simm.s32 $0x1B8E;
	s24 =	sld [smem:$0x3FFE];
	[sflag:s23] =	ssyncadd.s32 $0xFFFFFFFF  }
0xa7: {  	s26 =	simm.s32 $execute0_lowered;
	[smem:$0x3FD2] =	sst s25  }
0xa8: {  	s7 =	sshll.u32 s26, $0x1;
	_ =	strace $0x80000046;
	[dreg:$0x1] =	wrdreg $0xFFFFFFFF  }
0xa9: {  	s28 =	simm.s32 $_size_execute0_lowered;
	s5 =	sadd.s32 s5, s7;
	[dreg:$0x0] =	wrdreg $0x0  }
0xaa: {  	s7 =	sshll.u32 s28, $0x1;
	[dreg:$0x2] =	wrdreg s5  }
0xab: {  	[dreg:$0x3] =	wrdreg s7  }
0xac: {  	[dreg:$0x4] =	wrdreg $0xC0  }
0xad: {  	_ =	task [dreg:s9], $0x5FFFF  }
0xae: {  	[dreg:$0x1] =	wrdreg $0xFFFFFFFF  }
0xaf: {  	[dreg:$0x0] =	wrdreg $0x60  }
0xb0: {  	[dreg:$0x2] =	wrdreg s2  }
0xb1: {  	[dreg:$0x3] =	wrdreg s18  }
0xb2: {  	[dreg:$0x4] =	wrdreg s4  }
0xb3: {  	[dreg:$0x5] =	wrdreg s24  }
0xb4: {  	[dreg:$0x6] =	wrdreg $0x9  }
0xb5: {  	_ =	task.clear_ibuf [dreg:s9], $0x7FFFF;
	_ =	strace $0x90000046  }
0xb6: {  	s29 =	simm.s32 $0x9;
	_ =	strace $0x80000048  }
0xb7: {  	_ =	swait.ge [sflag:s29], $0x1  }
0xb8: {  	[sflag:s29] =	ssyncadd.s32 $0xFFFFFFFF  }
0xb9: {  	_ =	strace $0x90000048  }
0xba: {  	_ =	sfence  }
0xbb: {  	s30 =	sld [smem:$0x0];
	_ =	sdelay $0x2  }
0xbc: {  	s31 =	sshll.u32 s1, $0xD;
	s1 =	sshrl.u32 s1, $0x2  }
0xbd: {  	s3 =	sand.u32 $0x4000, s31;
	s1 =	sadd.s32 s1, s30  }
0xbe: {  	s0 =	sor.u32 s3, s0;
	s1 =	sshll.u32 s1, $0x11  }
0xbf: {  	s0 =	sor.u32 s1, s0  }
0xc0: {  	s0 =	sadd.s32 $0x8F2B, s0  }
0xc1: {  	[sflag:s0] =	ssyncadd.remote.s32 $0x1  }
0xc2: {  	_ =	sfence.sel $0xFFFF  }
0xc3: {  	[dreg:$0x0] =	wrdreg $0xFFFFFFFF;
	(pc) =	sbr.abs _section_cstart, $3  }
0xc4: {  	[dreg:$0x1] =	wrdreg $0xFFFFFFFF  }
0xc5: {  	_ =	task.clear_ibuf [dreg:s9], $0x2FFFF;
	_ =	strace $0x9FFFFFFF  }
0xc6: {  	(tm) =	ssettm $0x7FFFFFFF  }
0xc7: {  	_ =	shalt  }
tec
execute0_lowered:
.L_overlay_start_1:
0x0: {  	(tag) =	ssettag $0x1  }
0x1: {  	s1 =	rddreg [dreg:$0x0]  }
0x2: {  	s0 =	rddreg [dreg:$0x1]  }
0x3: {  	s3 =	rddreg [dreg:$0x2]  }
0x4: {  	s2 =	rddreg [dreg:$0x3];
	s5 =	srdreg.scid  }
0x5: {  	s7 =	stileid.u32;
	s4 =	simm.s32 $0x0;
	s17 =	simm.s32 $0x7  }
0x6: {  	s18 =	simm.s32 $0x40;
	s19 =	simm.s32 $0x200;
	s20 =	simm.s32 $0x6200  }
0x7: {  	s28 =	simm.s32 $0x2;
	s29 =	simm.s32 $0x5;
	s30 =	simm.s32 $0x3  }
0x8: {  	s31 =	simm.s32 $0x6;
	s6 =	sand.u32 $0x1, s5;
	s23 =	sshll.u32 s7, $0x1  }
0x9: {  	[smem:$0x7FF] =	sst s4;
	s13 =	sadd.s32 $0x1400, s3;
	s7 =	sor.u32 s6, s23  }
0xa: {  	_ =	strace $0x80000047;
	s10 =	sshll.u32 s6, $0x9;
	s24 =	ssub.s32 $0x2, s6  }
0xb: {  	s23 =	simm.s32 $0x4200;
	s5 =	sshll.u32 s7, $0x9;
	s8 =	sshll.u32 s7, $0x4  }
0xc: {  	s26 =	sshrl.u32 s24, $0x1;
	s6 =	sshll.u32 s7, $0xD;
	s9 =	sand.u32 $0x3C00, s5  }
0xd: {  	s2 =	sadd.s32 s8, s2;
	s15 =	ssub.s32 s24, s26;
	s8 =	sadd.s32 s3, s6  }
0xe: {  	s24 =	simm.s32 $0xA200;
	s26 =	simm.s32 $0x4;
	s25 =	sor.u32 s10, s9  }
0xf: {  	s9 =	sadd.s32 $0x400, s8;
	s11 =	sadd.s32 $0x1C00, s8;
	s12 =	sadd.s32 $0x1E00, s8  }
0x10: {  	s14 =	sadd.s32 $0x400, s2;
	s15 =	smax.u32 s15, $0x1;
	s10 =	sshrl.u32 s25, $0x3  }
0x11: {  	s16 =	sadd.s32 $0x1000, s8;
	s2 =	simm.s32 $0x0;
	s0 =	sadd.s32 s0, s10  }
0x12: {  	s25 =	simm.s32 $0x1;
	s10 =	sadd.s32 $0x800, s3;
	[dreg:$0x5] =	wrdreg s0  }
.LBB2_1:
0x13: {  	s0 =	rddreg [dreg:$0x5]  }
0x14: {  	[tilespmem:s4], [sflag:$0x7] =	stream.linear.gather [hbm4b:s0+s4], $0x200, $0x38;
	[tilespmem:$0xC280] =	vst v63  }
0x15: {  	_ =	swait.ge [sflag:s17], $0x200  }
0x16: {  	[sflag:s17] =	ssyncset.done $0x0  }
0x17: {  	[sflag:s17] =	ssyncadd.s32 $0xFFFFFE00  }
0x18: {  	[tilespmem:s19], [sflag:$0x1] =	stream.indirect.gather [hbm4b:s1+s18], $0x80, s4, s18, $0xb8;
	[tilespmem:$0xC280] =	vst v63  }
0x19: {  	_ = 	snop  }
0x1a: {  	[tilespmem:s20], [sflag:$0x4] =	stream.linear.gather [hbm4b:s8+s4], $0x2000, $0x38;
	[tilespmem:$0xC280] =	vst v63  }
0x1b: {  	s21 =	simm.s32 $0x2200  }
0x1c: {  	[tilespmem:s21], [sflag:$0x2] =	stream.indirect.gather [hbm4b:s1+s18], $0x80, s18, s18, $0xb8;
	[tilespmem:$0xC280] =	vst v63  }
0x1d: {  	s22 =	simm.s32 $0x8200;
	v0 =	vimm.f32 $0.0e+00;
	v5 =	vimm.f32 $0.0e+00;
	p1 =	por $0x1, $0x1  }
0x1e: {  	v1 =	vimm.f32 $0.0e+00;
	v2 =	vimm.f32 $0.0e+00;
	v3 =	vimm.f32 $0.0e+00;
	[tilespmem:s22], [sflag:$0x5] =	stream.linear.gather [hbm4b:s9+s4], $0x2000, $0x38;
	[tilespmem:$0xC280] =	vst v63  }
0x1f: {  	v7 =	vimm.f32 $0.0e+00;
	v8 =	vimm.f32 $0.0e+00;
	v6 =	vimm.f32 $0.0e+00;
	s0 =	simm.s32 $0x80;
	s21 =	simm.s32 $0xC0;
	s22 =	smov.u32 s10  }
.LBB2_2:
0x20: {  	[tilespmem:s23], [sflag:$0x3] =	stream.indirect.gather [hbm4b:s1+s18], $0x80, s0, s18, $0xb8;
	[tilespmem:$0xC280] =	vst v63  }
0x21: {  	s22 =	sadd.s32 s6, s22;
	s7 =	simm.s32 $0x0  }
0x22: {  	[tilespmem:s24], [sflag:$0x6] =	stream.linear.gather [hbm4b:s22+s7], $0x2000, $0x38;
	[tilespmem:$0xC280] =	vst v63  }
0x23: {  	_ =	swait.ge [sflag:s25], $0x2000  }
0x24: {  	[sflag:s25] =	ssyncset.done $0x0  }
0x25: {  	[sflag:s25] =	ssyncadd.s32 $0xFFFFE000  }
0x26: {  	_ =	swait.ge [sflag:s26], $0x2000  }
0x27: {  	[sflag:s26] =	ssyncset.done $0x0  }
0x28: {  	s7 =	simm.s32 $0x0;
	[sflag:s26] =	ssyncadd.s32 $0xFFFFE000  }
0x29: {  	v4 =	vld [tilespmem:s7+$0x6270]  }
0x2a: {  	v9 =	vld [tilespmem:s7+$0x270]  }
0x2b: {  	v10 =	vld [tilespmem:s7+$0x6200]  }
0x2c: {  	v11 =	vld [tilespmem:s7+$0x200]  }
0x2d: {  	v12 =	vld [tilespmem:s7+$0x6210]  }
0x2e: {  	v13 =	vld [tilespmem:s7+$0x210]  }
0x2f: {  	v14 =	vld [tilespmem:s7+$0x6220]  }
0x30: {  	v15 =	vld [tilespmem:s7+$0x220]  }
0x31: {  	v16 =	vld [tilespmem:s7+$0x6230]  }
0x32: {  	v17 =	vld [tilespmem:s7+$0x230]  }
0x33: {  	v18 =	vld [tilespmem:s7+$0x6240];
	v4 =	vsub.f32 v4, v9  }
0x34: {  	v19 =	vld [tilespmem:s7+$0x240];
	v10 =	vsub.f32 v10, v11;
	v11 =	vsub.f32 v12, v13  }
0x35: {  	v12 =	vsub.f32 v14, v15;
	v9 =	vld [tilespmem:s7+$0x6250];
	v4 =	vmul.f32 v4, v4  }
0x36: {  	v13 =	vmul.f32 v10, v10;
	v14 =	vmul.f32 v11, v11;
	v11 =	vld [tilespmem:s7+$0x250]  }
0x37: {  	v16 =	vsub.f32 v16, v17;
	v15 =	vmul.f32 v12, v12;
	v10 =	vld [tilespmem:s7+$0x6260];
	v4 =	vadd.f32 v4, v5  }
0x38: {  	s22 =	simm.s32 $0x80;
	v12 =	vld [tilespmem:s7+$0x260];
	v5 =	vadd.f32 v13, v6;
	v6 =	vadd.f32 v14, v8  }
0x39: {  	p0 =	por p1, p1;
	s0 =	simm.s32 $0x400;
	v8 =	vld [tilespmem:s22+$0x6270];
	v7 =	vadd.f32 v15, v7;
	v13 =	vmul.f32 v16, v16;
	v14 =	vsub.f32 v18, v19  }
.LBB2_3:
0x3a: {  	p1 =	sne.s32 s0, $0x7E00;
	v15 =	vld [tilespmem:s22+$0x270]  }
0x3b: {  	v16 =	vld [tilespmem:s22+$0x6200];
	v3 =	vadd.f32 v13, v3;
	v13 =	vmul.f32 v14, v14;
	v9 =	vsub.f32 v9, v11  }
0x3c: {  	v11 =	vld [tilespmem:s22+$0x200]  }
0x3d: {  	v14 =	vld [tilespmem:s22+$0x6210];
	v2 =	vadd.f32 v13, v2;
	v9 =	vmul.f32 v9, v9;
	v10 =	vsub.f32 v10, v12  }
0x3e: {  	v12 =	vld [tilespmem:s22+$0x210]  }
0x3f: {  	v13 =	vld [tilespmem:s22+$0x6220];
	v8 =	vsub.f32 v8, v15;
	v1 =	vadd.f32 v9, v1;
	v9 =	vmul.f32 v10, v10  }
0x40: {  	v10 =	vld [tilespmem:s22+$0x220]  }
0x41: {  	v11 =	vsub.f32 v16, v11;
	v15 =	vld [tilespmem:s22+$0x6230];
	v8 =	vmul.f32 v8, v8;
	v0 =	vadd.f32 v9, v0  }
0x42: {  	v16 =	vld [tilespmem:s22+$0x230]  }
0x43: {  	v9 =	vmul.f32 v11, v11;
	v11 =	vsub.f32 v14, v12;
	v14 =	vld [tilespmem:s22+$0x6240];
	v4 =	vadd.f32 v8, v4  }
0x44: {  	v17 =	vld [tilespmem:s22+$0x240]  }
.Ltmp0:
0x45: {  	v5 =	vadd.f32 v9, v5;
	v8 =	vmul.f32 v11, v11;
	v10 =	vsub.f32 v13, v10;
	v9 =	vld [tilespmem:s22+$0x6250];
	(pc) =	sbr.rel @p1 .LBB2_3-.Ltmp0, $4  }
0x46: {  	v11 =	vld [tilespmem:s22+$0x250]  }
0x47: {  	v6 =	vadd.f32 v8, v6;
	v13 =	vmul.f32 v10, v10;
	v15 =	vsub.f32 v15, v16;
	v10 =	vld [tilespmem:s22+$0x6260]  }
0x48: {  	v12 =	vld [tilespmem:s22+$0x260];
	s22 =	sshra.s32 s0, $0x2  }
0x49: {  	s0 =	sadd.s32 $0x200, s0;
	v8 =	vld [tilespmem:s22+$0x6270];
	v7 =	vadd.f32 v13, v7;
	v13 =	vmul.f32 v15, v15;
	v14 =	vsub.f32 v14, v17  }
0x4a: {  	v15 =	vld [tilespmem:s22+$0x270]  }
0x4b: {  	v16 =	vld [tilespmem:s22+$0x6200]  }
0x4c: {  	v17 =	vld [tilespmem:s22+$0x200]  }
0x4d: {  	v18 =	vld [tilespmem:s22+$0x6210]  }
0x4e: {  	v19 =	vld [tilespmem:s22+$0x210]  }
0x4f: {  	v20 =	vld [tilespmem:s22+$0x6220]  }
0x50: {  	v21 =	vld [tilespmem:s22+$0x220]  }
0x51: {  	v22 =	vld [tilespmem:s22+$0x6230]  }
0x52: {  	v23 =	vld [tilespmem:s22+$0x230]  }
0x53: {  	v24 =	vld [tilespmem:s22+$0x6240]  }
0x54: {  	v25 =	vld [tilespmem:s22+$0x240]  }
0x55: {  	v26 =	vld [tilespmem:s22+$0x6250]  }
0x56: {  	v27 =	vld [tilespmem:s22+$0x250]  }
0x57: {  	v28 =	vld [tilespmem:s22+$0x6260]  }
0x58: {  	v29 =	vld [tilespmem:s22+$0x260];
	s0 =	sand.u32 $0x1C0, s21;
	s22 =	sor.u32 s5, s21  }
0x59: {  	[tilespmem:s19], [sflag:$0x1] =	stream.indirect.gather [hbm4b:s1+s18], $0x80, s0, s18, $0xb8;
	[tilespmem:$0xC280] =	vst v63  }
0x5a: {  	s0 =	sshll.u32 s22, $0x4  }
0x5b: {  	s7 =	simm.s32 $0x0;
	s0 =	sadd.s32 s3, s0  }
0x5c: {  	[tilespmem:s20], [sflag:$0x4] =	stream.linear.gather [hbm4b:s0+s7], $0x2000, $0x38;
	[tilespmem:$0xC280] =	vst v63  }
0x5d: {  	_ =	swait.ge [sflag:s28], $0x2000  }
0x5e: {  	[sflag:s28] =	ssyncset.done $0x0  }
0x5f: {  	[sflag:s28] =	ssyncadd.s32 $0xFFFFE000  }
0x60: {  	_ =	swait.ge [sflag:s29], $0x2000  }
0x61: {  	v9 =	vsub.f32 v9, v11;
	[sflag:s29] =	ssyncset.done $0x0  }
0x62: {  	v11 =	vmul.f32 v14, v14;
	s22 =	simm.s32 $0x0;
	[sflag:s29] =	ssyncadd.s32 $0xFFFFE000  }
0x63: {  	v9 =	vmul.f32 v9, v9;
	v10 =	vsub.f32 v10, v12;
	v12 =	vld [tilespmem:s22+$0x8270]  }
0x64: {  	v3 =	vadd.f32 v13, v3;
	v2 =	vadd.f32 v11, v2;
	v11 =	vld [tilespmem:s22+$0x2270]  }
0x65: {  	v8 =	vsub.f32 v8, v15;
	v1 =	vadd.f32 v9, v1;
	v9 =	vmul.f32 v10, v10;
	v10 =	vld [tilespmem:s22+$0x8200]  }
0x66: {  	v13 =	vsub.f32 v16, v17;
	v14 =	vsub.f32 v18, v19;
	v15 =	vld [tilespmem:s22+$0x2200]  }
0x67: {  	v9 =	vadd.f32 v9, v0;
	v0 =	vmul.f32 v8, v8;
	v8 =	vsub.f32 v20, v21;
	v55 =	vld [tilespmem:s22+$0x8210]  }
0x68: {  	v56 =	vsub.f32 v22, v23;
	v13 =	vmul.f32 v13, v13;
	v14 =	vmul.f32 v14, v14;
	v57 =	vld [tilespmem:s22+$0x2210]  }
0x69: {  	v58 =	vadd.f32 v0, v4;
	v0 =	vmul.f32 v8, v8;
	v4 =	vsub.f32 v24, v25;
	v8 =	vld [tilespmem:s22+$0x8220]  }
0x6a: {  	v5 =	vadd.f32 v13, v5;
	v13 =	vadd.f32 v14, v6;
	v6 =	vmul.f32 v56, v56;
	v14 =	vld [tilespmem:s22+$0x2220]  }
0x6b: {  	v60 =	vld [tilespmem:s22+$0x8230];
	v59 =	vadd.f32 v0, v7;
	v4 =	vmul.f32 v4, v4;
	v7 =	vsub.f32 v26, v27  }
0x6c: {  	v61 =	vld [tilespmem:s22+$0x2230];
	v0 =	vadd.f32 v6, v3;
	v3 =	vsub.f32 v28, v29  }
0x6d: {  	v62 =	vld [tilespmem:s22+$0x8240];
	v4 =	vadd.f32 v4, v2;
	v2 =	vmul.f32 v7, v7;
	v6 =	vsub.f32 v12, v11  }
0x6e: {  	v3 =	vmul.f32 v3, v3;
	v10 =	vsub.f32 v10, v15;
	v11 =	vsub.f32 v55, v57;
	v15 =	vld [tilespmem:s22+$0x2240]  }
0x6f: {  	v7 =	vadd.f32 v2, v1;
	v2 =	vsub.f32 v8, v14;
	v8 =	vld [tilespmem:s22+$0x8250];
	v1 =	vmul.f32 v6, v6  }
0x70: {  	v6 =	vadd.f32 v3, v9;
	v3 =	vmul.f32 v10, v10;
	v10 =	vmul.f32 v11, v11;
	v11 =	vld [tilespmem:s22+$0x2250]  }
0x71: {  	v63 =	vsub.f32 v60, v61;
	v12 =	vld [tilespmem:s22+$0x2260];
	v14 =	vmul.f32 v2, v2;
	v1 =	vadd.f32 v1, v58  }
0x72: {  	s21 =	simm.s32 $0x80;
	v9 =	vld [tilespmem:s22+$0x8260];
	v2 =	vadd.f32 v3, v5;
	v3 =	vadd.f32 v10, v13  }
0x73: {  	s0 =	simm.s32 $0x400;
	v10 =	vld [tilespmem:s21+$0x8270];
	v5 =	vadd.f32 v14, v59;
	v13 =	vmul.f32 v63, v63;
	v14 =	vsub.f32 v62, v15  }
.LBB2_5:
0x74: {  	p1 =	sne.s32 s0, $0x7E00;
	v15 =	vld [tilespmem:s21+$0x2270]  }
0x75: {  	v16 =	vld [tilespmem:s21+$0x8200];
	v0 =	vadd.f32 v13, v0;
	v13 =	vmul.f32 v14, v14;
	v8 =	vsub.f32 v8, v11  }
0x76: {  	v11 =	vld [tilespmem:s21+$0x2200]  }
0x77: {  	v14 =	vld [tilespmem:s21+$0x8210];
	v4 =	vadd.f32 v13, v4;
	v8 =	vmul.f32 v8, v8;
	v9 =	vsub.f32 v9, v12  }
0x78: {  	v12 =	vld [tilespmem:s21+$0x2210]  }
0x79: {  	v13 =	vld [tilespmem:s21+$0x8220];
	v10 =	vsub.f32 v10, v15;
	v7 =	vadd.f32 v8, v7;
	v8 =	vmul.f32 v9, v9  }
0x7a: {  	v9 =	vld [tilespmem:s21+$0x2220]  }
0x7b: {  	v11 =	vsub.f32 v16, v11;
	v15 =	vld [tilespmem:s21+$0x8230];
	v10 =	vmul.f32 v10, v10;
	v6 =	vadd.f32 v8, v6  }
0x7c: {  	v16 =	vld [tilespmem:s21+$0x2230]  }
0x7d: {  	v8 =	vmul.f32 v11, v11;
	v11 =	vsub.f32 v14, v12;
	v14 =	vld [tilespmem:s21+$0x8240];
	v1 =	vadd.f32 v10, v1  }
0x7e: {  	v17 =	vld [tilespmem:s21+$0x2240]  }
.Ltmp1:
0x7f: {  	v2 =	vadd.f32 v8, v2;
	v10 =	vmul.f32 v11, v11;
	v9 =	vsub.f32 v13, v9;
	v8 =	vld [tilespmem:s21+$0x8250];
	(pc) =	sbr.rel @p1 .LBB2_5-.Ltmp1, $4  }
0x80: {  	v11 =	vld [tilespmem:s21+$0x2250]  }
0x81: {  	v3 =	vadd.f32 v10, v3;
	v13 =	vmul.f32 v9, v9;
	v15 =	vsub.f32 v15, v16;
	v9 =	vld [tilespmem:s21+$0x8260]  }
0x82: {  	v12 =	vld [tilespmem:s21+$0x2260];
	s21 =	sshra.s32 s0, $0x2  }
0x83: {  	s0 =	sadd.s32 $0x200, s0;
	v10 =	vld [tilespmem:s21+$0x8270];
	v5 =	vadd.f32 v13, v5;
	v13 =	vmul.f32 v15, v15;
	v14 =	vsub.f32 v14, v17  }
0x84: {  	v15 =	vld [tilespmem:s21+$0x2270]  }
0x85: {  	v16 =	vld [tilespmem:s21+$0x8200]  }
0x86: {  	v17 =	vld [tilespmem:s21+$0x2200]  }
0x87: {  	v18 =	vld [tilespmem:s21+$0x8210]  }
0x88: {  	v19 =	vld [tilespmem:s21+$0x2210]  }
0x89: {  	v20 =	vld [tilespmem:s21+$0x8220]  }
0x8a: {  	v21 =	vld [tilespmem:s21+$0x2220]  }
0x8b: {  	v22 =	vld [tilespmem:s21+$0x8230]  }
0x8c: {  	v23 =	vld [tilespmem:s21+$0x2230]  }
0x8d: {  	v24 =	vld [tilespmem:s21+$0x8240]  }
0x8e: {  	v25 =	vld [tilespmem:s21+$0x2240]  }
0x8f: {  	v26 =	vld [tilespmem:s21+$0x8250]  }
0x90: {  	v27 =	vld [tilespmem:s21+$0x2250]  }
0x91: {  	v28 =	vld [tilespmem:s21+$0x8260]  }
0x92: {  	v29 =	vld [tilespmem:s21+$0x2260];
	s0 =	simm.s32 @!p0 $0x20;
	s21 =	simm.s32 @!p0 $0x1C0;
	s22 =	simm.s32 @!p0 $0x2200  }
0x93: {  	[tilespmem:s22], [sflag:$0x2] =	stream.indirect.gather @!p0 [hbm4b:s1+s0], $0x80, s21, s0, $0xb8;
	[tilespmem:$0xC280] =	vst v63  }
0x94: {  	s21 =	simm.s32 @!p0 $0x0;
	s22 =	simm.s32 @!p0 $0x8200  }
0x95: {  	[tilespmem:s22], [sflag:$0x5] =	stream.linear.gather @!p0 [hbm4b:s11+s21], $0x1000, $0x38;
	[tilespmem:$0xC280] =	vst v63  }
0x96: {  	s7 =	simm.s32 @!p0 $0x3200;
	s22 =	simm.s32 @!p0 $0x1E0  }
0x97: {  	[tilespmem:s7], [sflag:$0x2] =	stream.indirect.gather @!p0 [hbm4b:s1+s0], $0x80, s22, s0, $0xb8;
	[tilespmem:$0xC280] =	vst v63  }
0x98: {  	s0 =	simm.s32 @!p0 $0x9200  }
0x99: {  	[tilespmem:s0], [sflag:$0x5] =	stream.linear.gather @!p0 [hbm4b:s12+s21], $0x1000, $0x38;
	[tilespmem:$0xC280] =	vst v63  }
0x9a: {  	s7 =	simm.s32 @p0 $0x100;
	s0 =	simm.s32 @p0 $0x40;
	s21 =	simm.s32 @p0 $0x2200  }
0x9b: {  	[tilespmem:s21], [sflag:$0x2] =	stream.indirect.gather @p0 [hbm4b:s1+s0], $0x80, s7, s0, $0xb8;
	[tilespmem:$0xC280] =	vst v63  }
0x9c: {  	s0 =	simm.s32 @p0 $0x0;
	s7 =	simm.s32 @p0 $0x8200  }
0x9d: {  	[tilespmem:s7], [sflag:$0x5] =	stream.linear.gather @p0 [hbm4b:s16+s0], $0x2000, $0x38;
	[tilespmem:$0xC280] =	vst v63  }
0x9e: {  	_ =	swait.ge [sflag:s30], $0x2000  }
0x9f: {  	[sflag:s30] =	ssyncset.done $0x0  }
0xa0: {  	[sflag:s30] =	ssyncadd.s32 $0xFFFFE000  }
0xa1: {  	_ =	swait.ge [sflag:s31], $0x2000  }
0xa2: {  	v8 =	vsub.f32 v8, v11;
	[sflag:s31] =	ssyncset.done $0x0  }
0xa3: {  	v11 =	vmul.f32 v14, v14;
	s22 =	simm.s32 $0x0;
	[sflag:s31] =	ssyncadd.s32 $0xFFFFE000  }
0xa4: {  	v8 =	vmul.f32 v8, v8;
	v9 =	vsub.f32 v9, v12;
	v12 =	vld [tilespmem:s22+$0xA270]  }
0xa5: {  	v0 =	vadd.f32 v13, v0;
	v4 =	vadd.f32 v11, v4;
	v11 =	vld [tilespmem:s22+$0x4270]  }
0xa6: {  	v10 =	vsub.f32 v10, v15;
	v7 =	vadd.f32 v8, v7;
	v8 =	vmul.f32 v9, v9;
	v9 =	vld [tilespmem:s22+$0xA200]  }
0xa7: {  	v13 =	vsub.f32 v16, v17;
	v14 =	vsub.f32 v18, v19;
	v15 =	vld [tilespmem:s22+$0x4200]  }
0xa8: {  	v6 =	vadd.f32 v8, v6;
	v8 =	vmul.f32 v10, v10;
	v10 =	vsub.f32 v20, v21;
	v56 =	vld [tilespmem:s22+$0xA210]  }
0xa9: {  	v57 =	vsub.f32 v22, v23;
	v13 =	vmul.f32 v13, v13;
	v14 =	vmul.f32 v14, v14;
	v58 =	vld [tilespmem:s22+$0x4210]  }
0xaa: {  	v59 =	vadd.f32 v8, v1;
	v1 =	vmul.f32 v10, v10;
	v8 =	vsub.f32 v24, v25;
	v10 =	vld [tilespmem:s22+$0xA220]  }
0xab: {  	v13 =	vadd.f32 v13, v2;
	v3 =	vadd.f32 v14, v3;
	v2 =	vmul.f32 v57, v57;
	v14 =	vld [tilespmem:s22+$0x4220]  }
0xac: {  	v60 =	vadd.f32 v1, v5;
	v1 =	vmul.f32 v8, v8;
	v5 =	vsub.f32 v26, v27;
	v61 =	vld [tilespmem:s22+$0xA230]  }
0xad: {  	v0 =	vadd.f32 v2, v0;
	v2 =	vsub.f32 v28, v29;
	v62 =	vld [tilespmem:s22+$0x4230]  }
0xae: {  	v1 =	vadd.f32 v1, v4;
	v4 =	vmul.f32 v5, v5;
	v63 =	vld [tilespmem:s22+$0xA240];
	v5 =	vsub.f32 v12, v11  }
0xaf: {  	v9 =	vsub.f32 v9, v15;
	v11 =	vmul.f32 v2, v2;
	v12 =	vsub.f32 v56, v58;
	v15 =	vld [tilespmem:s22+$0x4240]  }
0xb0: {  	v8 =	vld [tilespmem:s22+$0xA250];
	v2 =	vadd.f32 v4, v7;
	v7 =	vsub.f32 v10, v14;
	v4 =	vmul.f32 v5, v5  }
0xb1: {  	v5 =	vadd.f32 v11, v6;
	v11 =	vmul.f32 v9, v9;
	v12 =	vmul.f32 v12, v12;
	v9 =	vld [tilespmem:s22+$0x4250]  }
0xb2: {  	v14 =	vsub.f32 v61, v62;
	v10 =	vld [tilespmem:s22+$0xA260];
	v6 =	vadd.f32 v4, v59;
	v4 =	vmul.f32 v7, v7  }
0xb3: {  	s21 =	simm.s32 $0x80;
	v7 =	vadd.f32 v11, v13;
	v3 =	vadd.f32 v12, v3;
	v12 =	vld [tilespmem:s22+$0x4260]  }
0xb4: {  	s0 =	simm.s32 $0x400;
	v11 =	vld [tilespmem:s21+$0xA270];
	v13 =	vmul.f32 v14, v14;
	v14 =	vsub.f32 v63, v15;
	v4 =	vadd.f32 v4, v60  }
.LBB2_7:
0xb5: {  	p1 =	sne.s32 s0, $0x7E00;
	v15 =	vld [tilespmem:s21+$0x4270]  }
0xb6: {  	v16 =	vld [tilespmem:s21+$0xA200];
	v0 =	vadd.f32 v13, v0;
	v13 =	vmul.f32 v14, v14;
	v8 =	vsub.f32 v8, v9  }
0xb7: {  	v9 =	vld [tilespmem:s21+$0x4200]  }
0xb8: {  	v14 =	vld [tilespmem:s21+$0xA210];
	v1 =	vadd.f32 v13, v1;
	v8 =	vmul.f32 v8, v8;
	v10 =	vsub.f32 v10, v12  }
0xb9: {  	v12 =	vld [tilespmem:s21+$0x4210]  }
0xba: {  	v13 =	vld [tilespmem:s21+$0xA220];
	v11 =	vsub.f32 v11, v15;
	v2 =	vadd.f32 v8, v2;
	v8 =	vmul.f32 v10, v10  }
0xbb: {  	v10 =	vld [tilespmem:s21+$0x4220]  }
0xbc: {  	v9 =	vsub.f32 v16, v9;
	v15 =	vld [tilespmem:s21+$0xA230];
	v11 =	vmul.f32 v11, v11;
	v5 =	vadd.f32 v8, v5  }
0xbd: {  	v16 =	vld [tilespmem:s21+$0x4230]  }
0xbe: {  	v8 =	vmul.f32 v9, v9;
	v9 =	vsub.f32 v14, v12;
	v14 =	vld [tilespmem:s21+$0xA240];
	v6 =	vadd.f32 v11, v6  }
0xbf: {  	v17 =	vld [tilespmem:s21+$0x4240]  }
.Ltmp2:
0xc0: {  	v7 =	vadd.f32 v8, v7;
	v11 =	vmul.f32 v9, v9;
	v10 =	vsub.f32 v13, v10;
	v8 =	vld [tilespmem:s21+$0xA250];
	(pc) =	sbr.rel @p1 .LBB2_7-.Ltmp2, $4  }
0xc1: {  	v9 =	vld [tilespmem:s21+$0x4250]  }
0xc2: {  	v3 =	vadd.f32 v11, v3;
	v13 =	vmul.f32 v10, v10;
	v15 =	vsub.f32 v15, v16;
	v10 =	vld [tilespmem:s21+$0xA260]  }
0xc3: {  	v12 =	vld [tilespmem:s21+$0x4260];
	s21 =	sshra.s32 s0, $0x2  }
0xc4: {  	s0 =	sadd.s32 $0x200, s0;
	v11 =	vld [tilespmem:s21+$0xA270];
	v4 =	vadd.f32 v13, v4;
	v13 =	vmul.f32 v15, v15;
	v14 =	vsub.f32 v14, v17  }
0xc5: {  	v15 =	vld [tilespmem:s21+$0x4270]  }
0xc6: {  	v16 =	vld [tilespmem:s21+$0xA200]  }
0xc7: {  	v17 =	vld [tilespmem:s21+$0x4200]  }
0xc8: {  	v18 =	vld [tilespmem:s21+$0xA210]  }
0xc9: {  	v19 =	vld [tilespmem:s21+$0x4210]  }
0xca: {  	v20 =	vld [tilespmem:s21+$0xA220]  }
0xcb: {  	v21 =	vld [tilespmem:s21+$0x4220]  }
0xcc: {  	v22 =	vld [tilespmem:s21+$0xA230]  }
0xcd: {  	v23 =	vld [tilespmem:s21+$0x4230]  }
0xce: {  	v24 =	vld [tilespmem:s21+$0xA240]  }
0xcf: {  	v25 =	vld [tilespmem:s21+$0x4240]  }
0xd0: {  	v59 =	vld [tilespmem:s21+$0x4250];
	v8 =	vsub.f32 v8, v9  }
0xd1: {  	v61 =	vld [tilespmem:s21+$0xA260];
	v58 =	vmul.f32 v14, v14;
	v9 =	vsub.f32 v10, v12;
	v11 =	vsub.f32 v11, v15  }
0xd2: {  	v62 =	vld [tilespmem:s21+$0x4260];
	v0 =	vadd.f32 v13, v0;
	v8 =	vmul.f32 v8, v8;
	v60 =	vsub.f32 v16, v17  }
0xd3: {  	v10 =	vld [tilespmem:s21+$0xA250];
	v1 =	vadd.f32 v58, v1;
	v9 =	vmul.f32 v9, v9;
	v11 =	vmul.f32 v11, v11  }
0xd4: {  	v63 =	vadd.f32 v8, v2;
	v8 =	vsub.f32 v18, v19;
	v2 =	vmul.f32 v60, v60  }
0xd5: {  	v9 =	vadd.f32 v9, v5;
	v5 =	vadd.f32 v11, v6  }
0xd6: {  	v6 =	vadd.f32 v2, v7;
	v2 =	vsub.f32 v20, v21  }
0xd7: {  	v8 =	vmul.f32 v8, v8;
	v7 =	vsub.f32 v22, v23;
	v11 =	vsub.f32 v24, v25  }
.Ltmp3:
0xd8: {  	v12 =	vsub.f32 v61, v62;
	v10 =	vsub.f32 v10, v59;
	v2 =	vmul.f32 v2, v2;
	(pc) =	sbr.rel @p0 .LBB2_2-.Ltmp3, $4  }
0xd9: {  	v8 =	vadd.f32 v8, v3;
	v3 =	vmul.f32 v7, v7;
	v11 =	vmul.f32 v11, v11  }
0xda: {  	v7 =	vadd.f32 v2, v4;
	v4 =	vmul.f32 v10, v10;
	v10 =	vmul.f32 v12, v12  }
0xdb: {  	p1 =	por $0x0, $0x0;
	v3 =	vadd.f32 v3, v0;
	v2 =	vadd.f32 v11, v1  }
0xdc: {  	s0 =	simm.s32 $0x140;
	s22 =	smov.u32 s13;
	s21 =	simm.s32 $0x180;
	v1 =	vadd.f32 v4, v63;
	v0 =	vadd.f32 v10, v9  }
0xdd: {  	_ =	swait.ge [sflag:s25], $0x2000  }
0xde: {  	[sflag:s25] =	ssyncset.done $0x0  }
0xdf: {  	[sflag:s25] =	ssyncadd.s32 $0xFFFFE000  }
0xe0: {  	_ =	swait.ge [sflag:s26], $0x2000  }
0xe1: {  	[sflag:s26] =	ssyncset.done $0x0  }
0xe2: {  	s0 =	simm.s32 $0x0;
	[sflag:s26] =	ssyncadd.s32 $0xFFFFE000  }
0xe3: {  	v4 =	vld [tilespmem:s0+$0x6270]  }
0xe4: {  	v9 =	vld [tilespmem:s0+$0x270]  }
0xe5: {  	v10 =	vld [tilespmem:s0+$0x6200]  }
0xe6: {  	v11 =	vld [tilespmem:s0+$0x200]  }
0xe7: {  	v12 =	vld [tilespmem:s0+$0x6210]  }
0xe8: {  	v13 =	vld [tilespmem:s0+$0x210]  }
0xe9: {  	v14 =	vld [tilespmem:s0+$0x6220]  }
0xea: {  	v15 =	vld [tilespmem:s0+$0x220]  }
0xeb: {  	v16 =	vld [tilespmem:s0+$0x6230]  }
0xec: {  	v17 =	vld [tilespmem:s0+$0x230]  }
0xed: {  	v18 =	vld [tilespmem:s0+$0x6240];
	v4 =	vsub.f32 v4, v9  }
0xee: {  	v19 =	vld [tilespmem:s0+$0x240];
	v10 =	vsub.f32 v10, v11;
	v11 =	vsub.f32 v12, v13  }
0xef: {  	v12 =	vsub.f32 v14, v15;
	v9 =	vld [tilespmem:s0+$0x6250];
	v4 =	vmul.f32 v4, v4  }
0xf0: {  	v13 =	vmul.f32 v10, v10;
	v14 =	vmul.f32 v11, v11;
	v11 =	vld [tilespmem:s0+$0x250]  }
0xf1: {  	v16 =	vsub.f32 v16, v17;
	v15 =	vmul.f32 v12, v12;
	v10 =	vld [tilespmem:s0+$0x6260];
	v4 =	vadd.f32 v4, v5  }
0xf2: {  	s21 =	simm.s32 $0x80;
	v12 =	vld [tilespmem:s0+$0x260];
	v5 =	vadd.f32 v13, v6;
	v6 =	vadd.f32 v14, v8  }
0xf3: {  	s0 =	simm.s32 $0x400;
	v8 =	vld [tilespmem:s21+$0x6270];
	v7 =	vadd.f32 v15, v7;
	v13 =	vmul.f32 v16, v16;
	v14 =	vsub.f32 v18, v19  }
.LBB2_10:
0xf4: {  	p0 =	sne.s32 s0, $0x7E00;
	v15 =	vld [tilespmem:s21+$0x270]  }
0xf5: {  	v16 =	vld [tilespmem:s21+$0x6200];
	v3 =	vadd.f32 v13, v3;
	v13 =	vmul.f32 v14, v14;
	v9 =	vsub.f32 v9, v11  }
0xf6: {  	v11 =	vld [tilespmem:s21+$0x200]  }
0xf7: {  	v14 =	vld [tilespmem:s21+$0x6210];
	v2 =	vadd.f32 v13, v2;
	v9 =	vmul.f32 v9, v9;
	v10 =	vsub.f32 v10, v12  }
0xf8: {  	v12 =	vld [tilespmem:s21+$0x210]  }
0xf9: {  	v13 =	vld [tilespmem:s21+$0x6220];
	v8 =	vsub.f32 v8, v15;
	v1 =	vadd.f32 v9, v1;
	v9 =	vmul.f32 v10, v10  }
0xfa: {  	v10 =	vld [tilespmem:s21+$0x220]  }
0xfb: {  	v11 =	vsub.f32 v16, v11;
	v15 =	vld [tilespmem:s21+$0x6230];
	v8 =	vmul.f32 v8, v8;
	v0 =	vadd.f32 v9, v0  }
0xfc: {  	v16 =	vld [tilespmem:s21+$0x230]  }
0xfd: {  	v9 =	vmul.f32 v11, v11;
	v11 =	vsub.f32 v14, v12;
	v14 =	vld [tilespmem:s21+$0x6240];
	v4 =	vadd.f32 v8, v4  }
0xfe: {  	v17 =	vld [tilespmem:s21+$0x240]  }
.Ltmp4:
0xff: {  	v5 =	vadd.f32 v9, v5;
	v8 =	vmul.f32 v11, v11;
	v10 =	vsub.f32 v13, v10;
	v9 =	vld [tilespmem:s21+$0x6250];
	(pc) =	sbr.rel @p0 .LBB2_10-.Ltmp4, $4  }
0x100: {  	v11 =	vld [tilespmem:s21+$0x250]  }
0x101: {  	v6 =	vadd.f32 v8, v6;
	v13 =	vmul.f32 v10, v10;
	v15 =	vsub.f32 v15, v16;
	v10 =	vld [tilespmem:s21+$0x6260]  }
0x102: {  	v12 =	vld [tilespmem:s21+$0x260];
	s21 =	sshra.s32 s0, $0x2  }
0x103: {  	s0 =	sadd.s32 $0x200, s0;
	v8 =	vld [tilespmem:s21+$0x6270];
	v7 =	vadd.f32 v13, v7;
	v13 =	vmul.f32 v15, v15;
	v14 =	vsub.f32 v14, v17  }
0x104: {  	v15 =	vld [tilespmem:s21+$0x270]  }
0x105: {  	v16 =	vld [tilespmem:s21+$0x6200]  }
0x106: {  	v17 =	vld [tilespmem:s21+$0x200]  }
0x107: {  	v18 =	vld [tilespmem:s21+$0x6210]  }
0x108: {  	v19 =	vld [tilespmem:s21+$0x210]  }
0x109: {  	v20 =	vld [tilespmem:s21+$0x6220]  }
0x10a: {  	v21 =	vld [tilespmem:s21+$0x220]  }
0x10b: {  	v22 =	vld [tilespmem:s21+$0x6230]  }
0x10c: {  	v23 =	vld [tilespmem:s21+$0x230]  }
0x10d: {  	v24 =	vld [tilespmem:s21+$0x6240]  }
0x10e: {  	v25 =	vld [tilespmem:s21+$0x240]  }
0x10f: {  	v26 =	vld [tilespmem:s21+$0x6250]  }
0x110: {  	v27 =	vld [tilespmem:s21+$0x250]  }
0x111: {  	v28 =	vld [tilespmem:s21+$0x6260]  }
0x112: {  	v29 =	vld [tilespmem:s21+$0x260];
	_ =	swait.ge [sflag:s28], $0x1000  }
0x113: {  	[sflag:s28] =	ssyncset.done $0x0  }
0x114: {  	[sflag:s28] =	ssyncadd.s32 $0xFFFFF000  }
0x115: {  	_ =	swait.ge [sflag:s29], $0x1000  }
0x116: {  	v9 =	vsub.f32 v9, v11;
	[sflag:s29] =	ssyncset.done $0x0  }
0x117: {  	s0 =	simm.s32 $0x0;
	v11 =	vmul.f32 v14, v14;
	[sflag:s29] =	ssyncadd.s32 $0xFFFFF000  }
0x118: {  	v9 =	vmul.f32 v9, v9;
	v10 =	vsub.f32 v10, v12;
	v12 =	vld [tilespmem:s0+$0x8270]  }
0x119: {  	v3 =	vadd.f32 v13, v3;
	v2 =	vadd.f32 v11, v2;
	v11 =	vld [tilespmem:s0+$0x2270]  }
0x11a: {  	v8 =	vsub.f32 v8, v15;
	v1 =	vadd.f32 v9, v1;
	v9 =	vmul.f32 v10, v10;
	v10 =	vld [tilespmem:s0+$0x8200]  }
0x11b: {  	v13 =	vsub.f32 v16, v17;
	v14 =	vsub.f32 v18, v19;
	v15 =	vld [tilespmem:s0+$0x2200]  }
0x11c: {  	v55 =	vld [tilespmem:s0+$0x8210];
	v9 =	vadd.f32 v9, v0;
	v0 =	vmul.f32 v8, v8;
	v8 =	vsub.f32 v20, v21  }
0x11d: {  	v56 =	vsub.f32 v22, v23;
	v57 =	vld [tilespmem:s0+$0x2210];
	v13 =	vmul.f32 v13, v13;
	v14 =	vmul.f32 v14, v14  }
0x11e: {  	v58 =	vadd.f32 v0, v4;
	v0 =	vmul.f32 v8, v8;
	v4 =	vsub.f32 v24, v25;
	v8 =	vld [tilespmem:s0+$0x8220]  }
0x11f: {  	v5 =	vadd.f32 v13, v5;
	v13 =	vadd.f32 v14, v6;
	v6 =	vmul.f32 v56, v56;
	v14 =	vld [tilespmem:s0+$0x2220]  }
0x120: {  	v60 =	vld [tilespmem:s0+$0x8230];
	v59 =	vadd.f32 v0, v7;
	v4 =	vmul.f32 v4, v4;
	v7 =	vsub.f32 v26, v27  }
0x121: {  	v61 =	vld [tilespmem:s0+$0x2230];
	v0 =	vadd.f32 v6, v3;
	v3 =	vsub.f32 v28, v29  }
0x122: {  	v62 =	vld [tilespmem:s0+$0x8240];
	v6 =	vsub.f32 v12, v11;
	v4 =	vadd.f32 v4, v2;
	v2 =	vmul.f32 v7, v7  }
0x123: {  	v10 =	vsub.f32 v10, v15;
	v11 =	vsub.f32 v55, v57;
	v15 =	vld [tilespmem:s0+$0x2240];
	v3 =	vmul.f32 v3, v3  }
0x124: {  	v7 =	vadd.f32 v2, v1;
	v1 =	vmul.f32 v6, v6;
	v2 =	vsub.f32 v8, v14;
	v8 =	vld [tilespmem:s0+$0x8250]  }
0x125: {  	v6 =	vadd.f32 v3, v9;
	v3 =	vmul.f32 v10, v10;
	v10 =	vmul.f32 v11, v11;
	v11 =	vld [tilespmem:s0+$0x2250]  }
0x126: {  	v63 =	vsub.f32 v60, v61;
	v12 =	vld [tilespmem:s0+$0x2260];
	v1 =	vadd.f32 v1, v58;
	v14 =	vmul.f32 v2, v2  }
0x127: {  	s21 =	simm.s32 $0x80;
	v9 =	vld [tilespmem:s0+$0x8260];
	v2 =	vadd.f32 v3, v5;
	v3 =	vadd.f32 v10, v13  }
0x128: {  	s0 =	simm.s32 $0x400;
	v10 =	vld [tilespmem:s21+$0x8270];
	v13 =	vmul.f32 v63, v63;
	v5 =	vadd.f32 v14, v59;
	v14 =	vsub.f32 v62, v15  }
.LBB2_12:
0x129: {  	p0 =	sne.s32 s0, $0x3E00;
	v15 =	vld [tilespmem:s21+$0x2270]  }
0x12a: {  	v16 =	vld [tilespmem:s21+$0x8200];
	v0 =	vadd.f32 v13, v0;
	v13 =	vmul.f32 v14, v14;
	v8 =	vsub.f32 v8, v11  }
0x12b: {  	v11 =	vld [tilespmem:s21+$0x2200]  }
0x12c: {  	v14 =	vld [tilespmem:s21+$0x8210];
	v4 =	vadd.f32 v13, v4;
	v8 =	vmul.f32 v8, v8;
	v9 =	vsub.f32 v9, v12  }
0x12d: {  	v12 =	vld [tilespmem:s21+$0x2210]  }
0x12e: {  	v13 =	vld [tilespmem:s21+$0x8220];
	v10 =	vsub.f32 v10, v15;
	v7 =	vadd.f32 v8, v7;
	v8 =	vmul.f32 v9, v9  }
0x12f: {  	v9 =	vld [tilespmem:s21+$0x2220]  }
0x130: {  	v11 =	vsub.f32 v16, v11;
	v15 =	vld [tilespmem:s21+$0x8230];
	v10 =	vmul.f32 v10, v10;
	v6 =	vadd.f32 v8, v6  }
0x131: {  	v16 =	vld [tilespmem:s21+$0x2230]  }
0x132: {  	v8 =	vmul.f32 v11, v11;
	v11 =	vsub.f32 v14, v12;
	v14 =	vld [tilespmem:s21+$0x8240];
	v1 =	vadd.f32 v10, v1  }
0x133: {  	v17 =	vld [tilespmem:s21+$0x2240]  }
.Ltmp5:
0x134: {  	v2 =	vadd.f32 v8, v2;
	v10 =	vmul.f32 v11, v11;
	v9 =	vsub.f32 v13, v9;
	v8 =	vld [tilespmem:s21+$0x8250];
	(pc) =	sbr.rel @p0 .LBB2_12-.Ltmp5, $4  }
0x135: {  	v11 =	vld [tilespmem:s21+$0x2250]  }
0x136: {  	v3 =	vadd.f32 v10, v3;
	v13 =	vmul.f32 v9, v9;
	v15 =	vsub.f32 v15, v16;
	v9 =	vld [tilespmem:s21+$0x8260]  }
0x137: {  	v12 =	vld [tilespmem:s21+$0x2260];
	s21 =	sshra.s32 s0, $0x2  }
0x138: {  	s0 =	sadd.s32 $0x200, s0;
	v10 =	vld [tilespmem:s21+$0x8270];
	v5 =	vadd.f32 v13, v5;
	v13 =	vmul.f32 v15, v15;
	v14 =	vsub.f32 v14, v17  }
0x139: {  	v15 =	vld [tilespmem:s21+$0x2270]  }
0x13a: {  	v16 =	vld [tilespmem:s21+$0x8200]  }
0x13b: {  	v17 =	vld [tilespmem:s21+$0x2200]  }
0x13c: {  	v18 =	vld [tilespmem:s21+$0x8210]  }
0x13d: {  	v19 =	vld [tilespmem:s21+$0x2210]  }
0x13e: {  	v20 =	vld [tilespmem:s21+$0x8220]  }
0x13f: {  	v21 =	vld [tilespmem:s21+$0x2220]  }
0x140: {  	v22 =	vld [tilespmem:s21+$0x8230]  }
0x141: {  	v23 =	vld [tilespmem:s21+$0x2230]  }
0x142: {  	v24 =	vld [tilespmem:s21+$0x8240]  }
0x143: {  	v25 =	vld [tilespmem:s21+$0x2240]  }
0x144: {  	v26 =	vld [tilespmem:s21+$0x8250]  }
0x145: {  	v27 =	vld [tilespmem:s21+$0x2250]  }
0x146: {  	v28 =	vld [tilespmem:s21+$0x8260]  }
0x147: {  	v29 =	vld [tilespmem:s21+$0x2260];
	_ =	swait.ge [sflag:s28], $0x1000  }
0x148: {  	[sflag:s28] =	ssyncset.done $0x0  }
0x149: {  	[sflag:s28] =	ssyncadd.s32 $0xFFFFF000  }
0x14a: {  	v8 =	vsub.f32 v8, v11;
	_ =	swait.ge [sflag:s29], $0x1000  }
0x14b: {  	v11 =	vmul.f32 v14, v14;
	[sflag:s29] =	ssyncset.done $0x0  }
0x14c: {  	s0 =	simm.s32 $0x0;
	v8 =	vmul.f32 v8, v8;
	v9 =	vsub.f32 v9, v12;
	[sflag:s29] =	ssyncadd.s32 $0xFFFFF000  }
0x14d: {  	v0 =	vadd.f32 v13, v0;
	v11 =	vadd.f32 v11, v4;
	v12 =	vld [tilespmem:s0+$0x9270]  }
0x14e: {  	v4 =	vsub.f32 v10, v15;
	v7 =	vadd.f32 v8, v7;
	v8 =	vmul.f32 v9, v9;
	v13 =	vld [tilespmem:s0+$0x3270]  }
0x14f: {  	v10 =	vsub.f32 v16, v17;
	v14 =	vsub.f32 v18, v19;
	v9 =	vld [tilespmem:s0+$0x9200]  }
0x150: {  	v15 =	vld [tilespmem:s0+$0x3200];
	v6 =	vadd.f32 v8, v6;
	v4 =	vmul.f32 v4, v4;
	v8 =	vsub.f32 v20, v21  }
0x151: {  	v55 =	vsub.f32 v22, v23;
	v54 =	vld [tilespmem:s0+$0x9210];
	v10 =	vmul.f32 v10, v10  }
0x152: {  	v56 =	vld [tilespmem:s0+$0x3210];
	v14 =	vmul.f32 v14, v14;
	v57 =	vadd.f32 v4, v1;
	v1 =	vmul.f32 v8, v8  }
0x153: {  	v4 =	vsub.f32 v24, v25;
	v8 =	vld [tilespmem:s0+$0x9220];
	v58 =	vadd.f32 v10, v2;
	v2 =	vmul.f32 v55, v55  }
0x154: {  	v59 =	vsub.f32 v26, v27;
	v14 =	vadd.f32 v14, v3;
	v10 =	vld [tilespmem:s0+$0x3220]  }
0x155: {  	v60 =	vld [tilespmem:s0+$0x9230];
	v5 =	vadd.f32 v1, v5;
	v1 =	vmul.f32 v4, v4;
	v4 =	vadd.f32 v2, v0  }
0x156: {  	v61 =	vld [tilespmem:s0+$0x3230];
	v0 =	vsub.f32 v28, v29;
	v9 =	vsub.f32 v9, v15  }
0x157: {  	v15 =	vld [tilespmem:s0+$0x3240];
	v3 =	vadd.f32 v1, v11;
	v1 =	vmul.f32 v59, v59;
	v11 =	vsub.f32 v12, v13  }
0x158: {  	v13 =	vld [tilespmem:s0+$0x9240];
	v0 =	vmul.f32 v0, v0;
	v12 =	vsub.f32 v54, v56  }
0x159: {  	v8 =	vsub.f32 v8, v10;
	v10 =	vld [tilespmem:s0+$0x9250];
	v2 =	vadd.f32 v1, v7;
	v7 =	vmul.f32 v11, v11  }
0x15a: {  	v1 =	vadd.f32 v0, v6;
	v6 =	vmul.f32 v9, v9;
	v11 =	vmul.f32 v12, v12;
	v12 =	vld [tilespmem:s0+$0x3250]  }
0x15b: {  	v63 =	vsub.f32 v60, v61;
	v9 =	vld [tilespmem:s0+$0x9260];
	v62 =	vmul.f32 v8, v8;
	v0 =	vadd.f32 v7, v57  }
0x15c: {  	s21 =	simm.s32 $0x80;
	v6 =	vadd.f32 v6, v58;
	v7 =	vadd.f32 v11, v14;
	v11 =	vld [tilespmem:s0+$0x3260]  }
0x15d: {  	v8 =	vld [tilespmem:s21+$0x9270];
	s0 =	simm.s32 $0x400;
	v14 =	vmul.f32 v63, v63;
	v5 =	vadd.f32 v62, v5;
	v13 =	vsub.f32 v13, v15  }
.LBB2_14:
0x15e: {  	p0 =	sne.s32 s0, $0x3E00;
	v15 =	vld [tilespmem:s21+$0x3270]  }
0x15f: {  	v16 =	vld [tilespmem:s21+$0x9200];
	v4 =	vadd.f32 v14, v4;
	v13 =	vmul.f32 v13, v13;
	v10 =	vsub.f32 v10, v12  }
0x160: {  	v12 =	vld [tilespmem:s21+$0x3200]  }
0x161: {  	v14 =	vld [tilespmem:s21+$0x9210];
	v3 =	vadd.f32 v13, v3;
	v10 =	vmul.f32 v10, v10;
	v9 =	vsub.f32 v9, v11  }
0x162: {  	v11 =	vld [tilespmem:s21+$0x3210]  }
0x163: {  	v13 =	vld [tilespmem:s21+$0x9220];
	v8 =	vsub.f32 v8, v15;
	v2 =	vadd.f32 v10, v2;
	v9 =	vmul.f32 v9, v9  }
0x164: {  	v10 =	vld [tilespmem:s21+$0x3220]  }
0x165: {  	v12 =	vsub.f32 v16, v12;
	v15 =	vld [tilespmem:s21+$0x9230];
	v8 =	vmul.f32 v8, v8;
	v1 =	vadd.f32 v9, v1  }
0x166: {  	v9 =	vld [tilespmem:s21+$0x3230]  }
0x167: {  	v12 =	vmul.f32 v12, v12;
	v11 =	vsub.f32 v14, v11;
	v16 =	vld [tilespmem:s21+$0x9240];
	v0 =	vadd.f32 v8, v0  }
0x168: {  	v17 =	vld [tilespmem:s21+$0x3240]  }
.Ltmp6:
0x169: {  	v6 =	vadd.f32 v12, v6;
	v8 =	vmul.f32 v11, v11;
	v11 =	vsub.f32 v13, v10;
	v10 =	vld [tilespmem:s21+$0x9250];
	(pc) =	sbr.rel @p0 .LBB2_14-.Ltmp6, $4  }
0x16a: {  	v12 =	vld [tilespmem:s21+$0x3250]  }
0x16b: {  	v7 =	vadd.f32 v8, v7;
	v13 =	vmul.f32 v11, v11;
	v14 =	vsub.f32 v15, v9;
	v9 =	vld [tilespmem:s21+$0x9260]  }
0x16c: {  	v11 =	vld [tilespmem:s21+$0x3260];
	s21 =	sshra.s32 s0, $0x2  }
0x16d: {  	s0 =	sadd.s32 $0x200, s0;
	v8 =	vld [tilespmem:s21+$0x9270];
	v5 =	vadd.f32 v13, v5;
	v14 =	vmul.f32 v14, v14;
	v13 =	vsub.f32 v16, v17  }
0x16e: {  	v15 =	vld [tilespmem:s21+$0x9200]  }
0x16f: {  	v16 =	vld [tilespmem:s21+$0x3200]  }
0x170: {  	v17 =	vld [tilespmem:s21+$0x9210]  }
0x171: {  	v18 =	vld [tilespmem:s21+$0x3210]  }
0x172: {  	v19 =	vld [tilespmem:s21+$0x9220]  }
0x173: {  	v20 =	vld [tilespmem:s21+$0x3220]  }
0x174: {  	v21 =	vld [tilespmem:s21+$0x9230]  }
0x175: {  	v22 =	vld [tilespmem:s21+$0x3230]  }
0x176: {  	v23 =	vld [tilespmem:s21+$0x9240]  }
0x177: {  	v44 =	vld [tilespmem:s21+$0x3240];
	v15 =	vsub.f32 v15, v16;
	v43 =	vsub.f32 v17, v18  }
0x178: {  	v49 =	vld [tilespmem:s21+$0x9250];
	v4 =	vadd.f32 v14, v4  }
0x179: {  	v51 =	vld [tilespmem:s21+$0x3250];
	v48 =	vsub.f32 v19, v20;
	v46 =	vmul.f32 v15, v15;
	v47 =	vmul.f32 v43, v43  }
0x17a: {  	v53 =	vld [tilespmem:s21+$0x9260];
	v10 =	vsub.f32 v10, v12;
	v45 =	vmul.f32 v13, v13;
	v50 =	vsub.f32 v21, v22  }
0x17b: {  	v55 =	vld [tilespmem:s21+$0x3260];
	v52 =	vmul.f32 v48, v48;
	v6 =	vadd.f32 v46, v6;
	v7 =	vadd.f32 v47, v7  }
0x17c: {  	v3 =	vadd.f32 v45, v3;
	v54 =	vsub.f32 v23, v44  }
0x17d: {  	v56 =	vld [tilespmem:s21+$0x3270];
	v12 =	vmul.f32 v50, v50;
	v5 =	vadd.f32 v52, v5;
	v6 =	vadd.f32 v7, v6  }
0x17e: {  	v9 =	vsub.f32 v9, v11;
	v10 =	vmul.f32 v10, v10;
	v57 =	vsub.f32 v49, v51  }
0x17f: {  	v11 =	vmul.f32 v54, v54;
	v4 =	vadd.f32 v12, v4;
	v5 =	vadd.f32 v5, v6  }
0x180: {  	v2 =	vadd.f32 v10, v2;
	v58 =	vmul.f32 v9, v9;
	v60 =	vsub.f32 v53, v55  }
0x181: {  	v59 =	vmul.f32 v57, v57;
	v3 =	vadd.f32 v11, v3;
	v4 =	vadd.f32 v4, v5  }
0x182: {  	v61 =	vsub.f32 v8, v56;
	v1 =	vadd.f32 v58, v1  }
0x183: {  	v62 =	vmul.f32 v60, v60;
	v2 =	vadd.f32 v59, v2;
	v3 =	vadd.f32 v3, v4;
	_ =	sdelay $0x1  }
0x184: {  	v63 =	vmul.f32 v61, v61;
	v1 =	vadd.f32 v62, v1;
	v2 =	vadd.f32 v2, v3;
	_ =	sdelay $0x1  }
0x185: {  	v0 =	vadd.f32 v63, v0;
	v1 =	vadd.f32 v1, v2;
	_ =	sdelay $0x1  }
0x186: {  	s2 =	sadd.s32 $0x1, s2;
	v0 =	vadd.f32 v0, v1  }
0x187: {  	p0 =	sne.s32 s2, s15  }
.Ltmp7:
0x188: {  	s0 =	simm.s32 $0xC200;
	[tilespmem:$0xC200] =	vst v0;
	(pc) =	sbr.rel @p0 .LBB2_1-.Ltmp7, $4  }
0x189: {  	[hbm4b:s14+s4] =	stream.linear.scatter [tilespmem:s0], [sflag:$0x7], $0x80, $0x38;
	[tilespmem:$0xC280] =	vst v63  }
0x18a: {  	_ =	swait.ge [sflag:s17], $0x80  }
0x18b: {  	[sflag:s17] =	ssyncset.done $0x0  }
0x18c: {  	[sflag:s17] =	ssyncadd.s32 $0xFFFFFF80  }
0x18d: {  	_ =	sfence.sel $0x180000  }
0x18e: {  	[bflag:$0x0] =	sbarrier.arrive $0xFFFF  }
0x18f: {  	_ =	strace $0x90000047  }
0x190: {  	s0 =	stileid.u32;
	[bflag:$0x2] =	sbarrier.arrive $0xFFFF  }
0x191: {  	p0 =	sne.s32 s0, $0x0;
	s0 =	rddreg [dreg:$0x4]  }
0x192: {  	s0 =	sadd.s32 @!p0 $0x100000, s0  }
0x193: {  	[sflag:s0] =	ssyncadd.tile.s32 @!p0 $0x1;
	_ =	shalt  }
.Lfunc_end2:
_tile_overlayer_lowered:
.L_overlay_start_2:
0x194: {  	(tag) =	ssettag $0x2  }
0x195: {  	s0 =	rddreg [dreg:$0x0];
	s2 =	stileid.u32  }
0x196: {  	s1 =	rddreg [dreg:$0x1];
	p0 =	sne.s32 s2, $0x0  }
0x197: {  	s3 =	rddreg [dreg:$0x2];
	[bflag:$0x3] =	sbarrier.arrive $0xFFFF;
	s2 =	simm.s32 @!p0 $0x1C07  }
0x198: {  	[timem:s3], [sflag:s2] =	dma.local @!p0 [hbm:s0], s1  }
0x199: {  	s0 =	simm.s32 @!p0 $0x7  }
0x19a: {  	_ =	swait.ge @!p0 [sflag:s0], s1  }
0x19b: {  	s1 =	ssub.s32 @!p0 $0x0, s1;
	[sflag:s0] =	ssyncset.done @!p0 $0x0  }
0x19c: {  	[sflag:s0] =	ssyncadd.s32 @!p0 s1  }
0x19d: {  	[bflag:$0x3] =	sbarrier.arrive $0xFFFF  }
0x19e: {  	_ =	shalt  }

</sc_bundles>
